<compile_context>
chip_gen: v7x
topology: tpu7x:2x2x1
jax: 0.10.2.dev20260603
libtpu: 0.0.44.dev20260713+nightly
codegen_flags: <defaults>
</compile_context>

<pallas_src>
import functools

import jax
import jax.numpy as jnp
from jax import lax
from jax.experimental import pallas as pl
from jax.experimental.pallas import tpu as pltpu
from jax.experimental.pallas import tpu_sc as plsc

VOCAB = 1000000
N_EMB = 64
BATCH = 16384
HIST = 50

_B_FLAT = BATCH * HIST
_CHUNK = 128
_NW = 32
_TASKS = _B_FLAT // _CHUNK
_TASKS_PER_W = _TASKS // _NW

_NBUF = 5
_DEPTH = 4
_GROUPS = _TASKS_PER_W // _NBUF


def _make_gather():
    mesh = plsc.VectorSubcoreMesh(core_axis_name="c", subcore_axis_name="s")

    @functools.partial(
        pl.kernel,
        mesh=mesh,
        out_type=jax.ShapeDtypeStruct((HIST, 8, BATCH // _CHUNK, 8, _CHUNK),
                                      jnp.float32),
        scratch_types=[
            pltpu.VMEM((_TASKS_PER_W, _CHUNK), jnp.int32),
            pltpu.VMEM((_NBUF, _CHUNK, N_EMB), jnp.float32),
            pltpu.VMEM((_NBUF, 8, 8, _CHUNK + 1), jnp.float32),
            pltpu.SemaphoreType.DMA,
            pltpu.SemaphoreType.DMA,
        ],
        compiler_params=pltpu.CompilerParams(use_tc_tiling_on_sc=False,
                                             needs_layout_passes=False),
    )
    def gather_kernel(table_hbm, idx_hbm, out_hbm, idx_v, rows_v, tiles_v,
                      gsem, osem):
        wid = lax.axis_index("s") * 2 + lax.axis_index("c")
        task0 = wid * _TASKS_PER_W

        pltpu.sync_copy(idx_hbm.at[pl.ds(task0, _TASKS_PER_W)], idx_v)

        for b in range(_DEPTH):
            pltpu.async_copy(table_hbm.at[idx_v.at[b]], rows_v.at[b], gsem)

        def out_slice(task):
            h = task // (BATCH // _CHUNK)
            bb = lax.rem(task, BATCH // _CHUNK)
            return out_hbm.at[h, :, bb, :, :]

        lane = lax.iota(jnp.int32, 16)
        i0 = [lax.shift_right_logical(lane + cc * 16, 3) for cc in range(4)]
        i1 = [lax.bitwise_and(lane + cc * 16, 7) for cc in range(4)]

        def transpose_task(rref, tref):
            @plsc.parallel_loop(0, _CHUNK, unroll=8)
            def _(bl):
                blv = lax.broadcast(bl, (16,))
                vals = [rref[bl, pl.ds(cc * 16, 16)] for cc in range(4)]
                for cc in range(4):
                    plsc.store_scatter(tref, [i0[cc], i1[cc], blv], vals[cc])

        def group(g, _):
            for b in range(_NBUF):
                j = g * _NBUF + b
                task = task0 + j
                gbuf = (b + _DEPTH) % _NBUF

                @pl.when(j + _DEPTH - _NBUF >= 0)
                def _():
                    pltpu.make_async_copy(
                        tiles_v.at[gbuf, :, :, pl.ds(0, _CHUNK)],
                        out_slice(task + _DEPTH - _NBUF), osem).wait()

                @pl.when(j + _DEPTH < _TASKS_PER_W)
                def _():
                    pltpu.async_copy(table_hbm.at[idx_v.at[j + _DEPTH]],
                                     rows_v.at[gbuf], gsem)

                pltpu.make_async_copy(table_hbm.at[idx_v.at[j]],
                                      rows_v.at[b], gsem).wait()
                transpose_task(rows_v.at[b], tiles_v.at[b])
                pltpu.async_copy(tiles_v.at[b, :, :, pl.ds(0, _CHUNK)],
                                 out_slice(task), osem)
            return ()

        lax.fori_loop(0, _GROUPS, group, (), unroll=False)

        for t in range(_TASKS_PER_W + _DEPTH - _NBUF, _TASKS_PER_W):
            pltpu.make_async_copy(tiles_v.at[t % _NBUF, :, :, pl.ds(0, _CHUNK)],
                                  out_slice(task0 + t), osem).wait()

    return gather_kernel


_gather = _make_gather()


def kernel(idx, table):
    idx_t = idx.astype(jnp.int32).T.reshape(_TASKS, _CHUNK)
    out5d = _gather(table, idx_t)
    t1 = jnp.transpose(out5d, (2, 4, 1, 3, 0))
    r1 = t1.reshape(BATCH, N_EMB, HIST)
    return jnp.transpose(r1, (0, 2, 1))

# --- scband reference (transcript-rebuilt; emitter-appended) ---
"""Pipeline reference for scband-word2-vec-33913061769723 (READ-ONLY COPY).

The authoritative reference and input builder live on the scoring server;
editing this copy changes nothing except your own understanding.
"""

import jax, jax.numpy as jnp
import numpy as np

VOCAB = 1000000
N_EMB = 64
PADDING_IDX = 0
BATCH = 16384
HIST = 50


def setup_inputs(seed: int = 0) -> dict:
    key = jax.random.key(seed)
    k_idx, k_w = jax.random.split(key)
    idx = jax.random.randint(k_idx, (BATCH, HIST), 0, VOCAB, dtype=jnp.int64)
    # embedding table initialized uniform(-0.5/n_emb, 0.5/n_emb), padding row zeroed
    bound = 0.5 / N_EMB
    table = jax.random.uniform(k_w, (VOCAB, N_EMB), dtype=jnp.float32, minval=-bound, maxval=bound)
    table = table.at[PADDING_IDX].set(0.0)
    return {"idx": idx, "table": table}


def reference(idx, table):
    # Word2Vec.forward -> forward_vec -> idx2vec(idx): plain embedding lookup
    return jnp.take(table, idx, axis=0)

if __name__ == "__main__":
    import jax
    _d = setup_inputs()
    print(jax.jit(kernel)(*tuple(_d.values())))

</pallas_src>

<mosaic_0001>
#map = affine_map<(d0, d1) -> (0, 0)>
#map1 = affine_map<(d0, d1) -> (0, 0, 0, 0, 0)>
module attributes {stable_mosaic.version = 14 : i64} {
  func.func @gather_kernel(%arg0: i32, %arg1: i32, %arg2: memref<1000000x64xf32, #tpu.memory_space<hbm>>, %arg3: memref<6400x128xi32, #tpu.memory_space<hbm>>, %arg4: memref<50x8x128x8x128xf32, #tpu.memory_space<hbm>>, %arg5: memref<200x128xi32, #tpu.memory_space<vmem>>, %arg6: memref<5x128x64xf32, #tpu.memory_space<vmem>>, %arg7: memref<5x8x8x129xf32, #tpu.memory_space<vmem>>, %arg8: memref<!tpu.dma_semaphore, #tpu.memory_space<semaphore_mem>>, %arg9: memref<!tpu.dma_semaphore, #tpu.memory_space<semaphore_mem>>) attributes {dimension_semantics = [#tpu.dimension_semantics<core_parallel>, #tpu.dimension_semantics<subcore_parallel>], iteration_bounds = array<i64: 2, 16>, scalar_prefetch = 0 : i64, scratch_operands = 5 : i64, tpu.core_type = #tpu.core_type<sc_vector_subcore>, window_params = [{transform_indices = #map}, {transform_indices = #map}, {transform_indices = #map1}]} {
    %mul3A = arith.constant 2 : i32
    %mul3A_0 = arith.muli %arg1, %mul3A : i32
    %add3A = arith.addi %mul3A_0, %arg0 : i32
    %mul3A_1 = arith.constant 200 : i32
    %mul3A_2 = arith.muli %add3A, %mul3A_1 : i32
    "tpu.region"() ({
      %run_scoped3A = tpu.sem_alloc : memref<!tpu.dma_semaphore, #tpu.memory_space<semaphore_mem>>
      %dma_start3A_141 = arith.constant 0 : i32
      %dma_start3A_142 = tpu.memref_slice %arg3[%mul3A_2, %dma_start3A_141] : memref<6400x128xi32, #tpu.memory_space<hbm>> -> memref<200x128xi32, #tpu.memory_space<hbm>>
      %dma_start3A_143 = arith.constant 0 : i32
      %dma_start3A_144 = tpu.memref_slice %arg3[%mul3A_2, %dma_start3A_143] : memref<6400x128xi32, #tpu.memory_space<hbm>> -> memref<200x128xi32, #tpu.memory_space<hbm>>
      tpu.enqueue_dma source(%dma_start3A_144 : memref<200x128xi32, #tpu.memory_space<hbm>>) target(%arg5 : memref<200x128xi32, #tpu.memory_space<vmem>>) target_semaphore(%run_scoped3A : memref<!tpu.dma_semaphore, #tpu.memory_space<semaphore_mem>>)
      %dma_wait3A_145 = arith.constant 0 : i32
      %dma_wait3A_146 = tpu.memref_slice %arg3[%mul3A_2, %dma_wait3A_145] : memref<6400x128xi32, #tpu.memory_space<hbm>> -> memref<200x128xi32, #tpu.memory_space<hbm>>
      %dma_wait3A_147 = arith.constant 0 : i32
      %dma_wait3A_148 = tpu.memref_slice %arg3[%mul3A_2, %dma_wait3A_147] : memref<6400x128xi32, #tpu.memory_space<hbm>> -> memref<200x128xi32, #tpu.memory_space<hbm>>
      tpu.wait_dma2 semaphore(%run_scoped3A : memref<!tpu.dma_semaphore, #tpu.memory_space<semaphore_mem>>) src(%dma_wait3A_148 : memref<200x128xi32, #tpu.memory_space<hbm>>) dst(%arg5 : memref<200x128xi32, #tpu.memory_space<vmem>>)
      tpu.yield
    }) : () -> ()
    %dma_start3A = arith.constant 0 : i32
    %dma_start3A_3 = arith.constant 0 : i32
    %dma_start3A_4 = arith.constant 0 : i32
    %dma_start3A_5 = arith.constant 0 : i32
    %dma_start3A_6 = tpu.memref_slice %arg6[%dma_start3A_3, %dma_start3A_4, %dma_start3A_5] : memref<5x128x64xf32, #tpu.memory_space<vmem>> -> memref<1x128x64xf32, #tpu.memory_space<vmem>>
    %dma_start3A_7 = tpu.memref_squeeze %dma_start3A_6 : memref<1x128x64xf32, #tpu.memory_space<vmem>> -> memref<128x64xf32, #tpu.memory_space<vmem>>
    %dma_start3A_8 = arith.constant 0 : i32
    %dma_start3A_9 = tpu.memref_slice %arg5[%dma_start3A, %dma_start3A_8] : memref<200x128xi32, #tpu.memory_space<vmem>> -> memref<1x128xi32, #tpu.memory_space<vmem>>
    %dma_start3A_10 = tpu.memref_squeeze %dma_start3A_9 : memref<1x128xi32, #tpu.memory_space<vmem>> -> memref<128xi32, #tpu.memory_space<vmem>>
    %dma_start3A_11 = arith.constant 0 : i32
    %dma_start3A_12 = arith.constant 0 : i32
    %dma_start3A_13 = tpu.memref_slice %arg2[%dma_start3A_11, %dma_start3A_12] : memref<1000000x64xf32, #tpu.memory_space<hbm>> -> memref<1000000x64xf32, #tpu.memory_space<hbm>>
    tpu.enqueue_indirect_dma source(%dma_start3A_13 : memref<1000000x64xf32, #tpu.memory_space<hbm>>) target(%dma_start3A_7 : memref<128x64xf32, #tpu.memory_space<vmem>>) offsets(%dma_start3A_10 : memref<128xi32, #tpu.memory_space<vmem>>) semaphore(%arg8 : memref<!tpu.dma_semaphore, #tpu.memory_space<semaphore_mem>>)
    %dma_start3A_14 = arith.constant 1 : i32
    %dma_start3A_15 = arith.constant 1 : i32
    %dma_start3A_16 = arith.constant 0 : i32
    %dma_start3A_17 = arith.constant 0 : i32
    %dma_start3A_18 = tpu.memref_slice %arg6[%dma_start3A_15, %dma_start3A_16, %dma_start3A_17] : memref<5x128x64xf32, #tpu.memory_space<vmem>> -> memref<1x128x64xf32, #tpu.memory_space<vmem>>
    %dma_start3A_19 = tpu.memref_squeeze %dma_start3A_18 : memref<1x128x64xf32, #tpu.memory_space<vmem>> -> memref<128x64xf32, #tpu.memory_space<vmem>>
    %dma_start3A_20 = arith.constant 0 : i32
    %dma_start3A_21 = tpu.memref_slice %arg5[%dma_start3A_14, %dma_start3A_20] : memref<200x128xi32, #tpu.memory_space<vmem>> -> memref<1x128xi32, #tpu.memory_space<vmem>>
    %dma_start3A_22 = tpu.memref_squeeze %dma_start3A_21 : memref<1x128xi32, #tpu.memory_space<vmem>> -> memref<128xi32, #tpu.memory_space<vmem>>
    %dma_start3A_23 = arith.constant 0 : i32
    %dma_start3A_24 = arith.constant 0 : i32
    %dma_start3A_25 = tpu.memref_slice %arg2[%dma_start3A_23, %dma_start3A_24] : memref<1000000x64xf32, #tpu.memory_space<hbm>> -> memref<1000000x64xf32, #tpu.memory_space<hbm>>
    tpu.enqueue_indirect_dma source(%dma_start3A_25 : memref<1000000x64xf32, #tpu.memory_space<hbm>>) target(%dma_start3A_19 : memref<128x64xf32, #tpu.memory_space<vmem>>) offsets(%dma_start3A_22 : memref<128xi32, #tpu.memory_space<vmem>>) semaphore(%arg8 : memref<!tpu.dma_semaphore, #tpu.memory_space<semaphore_mem>>)
    %dma_start3A_26 = arith.constant 2 : i32
    %dma_start3A_27 = arith.constant 2 : i32
    %dma_start3A_28 = arith.constant 0 : i32
    %dma_start3A_29 = arith.constant 0 : i32
    %dma_start3A_30 = tpu.memref_slice %arg6[%dma_start3A_27, %dma_start3A_28, %dma_start3A_29] : memref<5x128x64xf32, #tpu.memory_space<vmem>> -> memref<1x128x64xf32, #tpu.memory_space<vmem>>
    %dma_start3A_31 = tpu.memref_squeeze %dma_start3A_30 : memref<1x128x64xf32, #tpu.memory_space<vmem>> -> memref<128x64xf32, #tpu.memory_space<vmem>>
    %dma_start3A_32 = arith.constant 0 : i32
    %dma_start3A_33 = tpu.memref_slice %arg5[%dma_start3A_26, %dma_start3A_32] : memref<200x128xi32, #tpu.memory_space<vmem>> -> memref<1x128xi32, #tpu.memory_space<vmem>>
    %dma_start3A_34 = tpu.memref_squeeze %dma_start3A_33 : memref<1x128xi32, #tpu.memory_space<vmem>> -> memref<128xi32, #tpu.memory_space<vmem>>
    %dma_start3A_35 = arith.constant 0 : i32
    %dma_start3A_36 = arith.constant 0 : i32
    %dma_start3A_37 = tpu.memref_slice %arg2[%dma_start3A_35, %dma_start3A_36] : memref<1000000x64xf32, #tpu.memory_space<hbm>> -> memref<1000000x64xf32, #tpu.memory_space<hbm>>
    tpu.enqueue_indirect_dma source(%dma_start3A_37 : memref<1000000x64xf32, #tpu.memory_space<hbm>>) target(%dma_start3A_31 : memref<128x64xf32, #tpu.memory_space<vmem>>) offsets(%dma_start3A_34 : memref<128xi32, #tpu.memory_space<vmem>>) semaphore(%arg8 : memref<!tpu.dma_semaphore, #tpu.memory_space<semaphore_mem>>)
    %dma_start3A_38 = arith.constant 3 : i32
    %dma_start3A_39 = arith.constant 3 : i32
    %dma_start3A_40 = arith.constant 0 : i32
    %dma_start3A_41 = arith.constant 0 : i32
    %dma_start3A_42 = tpu.memref_slice %arg6[%dma_start3A_39, %dma_start3A_40, %dma_start3A_41] : memref<5x128x64xf32, #tpu.memory_space<vmem>> -> memref<1x128x64xf32, #tpu.memory_space<vmem>>
    %dma_start3A_43 = tpu.memref_squeeze %dma_start3A_42 : memref<1x128x64xf32, #tpu.memory_space<vmem>> -> memref<128x64xf32, #tpu.memory_space<vmem>>
    %dma_start3A_44 = arith.constant 0 : i32
    %dma_start3A_45 = tpu.memref_slice %arg5[%dma_start3A_38, %dma_start3A_44] : memref<200x128xi32, #tpu.memory_space<vmem>> -> memref<1x128xi32, #tpu.memory_space<vmem>>
    %dma_start3A_46 = tpu.memref_squeeze %dma_start3A_45 : memref<1x128xi32, #tpu.memory_space<vmem>> -> memref<128xi32, #tpu.memory_space<vmem>>
    %dma_start3A_47 = arith.constant 0 : i32
    %dma_start3A_48 = arith.constant 0 : i32
    %dma_start3A_49 = tpu.memref_slice %arg2[%dma_start3A_47, %dma_start3A_48] : memref<1000000x64xf32, #tpu.memory_space<hbm>> -> memref<1000000x64xf32, #tpu.memory_space<hbm>>
    tpu.enqueue_indirect_dma source(%dma_start3A_49 : memref<1000000x64xf32, #tpu.memory_space<hbm>>) target(%dma_start3A_43 : memref<128x64xf32, #tpu.memory_space<vmem>>) offsets(%dma_start3A_46 : memref<128xi32, #tpu.memory_space<vmem>>) semaphore(%arg8 : memref<!tpu.dma_semaphore, #tpu.memory_space<semaphore_mem>>)
    %iota3A = tpu.iota {dimensions = array<i32: 0>} : vector<16xi32>
    %add3A_50 = arith.constant 0 : i32
    %add3A_51 = vector.broadcast %add3A_50 : i32 to vector<16xi32>
    %add3A_52 = arith.addi %iota3A, %add3A_51 : vector<16xi32>
    %shift_right_logical3A = arith.constant 3 : i32
    %shift_right_logical3A_53 = vector.broadcast %shift_right_logical3A : i32 to vector<16xi32>
    %shift_right_logical3A_54 = arith.shrui %add3A_52, %shift_right_logical3A_53 : vector<16xi32>
    %add3A_55 = arith.constant 16 : i32
    %add3A_56 = vector.broadcast %add3A_55 : i32 to vector<16xi32>
    %add3A_57 = arith.addi %iota3A, %add3A_56 : vector<16xi32>
    %shift_right_logical3A_58 = arith.constant 3 : i32
    %shift_right_logical3A_59 = vector.broadcast %shift_right_logical3A_58 : i32 to vector<16xi32>
    %shift_right_logical3A_60 = arith.shrui %add3A_57, %shift_right_logical3A_59 : vector<16xi32>
    %add3A_61 = arith.constant 32 : i32
    %add3A_62 = vector.broadcast %add3A_61 : i32 to vector<16xi32>
    %add3A_63 = arith.addi %iota3A, %add3A_62 : vector<16xi32>
    %shift_right_logical3A_64 = arith.constant 3 : i32
    %shift_right_logical3A_65 = vector.broadcast %shift_right_logical3A_64 : i32 to vector<16xi32>
    %shift_right_logical3A_66 = arith.shrui %add3A_63, %shift_right_logical3A_65 : vector<16xi32>
    %add3A_67 = arith.constant 48 : i32
    %add3A_68 = vector.broadcast %add3A_67 : i32 to vector<16xi32>
    %add3A_69 = arith.addi %iota3A, %add3A_68 : vector<16xi32>
    %shift_right_logical3A_70 = arith.constant 3 : i32
    %shift_right_logical3A_71 = vector.broadcast %shift_right_logical3A_70 : i32 to vector<16xi32>
    %shift_right_logical3A_72 = arith.shrui %add3A_69, %shift_right_logical3A_71 : vector<16xi32>
    %add3A_73 = arith.constant 0 : i32
    %add3A_74 = vector.broadcast %add3A_73 : i32 to vector<16xi32>
    %add3A_75 = arith.addi %iota3A, %add3A_74 : vector<16xi32>
    %and3A = arith.constant 7 : i32
    %and3A_76 = vector.broadcast %and3A : i32 to vector<16xi32>
    %and3A_77 = arith.andi %add3A_75, %and3A_76 : vector<16xi32>
    %add3A_78 = arith.constant 16 : i32
    %add3A_79 = vector.broadcast %add3A_78 : i32 to vector<16xi32>
    %add3A_80 = arith.addi %iota3A, %add3A_79 : vector<16xi32>
    %and3A_81 = arith.constant 7 : i32
    %and3A_82 = vector.broadcast %and3A_81 : i32 to vector<16xi32>
    %and3A_83 = arith.andi %add3A_80, %and3A_82 : vector<16xi32>
    %add3A_84 = arith.constant 32 : i32
    %add3A_85 = vector.broadcast %add3A_84 : i32 to vector<16xi32>
    %add3A_86 = arith.addi %iota3A, %add3A_85 : vector<16xi32>
    %and3A_87 = arith.constant 7 : i32
    %and3A_88 = vector.broadcast %and3A_87 : i32 to vector<16xi32>
    %and3A_89 = arith.andi %add3A_86, %and3A_88 : vector<16xi32>
    %add3A_90 = arith.constant 48 : i32
    %add3A_91 = vector.broadcast %add3A_90 : i32 to vector<16xi32>
    %add3A_92 = arith.addi %iota3A, %add3A_91 : vector<16xi32>
    %and3A_93 = arith.constant 7 : i32
    %and3A_94 = vector.broadcast %and3A_93 : i32 to vector<16xi32>
    %and3A_95 = arith.andi %add3A_92, %and3A_94 : vector<16xi32>
    %scan3A = arith.constant 0 : i32
    %scan3A_96 = arith.constant 40 : i32
    %scan3A_97 = arith.addi %scan3A, %scan3A_96 : i32
    %scan3A_98 = arith.constant 1 : i32
    scf.for %scan3A_141 = %scan3A to %scan3A_97 step %scan3A_98  : i32 {
      %mul3A_142 = arith.constant 5 : i32
      %mul3A_143 = arith.muli %scan3A_141, %mul3A_142 : i32
      %add3A_144 = arith.constant 0 : i32
      %add3A_145 = arith.addi %mul3A_143, %add3A_144 : i32
      %add3A_146 = arith.addi %mul3A_2, %add3A_145 : i32
      %add3A_147 = arith.constant 4 : i32
      %add3A_148 = arith.addi %add3A_145, %add3A_147 : i32
      %sub3A_149 = arith.constant 5 : i32
      %sub3A_150 = arith.subi %add3A_148, %sub3A_149 : i32
      %ge3A = arith.constant 0 : i32
      %ge3A_151 = arith.cmpi sge, %sub3A_150, %ge3A : i32
      %convert_element_type3A = arith.extui %ge3A_151 : i1 to i32
      %cond3A = arith.constant 0 : i32
      %cond3A_152 = arith.cmpi ne, %convert_element_type3A, %cond3A : i32
      scf.if %cond3A_152 {
        %add3A_557 = arith.constant 4 : i32
        %add3A_558 = arith.addi %add3A_146, %add3A_557 : i32
        %sub3A_559 = arith.constant 5 : i32
        %sub3A_560 = arith.subi %add3A_558, %sub3A_559 : i32
        %jit3A_561 = arith.constant 128 : i32
        %div3A_562 = arith.divsi %sub3A_560, %jit3A_561 : i32
        %sign3A_563 = arith.constant 0 : i32
        %sign3A_564 = arith.cmpi sgt, %sub3A_560, %sign3A_563 : i32
        %sign3A_565 = arith.extui %sign3A_564 : i1 to i32
        %sign3A_566 = arith.constant 0 : i32
        %sign3A_567 = arith.cmpi slt, %sub3A_560, %sign3A_566 : i32
        %sign3A_568 = arith.extui %sign3A_567 : i1 to i32
        %sign3A_569 = arith.subi %sign3A_565, %sign3A_568 : i32
        %sign3A_570 = arith.constant 0 : i32
        %sign3A_571 = arith.cmpi sgt, %jit3A_561, %sign3A_570 : i32
        %sign3A_572 = arith.extui %sign3A_571 : i1 to i32
        %sign3A_573 = arith.constant 0 : i32
        %sign3A_574 = arith.cmpi slt, %jit3A_561, %sign3A_573 : i32
        %sign3A_575 = arith.extui %sign3A_574 : i1 to i32
        %sign3A_576 = arith.subi %sign3A_572, %sign3A_575 : i32
        %ne3A_577 = arith.cmpi ne, %sign3A_569, %sign3A_576 : i32
        %rem3A_578 = arith.remsi %sub3A_560, %jit3A_561 : i32
        %ne3A_579 = arith.constant 0 : i32
        %ne3A_580 = arith.cmpi ne, %rem3A_578, %ne3A_579 : i32
        %and3A_581 = arith.andi %ne3A_577, %ne3A_580 : i1
        %sub3A_582 = arith.constant 1 : i32
        %sub3A_583 = arith.subi %div3A_562, %sub3A_582 : i32
        %select_n3A_584 = arith.select %and3A_581, %sub3A_583, %div3A_562 : i32
        %rem3A_585 = arith.constant 128 : i32
        %rem3A_586 = arith.remsi %sub3A_560, %rem3A_585 : i32
        %dma_wait3A_587 = arith.constant 4 : i32
        %dma_wait3A_588 = arith.constant 0 : i32
        %dma_wait3A_589 = arith.constant 0 : i32
        %dma_wait3A_590 = arith.constant 0 : i32
        %dma_wait3A_591 = tpu.memref_slice %arg7[%dma_wait3A_587, %dma_wait3A_588, %dma_wait3A_589, %dma_wait3A_590] : memref<5x8x8x129xf32, #tpu.memory_space<vmem>> -> memref<1x8x8x128xf32, #tpu.memory_space<vmem>>
        %dma_wait3A_592 = tpu.memref_squeeze %dma_wait3A_591 : memref<1x8x8x128xf32, #tpu.memory_space<vmem>> -> memref<8x8x128xf32, #tpu.memory_space<vmem>>
        %dma_wait3A_593 = arith.constant 0 : i32
        %dma_wait3A_594 = arith.constant 0 : i32
        %dma_wait3A_595 = arith.constant 0 : i32
        %dma_wait3A_596 = tpu.memref_slice %arg4[%select_n3A_584, %dma_wait3A_593, %rem3A_586, %dma_wait3A_594, %dma_wait3A_595] : memref<50x8x128x8x128xf32, #tpu.memory_space<hbm>> -> memref<1x8x1x8x128xf32, #tpu.memory_space<hbm>>
        %dma_wait3A_597 = tpu.memref_squeeze %dma_wait3A_596 : memref<1x8x1x8x128xf32, #tpu.memory_space<hbm>> -> memref<8x8x128xf32, #tpu.memory_space<hbm>>
        %dma_wait3A_598 = arith.constant 0 : i32
        %dma_wait3A_599 = arith.constant 0 : i32
        %dma_wait3A_600 = arith.constant 0 : i32
        %dma_wait3A_601 = tpu.memref_slice %arg4[%select_n3A_584, %dma_wait3A_598, %rem3A_586, %dma_wait3A_599, %dma_wait3A_600] : memref<50x8x128x8x128xf32, #tpu.memory_space<hbm>> -> memref<1x8x1x8x128xf32, #tpu.memory_space<hbm>>
        %dma_wait3A_602 = tpu.memref_squeeze %dma_wait3A_601 : memref<1x8x1x8x128xf32, #tpu.memory_space<hbm>> -> memref<8x8x128xf32, #tpu.memory_space<hbm>>
        %dma_wait3A_603 = arith.constant 0 : i32
        %dma_wait3A_604 = arith.constant 0 : i32
        %dma_wait3A_605 = arith.constant 0 : i32
        %dma_wait3A_606 = tpu.memref_slice %arg7[%dma_wait3A_587, %dma_wait3A_603, %dma_wait3A_604, %dma_wait3A_605] : memref<5x8x8x129xf32, #tpu.memory_space<vmem>> -> memref<1x8x8x128xf32, #tpu.memory_space<vmem>>
        %dma_wait3A_607 = tpu.memref_squeeze %dma_wait3A_606 : memref<1x8x8x128xf32, #tpu.memory_space<vmem>> -> memref<8x8x128xf32, #tpu.memory_space<vmem>>
        tpu.wait_dma2 semaphore(%arg9 : memref<!tpu.dma_semaphore, #tpu.memory_space<semaphore_mem>>) src(%dma_wait3A_607 : memref<8x8x128xf32, #tpu.memory_space<vmem>>) dst(%dma_wait3A_602 : memref<8x8x128xf32, #tpu.memory_space<hbm>>)
      } else {
      }
      %add3A_153 = arith.constant 4 : i32
      %add3A_154 = arith.addi %add3A_145, %add3A_153 : i32
      %lt3A = arith.constant 200 : i32
      %lt3A_155 = arith.cmpi slt, %add3A_154, %lt3A : i32
      %convert_element_type3A_156 = arith.extui %lt3A_155 : i1 to i32
      %cond3A_157 = arith.constant 0 : i32
      %cond3A_158 = arith.cmpi ne, %convert_element_type3A_156, %cond3A_157 : i32
      scf.if %cond3A_158 {
        %add3A_557 = arith.constant 4 : i32
        %add3A_558 = arith.addi %add3A_145, %add3A_557 : i32
        %dma_start3A_559 = arith.constant 4 : i32
        %dma_start3A_560 = arith.constant 0 : i32
        %dma_start3A_561 = arith.constant 0 : i32
        %dma_start3A_562 = tpu.memref_slice %arg6[%dma_start3A_559, %dma_start3A_560, %dma_start3A_561] : memref<5x128x64xf32, #tpu.memory_space<vmem>> -> memref<1x128x64xf32, #tpu.memory_space<vmem>>
        %dma_start3A_563 = tpu.memref_squeeze %dma_start3A_562 : memref<1x128x64xf32, #tpu.memory_space<vmem>> -> memref<128x64xf32, #tpu.memory_space<vmem>>
        %dma_start3A_564 = arith.constant 0 : i32
        %dma_start3A_565 = tpu.memref_slice %arg5[%add3A_558, %dma_start3A_564] : memref<200x128xi32, #tpu.memory_space<vmem>> -> memref<1x128xi32, #tpu.memory_space<vmem>>
        %dma_start3A_566 = tpu.memref_squeeze %dma_start3A_565 : memref<1x128xi32, #tpu.memory_space<vmem>> -> memref<128xi32, #tpu.memory_space<vmem>>
        %dma_start3A_567 = arith.constant 0 : i32
        %dma_start3A_568 = arith.constant 0 : i32
        %dma_start3A_569 = tpu.memref_slice %arg2[%dma_start3A_567, %dma_start3A_568] : memref<1000000x64xf32, #tpu.memory_space<hbm>> -> memref<1000000x64xf32, #tpu.memory_space<hbm>>
        tpu.enqueue_indirect_dma source(%dma_start3A_569 : memref<1000000x64xf32, #tpu.memory_space<hbm>>) target(%dma_start3A_563 : memref<128x64xf32, #tpu.memory_space<vmem>>) offsets(%dma_start3A_566 : memref<128xi32, #tpu.memory_space<vmem>>) semaphore(%arg8 : memref<!tpu.dma_semaphore, #tpu.memory_space<semaphore_mem>>)
      } else {
      }
      %dma_wait3A_159 = arith.constant 0 : i32
      %dma_wait3A_160 = arith.constant 0 : i32
      %dma_wait3A_161 = arith.constant 0 : i32
      %dma_wait3A_162 = tpu.memref_slice %arg6[%dma_wait3A_159, %dma_wait3A_160, %dma_wait3A_161] : memref<5x128x64xf32, #tpu.memory_space<vmem>> -> memref<1x128x64xf32, #tpu.memory_space<vmem>>
      %dma_wait3A_163 = tpu.memref_squeeze %dma_wait3A_162 : memref<1x128x64xf32, #tpu.memory_space<vmem>> -> memref<128x64xf32, #tpu.memory_space<vmem>>
      %dma_wait3A_164 = arith.constant 0 : i32
      %dma_wait3A_165 = tpu.memref_slice %arg5[%add3A_145, %dma_wait3A_164] : memref<200x128xi32, #tpu.memory_space<vmem>> -> memref<1x128xi32, #tpu.memory_space<vmem>>
      %dma_wait3A_166 = tpu.memref_squeeze %dma_wait3A_165 : memref<1x128xi32, #tpu.memory_space<vmem>> -> memref<128xi32, #tpu.memory_space<vmem>>
      %dma_wait3A_167 = arith.constant 0 : i32
      %dma_wait3A_168 = arith.constant 0 : i32
      %dma_wait3A_169 = tpu.memref_slice %arg2[%dma_wait3A_167, %dma_wait3A_168] : memref<1000000x64xf32, #tpu.memory_space<hbm>> -> memref<1000000x64xf32, #tpu.memory_space<hbm>>
      tpu.wait_indirect_dma semaphore(%arg8 : memref<!tpu.dma_semaphore, #tpu.memory_space<semaphore_mem>>) src(%dma_wait3A_169 : memref<1000000x64xf32, #tpu.memory_space<hbm>>) dst(%dma_wait3A_163 : memref<128x64xf32, #tpu.memory_space<vmem>>)
      %parallel_loop3A = arith.constant 0 : i32
      %parallel_loop3A_170 = arith.constant 128 : i32
      %parallel_loop3A_171 = arith.constant 1 : i32
      %parallel_loop3A_172 = arith.constant 0 : i32
      %parallel_loop3A_173 = arith.constant 0 : i32
      scf.for %parallel_loop3A_557 = %parallel_loop3A to %parallel_loop3A_170 step %parallel_loop3A_171  : i32 {
        %parallel_loop3A_558 = vector.broadcast %parallel_loop3A_557 : i32 to vector<16xi32>
        %parallel_loop3A_559 = arith.constant 0 : i32
        %parallel_loop3A_560 = arith.constant 0 : i32
        %parallel_loop3A_561 = tpu.memref_slice %arg6[%parallel_loop3A_172, %parallel_loop3A_559, %parallel_loop3A_560] : memref<5x128x64xf32, #tpu.memory_space<vmem>> -> memref<1x128x64xf32, #tpu.memory_space<vmem>>
        %parallel_loop3A_562 = tpu.memref_squeeze %parallel_loop3A_561 : memref<1x128x64xf32, #tpu.memory_space<vmem>> -> memref<128x64xf32, #tpu.memory_space<vmem>>
        %parallel_loop3A_563 = arith.index_cast %parallel_loop3A_557 : i32 to index
        %parallel_loop3A_564 = arith.constant 0 : index
        %parallel_loop3A_565 = tpu.vector_load %parallel_loop3A_562[%parallel_loop3A_563, %parallel_loop3A_564] {strides = array<i32>} : memref<128x64xf32, #tpu.memory_space<vmem>>, vector<16xf32>,
        %parallel_loop3A_566 = arith.constant 0 : i32
        %parallel_loop3A_567 = arith.constant 0 : i32
        %parallel_loop3A_568 = tpu.memref_slice %arg6[%parallel_loop3A_172, %parallel_loop3A_566, %parallel_loop3A_567] : memref<5x128x64xf32, #tpu.memory_space<vmem>> -> memref<1x128x64xf32, #tpu.memory_space<vmem>>
        %parallel_loop3A_569 = tpu.memref_squeeze %parallel_loop3A_568 : memref<1x128x64xf32, #tpu.memory_space<vmem>> -> memref<128x64xf32, #tpu.memory_space<vmem>>
        %parallel_loop3A_570 = arith.index_cast %parallel_loop3A_557 : i32 to index
        %parallel_loop3A_571 = arith.constant 16 : index
        %parallel_loop3A_572 = tpu.vector_load %parallel_loop3A_569[%parallel_loop3A_570, %parallel_loop3A_571] {strides = array<i32>} : memref<128x64xf32, #tpu.memory_space<vmem>>, vector<16xf32>,
        %parallel_loop3A_573 = arith.constant 0 : i32
        %parallel_loop3A_574 = arith.constant 0 : i32
        %parallel_loop3A_575 = tpu.memref_slice %arg6[%parallel_loop3A_172, %parallel_loop3A_573, %parallel_loop3A_574] : memref<5x128x64xf32, #tpu.memory_space<vmem>> -> memref<1x128x64xf32, #tpu.memory_space<vmem>>
        %parallel_loop3A_576 = tpu.memref_squeeze %parallel_loop3A_575 : memref<1x128x64xf32, #tpu.memory_space<vmem>> -> memref<128x64xf32, #tpu.memory_space<vmem>>
        %parallel_loop3A_577 = arith.index_cast %parallel_loop3A_557 : i32 to index
        %parallel_loop3A_578 = arith.constant 32 : index
        %parallel_loop3A_579 = tpu.vector_load %parallel_loop3A_576[%parallel_loop3A_577, %parallel_loop3A_578] {strides = array<i32>} : memref<128x64xf32, #tpu.memory_space<vmem>>, vector<16xf32>,
        %parallel_loop3A_580 = arith.constant 0 : i32
        %parallel_loop3A_581 = arith.constant 0 : i32
        %parallel_loop3A_582 = tpu.memref_slice %arg6[%parallel_loop3A_172, %parallel_loop3A_580, %parallel_loop3A_581] : memref<5x128x64xf32, #tpu.memory_space<vmem>> -> memref<1x128x64xf32, #tpu.memory_space<vmem>>
        %parallel_loop3A_583 = tpu.memref_squeeze %parallel_loop3A_582 : memref<1x128x64xf32, #tpu.memory_space<vmem>> -> memref<128x64xf32, #tpu.memory_space<vmem>>
        %parallel_loop3A_584 = arith.index_cast %parallel_loop3A_557 : i32 to index
        %parallel_loop3A_585 = arith.constant 48 : index
        %parallel_loop3A_586 = tpu.vector_load %parallel_loop3A_583[%parallel_loop3A_584, %parallel_loop3A_585] {strides = array<i32>} : memref<128x64xf32, #tpu.memory_space<vmem>>, vector<16xf32>,
        %parallel_loop3A_587 = arith.constant 0 : i32
        %parallel_loop3A_588 = arith.constant 0 : i32
        %parallel_loop3A_589 = arith.constant 0 : i32
        %parallel_loop3A_590 = tpu.memref_slice %arg7[%parallel_loop3A_173, %parallel_loop3A_587, %parallel_loop3A_588, %parallel_loop3A_589] : memref<5x8x8x129xf32, #tpu.memory_space<vmem>> -> memref<1x8x8x129xf32, #tpu.memory_space<vmem>>
        %parallel_loop3A_591 = tpu.memref_squeeze %parallel_loop3A_590 : memref<1x8x8x129xf32, #tpu.memory_space<vmem>> -> memref<8x8x129xf32, #tpu.memory_space<vmem>>
        tpu.vector_store_idx %parallel_loop3A_591[%shift_right_logical3A_54, %and3A_77, %parallel_loop3A_558], %parallel_loop3A_565 : memref<8x8x129xf32, #tpu.memory_space<vmem>>[vector<16xi32>, vector<16xi32>, vector<16xi32>], vector<16xf32>,
        %parallel_loop3A_592 = arith.constant 0 : i32
        %parallel_loop3A_593 = arith.constant 0 : i32
        %parallel_loop3A_594 = arith.constant 0 : i32
        %parallel_loop3A_595 = tpu.memref_slice %arg7[%parallel_loop3A_173, %parallel_loop3A_592, %parallel_loop3A_593, %parallel_loop3A_594] : memref<5x8x8x129xf32, #tpu.memory_space<vmem>> -> memref<1x8x8x129xf32, #tpu.memory_space<vmem>>
        %parallel_loop3A_596 = tpu.memref_squeeze %parallel_loop3A_595 : memref<1x8x8x129xf32, #tpu.memory_space<vmem>> -> memref<8x8x129xf32, #tpu.memory_space<vmem>>
        tpu.vector_store_idx %parallel_loop3A_596[%shift_right_logical3A_60, %and3A_83, %parallel_loop3A_558], %parallel_loop3A_572 : memref<8x8x129xf32, #tpu.memory_space<vmem>>[vector<16xi32>, vector<16xi32>, vector<16xi32>], vector<16xf32>,
        %parallel_loop3A_597 = arith.constant 0 : i32
        %parallel_loop3A_598 = arith.constant 0 : i32
        %parallel_loop3A_599 = arith.constant 0 : i32
        %parallel_loop3A_600 = tpu.memref_slice %arg7[%parallel_loop3A_173, %parallel_loop3A_597, %parallel_loop3A_598, %parallel_loop3A_599] : memref<5x8x8x129xf32, #tpu.memory_space<vmem>> -> memref<1x8x8x129xf32, #tpu.memory_space<vmem>>
        %parallel_loop3A_601 = tpu.memref_squeeze %parallel_loop3A_600 : memref<1x8x8x129xf32, #tpu.memory_space<vmem>> -> memref<8x8x129xf32, #tpu.memory_space<vmem>>
        tpu.vector_store_idx %parallel_loop3A_601[%shift_right_logical3A_66, %and3A_89, %parallel_loop3A_558], %parallel_loop3A_579 : memref<8x8x129xf32, #tpu.memory_space<vmem>>[vector<16xi32>, vector<16xi32>, vector<16xi32>], vector<16xf32>,
        %parallel_loop3A_602 = arith.constant 0 : i32
        %parallel_loop3A_603 = arith.constant 0 : i32
        %parallel_loop3A_604 = arith.constant 0 : i32
        %parallel_loop3A_605 = tpu.memref_slice %arg7[%parallel_loop3A_173, %parallel_loop3A_602, %parallel_loop3A_603, %parallel_loop3A_604] : memref<5x8x8x129xf32, #tpu.memory_space<vmem>> -> memref<1x8x8x129xf32, #tpu.memory_space<vmem>>
        %parallel_loop3A_606 = tpu.memref_squeeze %parallel_loop3A_605 : memref<1x8x8x129xf32, #tpu.memory_space<vmem>> -> memref<8x8x129xf32, #tpu.memory_space<vmem>>
        tpu.vector_store_idx %parallel_loop3A_606[%shift_right_logical3A_72, %and3A_95, %parallel_loop3A_558], %parallel_loop3A_586 : memref<8x8x129xf32, #tpu.memory_space<vmem>>[vector<16xi32>, vector<16xi32>, vector<16xi32>], vector<16xf32>,
      } {sc.loop_unroll_factor = 8 : i64, sc.parallel_access}
      %jit3A_174 = arith.constant 128 : i32
      %div3A_175 = arith.divsi %add3A_146, %jit3A_174 : i32
      %sign3A_176 = arith.constant 0 : i32
      %sign3A_177 = arith.cmpi sgt, %add3A_146, %sign3A_176 : i32
      %sign3A_178 = arith.extui %sign3A_177 : i1 to i32
      %sign3A_179 = arith.constant 0 : i32
      %sign3A_180 = arith.cmpi slt, %add3A_146, %sign3A_179 : i32
      %sign3A_181 = arith.extui %sign3A_180 : i1 to i32
      %sign3A_182 = arith.subi %sign3A_178, %sign3A_181 : i32
      %sign3A_183 = arith.constant 0 : i32
      %sign3A_184 = arith.cmpi sgt, %jit3A_174, %sign3A_183 : i32
      %sign3A_185 = arith.extui %sign3A_184 : i1 to i32
      %sign3A_186 = arith.constant 0 : i32
      %sign3A_187 = arith.cmpi slt, %jit3A_174, %sign3A_186 : i32
      %sign3A_188 = arith.extui %sign3A_187 : i1 to i32
      %sign3A_189 = arith.subi %sign3A_185, %sign3A_188 : i32
      %ne3A_190 = arith.cmpi ne, %sign3A_182, %sign3A_189 : i32
      %rem3A_191 = arith.remsi %add3A_146, %jit3A_174 : i32
      %ne3A_192 = arith.constant 0 : i32
      %ne3A_193 = arith.cmpi ne, %rem3A_191, %ne3A_192 : i32
      %and3A_194 = arith.andi %ne3A_190, %ne3A_193 : i1
      %sub3A_195 = arith.constant 1 : i32
      %sub3A_196 = arith.subi %div3A_175, %sub3A_195 : i32
      %select_n3A_197 = arith.select %and3A_194, %sub3A_196, %div3A_175 : i32
      %rem3A_198 = arith.constant 128 : i32
      %rem3A_199 = arith.remsi %add3A_146, %rem3A_198 : i32
      %dma_start3A_200 = arith.constant 0 : i32
      %dma_start3A_201 = arith.constant 0 : i32
      %dma_start3A_202 = arith.constant 0 : i32
      %dma_start3A_203 = arith.constant 0 : i32
      %dma_start3A_204 = tpu.memref_slice %arg7[%dma_start3A_200, %dma_start3A_201, %dma_start3A_202, %dma_start3A_203] : memref<5x8x8x129xf32, #tpu.memory_space<vmem>> -> memref<1x8x8x128xf32, #tpu.memory_space<vmem>>
      %dma_start3A_205 = tpu.memref_squeeze %dma_start3A_204 : memref<1x8x8x128xf32, #tpu.memory_space<vmem>> -> memref<8x8x128xf32, #tpu.memory_space<vmem>>
      %dma_start3A_206 = arith.constant 0 : i32
      %dma_start3A_207 = arith.constant 0 : i32
      %dma_start3A_208 = arith.constant 0 : i32
      %dma_start3A_209 = tpu.memref_slice %arg4[%select_n3A_197, %dma_start3A_206, %rem3A_199, %dma_start3A_207, %dma_start3A_208] : memref<50x8x128x8x128xf32, #tpu.memory_space<hbm>> -> memref<1x8x1x8x128xf32, #tpu.memory_space<hbm>>
      %dma_start3A_210 = tpu.memref_squeeze %dma_start3A_209 : memref<1x8x1x8x128xf32, #tpu.memory_space<hbm>> -> memref<8x8x128xf32, #tpu.memory_space<hbm>>
      %dma_start3A_211 = arith.constant 0 : i32
      %dma_start3A_212 = arith.constant 0 : i32
      %dma_start3A_213 = arith.constant 0 : i32
      %dma_start3A_214 = tpu.memref_slice %arg4[%select_n3A_197, %dma_start3A_211, %rem3A_199, %dma_start3A_212, %dma_start3A_213] : memref<50x8x128x8x128xf32, #tpu.memory_space<hbm>> -> memref<1x8x1x8x128xf32, #tpu.memory_space<hbm>>
      %dma_start3A_215 = tpu.memref_squeeze %dma_start3A_214 : memref<1x8x1x8x128xf32, #tpu.memory_space<hbm>> -> memref<8x8x128xf32, #tpu.memory_space<hbm>>
      %dma_start3A_216 = arith.constant 0 : i32
      %dma_start3A_217 = arith.constant 0 : i32
      %dma_start3A_218 = arith.constant 0 : i32
      %dma_start3A_219 = tpu.memref_slice %arg7[%dma_start3A_200, %dma_start3A_216, %dma_start3A_217, %dma_start3A_218] : memref<5x8x8x129xf32, #tpu.memory_space<vmem>> -> memref<1x8x8x128xf32, #tpu.memory_space<vmem>>
      %dma_start3A_220 = tpu.memref_squeeze %dma_start3A_219 : memref<1x8x8x128xf32, #tpu.memory_space<vmem>> -> memref<8x8x128xf32, #tpu.memory_space<vmem>>
      tpu.enqueue_dma source(%dma_start3A_220 : memref<8x8x128xf32, #tpu.memory_space<vmem>>) target(%dma_start3A_215 : memref<8x8x128xf32, #tpu.memory_space<hbm>>) target_semaphore(%arg9 : memref<!tpu.dma_semaphore, #tpu.memory_space<semaphore_mem>>)
      %mul3A_221 = arith.constant 5 : i32
      %mul3A_222 = arith.muli %scan3A_141, %mul3A_221 : i32
      %add3A_223 = arith.constant 1 : i32
      %add3A_224 = arith.addi %mul3A_222, %add3A_223 : i32
      %add3A_225 = arith.addi %mul3A_2, %add3A_224 : i32
      %add3A_226 = arith.constant 4 : i32
      %add3A_227 = arith.addi %add3A_224, %add3A_226 : i32
      %sub3A_228 = arith.constant 5 : i32
      %sub3A_229 = arith.subi %add3A_227, %sub3A_228 : i32
      %ge3A_230 = arith.constant 0 : i32
      %ge3A_231 = arith.cmpi sge, %sub3A_229, %ge3A_230 : i32
      %convert_element_type3A_232 = arith.extui %ge3A_231 : i1 to i32
      %cond3A_233 = arith.constant 0 : i32
      %cond3A_234 = arith.cmpi ne, %convert_element_type3A_232, %cond3A_233 : i32
      scf.if %cond3A_234 {
        %add3A_557 = arith.constant 4 : i32
        %add3A_558 = arith.addi %add3A_225, %add3A_557 : i32
        %sub3A_559 = arith.constant 5 : i32
        %sub3A_560 = arith.subi %add3A_558, %sub3A_559 : i32
        %jit3A_561 = arith.constant 128 : i32
        %div3A_562 = arith.divsi %sub3A_560, %jit3A_561 : i32
        %sign3A_563 = arith.constant 0 : i32
        %sign3A_564 = arith.cmpi sgt, %sub3A_560, %sign3A_563 : i32
        %sign3A_565 = arith.extui %sign3A_564 : i1 to i32
        %sign3A_566 = arith.constant 0 : i32
        %sign3A_567 = arith.cmpi slt, %sub3A_560, %sign3A_566 : i32
        %sign3A_568 = arith.extui %sign3A_567 : i1 to i32
        %sign3A_569 = arith.subi %sign3A_565, %sign3A_568 : i32
        %sign3A_570 = arith.constant 0 : i32
        %sign3A_571 = arith.cmpi sgt, %jit3A_561, %sign3A_570 : i32
        %sign3A_572 = arith.extui %sign3A_571 : i1 to i32
        %sign3A_573 = arith.constant 0 : i32
        %sign3A_574 = arith.cmpi slt, %jit3A_561, %sign3A_573 : i32
        %sign3A_575 = arith.extui %sign3A_574 : i1 to i32
        %sign3A_576 = arith.subi %sign3A_572, %sign3A_575 : i32
        %ne3A_577 = arith.cmpi ne, %sign3A_569, %sign3A_576 : i32
        %rem3A_578 = arith.remsi %sub3A_560, %jit3A_561 : i32
        %ne3A_579 = arith.constant 0 : i32
        %ne3A_580 = arith.cmpi ne, %rem3A_578, %ne3A_579 : i32
        %and3A_581 = arith.andi %ne3A_577, %ne3A_580 : i1
        %sub3A_582 = arith.constant 1 : i32
        %sub3A_583 = arith.subi %div3A_562, %sub3A_582 : i32
        %select_n3A_584 = arith.select %and3A_581, %sub3A_583, %div3A_562 : i32
        %rem3A_585 = arith.constant 128 : i32
        %rem3A_586 = arith.remsi %sub3A_560, %rem3A_585 : i32
        %dma_wait3A_587 = arith.constant 0 : i32
        %dma_wait3A_588 = arith.constant 0 : i32
        %dma_wait3A_589 = arith.constant 0 : i32
        %dma_wait3A_590 = arith.constant 0 : i32
        %dma_wait3A_591 = tpu.memref_slice %arg7[%dma_wait3A_587, %dma_wait3A_588, %dma_wait3A_589, %dma_wait3A_590] : memref<5x8x8x129xf32, #tpu.memory_space<vmem>> -> memref<1x8x8x128xf32, #tpu.memory_space<vmem>>
        %dma_wait3A_592 = tpu.memref_squeeze %dma_wait3A_591 : memref<1x8x8x128xf32, #tpu.memory_space<vmem>> -> memref<8x8x128xf32, #tpu.memory_space<vmem>>
        %dma_wait3A_593 = arith.constant 0 : i32
        %dma_wait3A_594 = arith.constant 0 : i32
        %dma_wait3A_595 = arith.constant 0 : i32
        %dma_wait3A_596 = tpu.memref_slice %arg4[%select_n3A_584, %dma_wait3A_593, %rem3A_586, %dma_wait3A_594, %dma_wait3A_595] : memref<50x8x128x8x128xf32, #tpu.memory_space<hbm>> -> memref<1x8x1x8x128xf32, #tpu.memory_space<hbm>>
        %dma_wait3A_597 = tpu.memref_squeeze %dma_wait3A_596 : memref<1x8x1x8x128xf32, #tpu.memory_space<hbm>> -> memref<8x8x128xf32, #tpu.memory_space<hbm>>
        %dma_wait3A_598 = arith.constant 0 : i32
        %dma_wait3A_599 = arith.constant 0 : i32
        %dma_wait3A_600 = arith.constant 0 : i32
        %dma_wait3A_601 = tpu.memref_slice %arg4[%select_n3A_584, %dma_wait3A_598, %rem3A_586, %dma_wait3A_599, %dma_wait3A_600] : memref<50x8x128x8x128xf32, #tpu.memory_space<hbm>> -> memref<1x8x1x8x128xf32, #tpu.memory_space<hbm>>
        %dma_wait3A_602 = tpu.memref_squeeze %dma_wait3A_601 : memref<1x8x1x8x128xf32, #tpu.memory_space<hbm>> -> memref<8x8x128xf32, #tpu.memory_space<hbm>>
        %dma_wait3A_603 = arith.constant 0 : i32
        %dma_wait3A_604 = arith.constant 0 : i32
        %dma_wait3A_605 = arith.constant 0 : i32
        %dma_wait3A_606 = tpu.memref_slice %arg7[%dma_wait3A_587, %dma_wait3A_603, %dma_wait3A_604, %dma_wait3A_605] : memref<5x8x8x129xf32, #tpu.memory_space<vmem>> -> memref<1x8x8x128xf32, #tpu.memory_space<vmem>>
        %dma_wait3A_607 = tpu.memref_squeeze %dma_wait3A_606 : memref<1x8x8x128xf32, #tpu.memory_space<vmem>> -> memref<8x8x128xf32, #tpu.memory_space<vmem>>
        tpu.wait_dma2 semaphore(%arg9 : memref<!tpu.dma_semaphore, #tpu.memory_space<semaphore_mem>>) src(%dma_wait3A_607 : memref<8x8x128xf32, #tpu.memory_space<vmem>>) dst(%dma_wait3A_602 : memref<8x8x128xf32, #tpu.memory_space<hbm>>)
      } else {
      }
      %add3A_235 = arith.constant 4 : i32
      %add3A_236 = arith.addi %add3A_224, %add3A_235 : i32
      %lt3A_237 = arith.constant 200 : i32
      %lt3A_238 = arith.cmpi slt, %add3A_236, %lt3A_237 : i32
      %convert_element_type3A_239 = arith.extui %lt3A_238 : i1 to i32
      %cond3A_240 = arith.constant 0 : i32
      %cond3A_241 = arith.cmpi ne, %convert_element_type3A_239, %cond3A_240 : i32
      scf.if %cond3A_241 {
        %add3A_557 = arith.constant 4 : i32
        %add3A_558 = arith.addi %add3A_224, %add3A_557 : i32
        %dma_start3A_559 = arith.constant 0 : i32
        %dma_start3A_560 = arith.constant 0 : i32
        %dma_start3A_561 = arith.constant 0 : i32
        %dma_start3A_562 = tpu.memref_slice %arg6[%dma_start3A_559, %dma_start3A_560, %dma_start3A_561] : memref<5x128x64xf32, #tpu.memory_space<vmem>> -> memref<1x128x64xf32, #tpu.memory_space<vmem>>
        %dma_start3A_563 = tpu.memref_squeeze %dma_start3A_562 : memref<1x128x64xf32, #tpu.memory_space<vmem>> -> memref<128x64xf32, #tpu.memory_space<vmem>>
        %dma_start3A_564 = arith.constant 0 : i32
        %dma_start3A_565 = tpu.memref_slice %arg5[%add3A_558, %dma_start3A_564] : memref<200x128xi32, #tpu.memory_space<vmem>> -> memref<1x128xi32, #tpu.memory_space<vmem>>
        %dma_start3A_566 = tpu.memref_squeeze %dma_start3A_565 : memref<1x128xi32, #tpu.memory_space<vmem>> -> memref<128xi32, #tpu.memory_space<vmem>>
        %dma_start3A_567 = arith.constant 0 : i32
        %dma_start3A_568 = arith.constant 0 : i32
        %dma_start3A_569 = tpu.memref_slice %arg2[%dma_start3A_567, %dma_start3A_568] : memref<1000000x64xf32, #tpu.memory_space<hbm>> -> memref<1000000x64xf32, #tpu.memory_space<hbm>>
        tpu.enqueue_indirect_dma source(%dma_start3A_569 : memref<1000000x64xf32, #tpu.memory_space<hbm>>) target(%dma_start3A_563 : memref<128x64xf32, #tpu.memory_space<vmem>>) offsets(%dma_start3A_566 : memref<128xi32, #tpu.memory_space<vmem>>) semaphore(%arg8 : memref<!tpu.dma_semaphore, #tpu.memory_space<semaphore_mem>>)
      } else {
      }
      %dma_wait3A_242 = arith.constant 1 : i32
      %dma_wait3A_243 = arith.constant 0 : i32
      %dma_wait3A_244 = arith.constant 0 : i32
      %dma_wait3A_245 = tpu.memref_slice %arg6[%dma_wait3A_242, %dma_wait3A_243, %dma_wait3A_244] : memref<5x128x64xf32, #tpu.memory_space<vmem>> -> memref<1x128x64xf32, #tpu.memory_space<vmem>>
      %dma_wait3A_246 = tpu.memref_squeeze %dma_wait3A_245 : memref<1x128x64xf32, #tpu.memory_space<vmem>> -> memref<128x64xf32, #tpu.memory_space<vmem>>
      %dma_wait3A_247 = arith.constant 0 : i32
      %dma_wait3A_248 = tpu.memref_slice %arg5[%add3A_224, %dma_wait3A_247] : memref<200x128xi32, #tpu.memory_space<vmem>> -> memref<1x128xi32, #tpu.memory_space<vmem>>
      %dma_wait3A_249 = tpu.memref_squeeze %dma_wait3A_248 : memref<1x128xi32, #tpu.memory_space<vmem>> -> memref<128xi32, #tpu.memory_space<vmem>>
      %dma_wait3A_250 = arith.constant 0 : i32
      %dma_wait3A_251 = arith.constant 0 : i32
      %dma_wait3A_252 = tpu.memref_slice %arg2[%dma_wait3A_250, %dma_wait3A_251] : memref<1000000x64xf32, #tpu.memory_space<hbm>> -> memref<1000000x64xf32, #tpu.memory_space<hbm>>
      tpu.wait_indirect_dma semaphore(%arg8 : memref<!tpu.dma_semaphore, #tpu.memory_space<semaphore_mem>>) src(%dma_wait3A_252 : memref<1000000x64xf32, #tpu.memory_space<hbm>>) dst(%dma_wait3A_246 : memref<128x64xf32, #tpu.memory_space<vmem>>)
      %parallel_loop3A_253 = arith.constant 0 : i32
      %parallel_loop3A_254 = arith.constant 128 : i32
      %parallel_loop3A_255 = arith.constant 1 : i32
      %parallel_loop3A_256 = arith.constant 1 : i32
      %parallel_loop3A_257 = arith.constant 1 : i32
      scf.for %parallel_loop3A_557 = %parallel_loop3A_253 to %parallel_loop3A_254 step %parallel_loop3A_255  : i32 {
        %parallel_loop3A_558 = vector.broadcast %parallel_loop3A_557 : i32 to vector<16xi32>
        %parallel_loop3A_559 = arith.constant 0 : i32
        %parallel_loop3A_560 = arith.constant 0 : i32
        %parallel_loop3A_561 = tpu.memref_slice %arg6[%parallel_loop3A_256, %parallel_loop3A_559, %parallel_loop3A_560] : memref<5x128x64xf32, #tpu.memory_space<vmem>> -> memref<1x128x64xf32, #tpu.memory_space<vmem>>
        %parallel_loop3A_562 = tpu.memref_squeeze %parallel_loop3A_561 : memref<1x128x64xf32, #tpu.memory_space<vmem>> -> memref<128x64xf32, #tpu.memory_space<vmem>>
        %parallel_loop3A_563 = arith.index_cast %parallel_loop3A_557 : i32 to index
        %parallel_loop3A_564 = arith.constant 0 : index
        %parallel_loop3A_565 = tpu.vector_load %parallel_loop3A_562[%parallel_loop3A_563, %parallel_loop3A_564] {strides = array<i32>} : memref<128x64xf32, #tpu.memory_space<vmem>>, vector<16xf32>,
        %parallel_loop3A_566 = arith.constant 0 : i32
        %parallel_loop3A_567 = arith.constant 0 : i32
        %parallel_loop3A_568 = tpu.memref_slice %arg6[%parallel_loop3A_256, %parallel_loop3A_566, %parallel_loop3A_567] : memref<5x128x64xf32, #tpu.memory_space<vmem>> -> memref<1x128x64xf32, #tpu.memory_space<vmem>>
        %parallel_loop3A_569 = tpu.memref_squeeze %parallel_loop3A_568 : memref<1x128x64xf32, #tpu.memory_space<vmem>> -> memref<128x64xf32, #tpu.memory_space<vmem>>
        %parallel_loop3A_570 = arith.index_cast %parallel_loop3A_557 : i32 to index
        %parallel_loop3A_571 = arith.constant 16 : index
        %parallel_loop3A_572 = tpu.vector_load %parallel_loop3A_569[%parallel_loop3A_570, %parallel_loop3A_571] {strides = array<i32>} : memref<128x64xf32, #tpu.memory_space<vmem>>, vector<16xf32>,
        %parallel_loop3A_573 = arith.constant 0 : i32
        %parallel_loop3A_574 = arith.constant 0 : i32
        %parallel_loop3A_575 = tpu.memref_slice %arg6[%parallel_loop3A_256, %parallel_loop3A_573, %parallel_loop3A_574] : memref<5x128x64xf32, #tpu.memory_space<vmem>> -> memref<1x128x64xf32, #tpu.memory_space<vmem>>
        %parallel_loop3A_576 = tpu.memref_squeeze %parallel_loop3A_575 : memref<1x128x64xf32, #tpu.memory_space<vmem>> -> memref<128x64xf32, #tpu.memory_space<vmem>>
        %parallel_loop3A_577 = arith.index_cast %parallel_loop3A_557 : i32 to index
        %parallel_loop3A_578 = arith.constant 32 : index
        %parallel_loop3A_579 = tpu.vector_load %parallel_loop3A_576[%parallel_loop3A_577, %parallel_loop3A_578] {strides = array<i32>} : memref<128x64xf32, #tpu.memory_space<vmem>>, vector<16xf32>,
        %parallel_loop3A_580 = arith.constant 0 : i32
        %parallel_loop3A_581 = arith.constant 0 : i32
        %parallel_loop3A_582 = tpu.memref_slice %arg6[%parallel_loop3A_256, %parallel_loop3A_580, %parallel_loop3A_581] : memref<5x128x64xf32, #tpu.memory_space<vmem>> -> memref<1x128x64xf32, #tpu.memory_space<vmem>>
        %parallel_loop3A_583 = tpu.memref_squeeze %parallel_loop3A_582 : memref<1x128x64xf32, #tpu.memory_space<vmem>> -> memref<128x64xf32, #tpu.memory_space<vmem>>
        %parallel_loop3A_584 = arith.index_cast %parallel_loop3A_557 : i32 to index
        %parallel_loop3A_585 = arith.constant 48 : index
        %parallel_loop3A_586 = tpu.vector_load %parallel_loop3A_583[%parallel_loop3A_584, %parallel_loop3A_585] {strides = array<i32>} : memref<128x64xf32, #tpu.memory_space<vmem>>, vector<16xf32>,
        %parallel_loop3A_587 = arith.constant 0 : i32
        %parallel_loop3A_588 = arith.constant 0 : i32
        %parallel_loop3A_589 = arith.constant 0 : i32
        %parallel_loop3A_590 = tpu.memref_slice %arg7[%parallel_loop3A_257, %parallel_loop3A_587, %parallel_loop3A_588, %parallel_loop3A_589] : memref<5x8x8x129xf32, #tpu.memory_space<vmem>> -> memref<1x8x8x129xf32, #tpu.memory_space<vmem>>
        %parallel_loop3A_591 = tpu.memref_squeeze %parallel_loop3A_590 : memref<1x8x8x129xf32, #tpu.memory_space<vmem>> -> memref<8x8x129xf32, #tpu.memory_space<vmem>>
        tpu.vector_store_idx %parallel_loop3A_591[%shift_right_logical3A_54, %and3A_77, %parallel_loop3A_558], %parallel_loop3A_565 : memref<8x8x129xf32, #tpu.memory_space<vmem>>[vector<16xi32>, vector<16xi32>, vector<16xi32>], vector<16xf32>,
        %parallel_loop3A_592 = arith.constant 0 : i32
        %parallel_loop3A_593 = arith.constant 0 : i32
        %parallel_loop3A_594 = arith.constant 0 : i32
        %parallel_loop3A_595 = tpu.memref_slice %arg7[%parallel_loop3A_257, %parallel_loop3A_592, %parallel_loop3A_593, %parallel_loop3A_594] : memref<5x8x8x129xf32, #tpu.memory_space<vmem>> -> memref<1x8x8x129xf32, #tpu.memory_space<vmem>>
        %parallel_loop3A_596 = tpu.memref_squeeze %parallel_loop3A_595 : memref<1x8x8x129xf32, #tpu.memory_space<vmem>> -> memref<8x8x129xf32, #tpu.memory_space<vmem>>
        tpu.vector_store_idx %parallel_loop3A_596[%shift_right_logical3A_60, %and3A_83, %parallel_loop3A_558], %parallel_loop3A_572 : memref<8x8x129xf32, #tpu.memory_space<vmem>>[vector<16xi32>, vector<16xi32>, vector<16xi32>], vector<16xf32>,
        %parallel_loop3A_597 = arith.constant 0 : i32
        %parallel_loop3A_598 = arith.constant 0 : i32
        %parallel_loop3A_599 = arith.constant 0 : i32
        %parallel_loop3A_600 = tpu.memref_slice %arg7[%parallel_loop3A_257, %parallel_loop3A_597, %parallel_loop3A_598, %parallel_loop3A_599] : memref<5x8x8x129xf32, #tpu.memory_space<vmem>> -> memref<1x8x8x129xf32, #tpu.memory_space<vmem>>
        %parallel_loop3A_601 = tpu.memref_squeeze %parallel_loop3A_600 : memref<1x8x8x129xf32, #tpu.memory_space<vmem>> -> memref<8x8x129xf32, #tpu.memory_space<vmem>>
        tpu.vector_store_idx %parallel_loop3A_601[%shift_right_logical3A_66, %and3A_89, %parallel_loop3A_558], %parallel_loop3A_579 : memref<8x8x129xf32, #tpu.memory_space<vmem>>[vector<16xi32>, vector<16xi32>, vector<16xi32>], vector<16xf32>,
        %parallel_loop3A_602 = arith.constant 0 : i32
        %parallel_loop3A_603 = arith.constant 0 : i32
        %parallel_loop3A_604 = arith.constant 0 : i32
        %parallel_loop3A_605 = tpu.memref_slice %arg7[%parallel_loop3A_257, %parallel_loop3A_602, %parallel_loop3A_603, %parallel_loop3A_604] : memref<5x8x8x129xf32, #tpu.memory_space<vmem>> -> memref<1x8x8x129xf32, #tpu.memory_space<vmem>>
        %parallel_loop3A_606 = tpu.memref_squeeze %parallel_loop3A_605 : memref<1x8x8x129xf32, #tpu.memory_space<vmem>> -> memref<8x8x129xf32, #tpu.memory_space<vmem>>
        tpu.vector_store_idx %parallel_loop3A_606[%shift_right_logical3A_72, %and3A_95, %parallel_loop3A_558], %parallel_loop3A_586 : memref<8x8x129xf32, #tpu.memory_space<vmem>>[vector<16xi32>, vector<16xi32>, vector<16xi32>], vector<16xf32>,
      } {sc.loop_unroll_factor = 8 : i64, sc.parallel_access}
      %jit3A_258 = arith.constant 128 : i32
      %div3A_259 = arith.divsi %add3A_225, %jit3A_258 : i32
      %sign3A_260 = arith.constant 0 : i32
      %sign3A_261 = arith.cmpi sgt, %add3A_225, %sign3A_260 : i32
      %sign3A_262 = arith.extui %sign3A_261 : i1 to i32
      %sign3A_263 = arith.constant 0 : i32
      %sign3A_264 = arith.cmpi slt, %add3A_225, %sign3A_263 : i32
      %sign3A_265 = arith.extui %sign3A_264 : i1 to i32
      %sign3A_266 = arith.subi %sign3A_262, %sign3A_265 : i32
      %sign3A_267 = arith.constant 0 : i32
      %sign3A_268 = arith.cmpi sgt, %jit3A_258, %sign3A_267 : i32
      %sign3A_269 = arith.extui %sign3A_268 : i1 to i32
      %sign3A_270 = arith.constant 0 : i32
      %sign3A_271 = arith.cmpi slt, %jit3A_258, %sign3A_270 : i32
      %sign3A_272 = arith.extui %sign3A_271 : i1 to i32
      %sign3A_273 = arith.subi %sign3A_269, %sign3A_272 : i32
      %ne3A_274 = arith.cmpi ne, %sign3A_266, %sign3A_273 : i32
      %rem3A_275 = arith.remsi %add3A_225, %jit3A_258 : i32
      %ne3A_276 = arith.constant 0 : i32
      %ne3A_277 = arith.cmpi ne, %rem3A_275, %ne3A_276 : i32
      %and3A_278 = arith.andi %ne3A_274, %ne3A_277 : i1
      %sub3A_279 = arith.constant 1 : i32
      %sub3A_280 = arith.subi %div3A_259, %sub3A_279 : i32
      %select_n3A_281 = arith.select %and3A_278, %sub3A_280, %div3A_259 : i32
      %rem3A_282 = arith.constant 128 : i32
      %rem3A_283 = arith.remsi %add3A_225, %rem3A_282 : i32
      %dma_start3A_284 = arith.constant 1 : i32
      %dma_start3A_285 = arith.constant 0 : i32
      %dma_start3A_286 = arith.constant 0 : i32
      %dma_start3A_287 = arith.constant 0 : i32
      %dma_start3A_288 = tpu.memref_slice %arg7[%dma_start3A_284, %dma_start3A_285, %dma_start3A_286, %dma_start3A_287] : memref<5x8x8x129xf32, #tpu.memory_space<vmem>> -> memref<1x8x8x128xf32, #tpu.memory_space<vmem>>
      %dma_start3A_289 = tpu.memref_squeeze %dma_start3A_288 : memref<1x8x8x128xf32, #tpu.memory_space<vmem>> -> memref<8x8x128xf32, #tpu.memory_space<vmem>>
      %dma_start3A_290 = arith.constant 0 : i32
      %dma_start3A_291 = arith.constant 0 : i32
      %dma_start3A_292 = arith.constant 0 : i32
      %dma_start3A_293 = tpu.memref_slice %arg4[%select_n3A_281, %dma_start3A_290, %rem3A_283, %dma_start3A_291, %dma_start3A_292] : memref<50x8x128x8x128xf32, #tpu.memory_space<hbm>> -> memref<1x8x1x8x128xf32, #tpu.memory_space<hbm>>
      %dma_start3A_294 = tpu.memref_squeeze %dma_start3A_293 : memref<1x8x1x8x128xf32, #tpu.memory_space<hbm>> -> memref<8x8x128xf32, #tpu.memory_space<hbm>>
      %dma_start3A_295 = arith.constant 0 : i32
      %dma_start3A_296 = arith.constant 0 : i32
      %dma_start3A_297 = arith.constant 0 : i32
      %dma_start3A_298 = tpu.memref_slice %arg4[%select_n3A_281, %dma_start3A_295, %rem3A_283, %dma_start3A_296, %dma_start3A_297] : memref<50x8x128x8x128xf32, #tpu.memory_space<hbm>> -> memref<1x8x1x8x128xf32, #tpu.memory_space<hbm>>
      %dma_start3A_299 = tpu.memref_squeeze %dma_start3A_298 : memref<1x8x1x8x128xf32, #tpu.memory_space<hbm>> -> memref<8x8x128xf32, #tpu.memory_space<hbm>>
      %dma_start3A_300 = arith.constant 0 : i32
      %dma_start3A_301 = arith.constant 0 : i32
      %dma_start3A_302 = arith.constant 0 : i32
      %dma_start3A_303 = tpu.memref_slice %arg7[%dma_start3A_284, %dma_start3A_300, %dma_start3A_301, %dma_start3A_302] : memref<5x8x8x129xf32, #tpu.memory_space<vmem>> -> memref<1x8x8x128xf32, #tpu.memory_space<vmem>>
      %dma_start3A_304 = tpu.memref_squeeze %dma_start3A_303 : memref<1x8x8x128xf32, #tpu.memory_space<vmem>> -> memref<8x8x128xf32, #tpu.memory_space<vmem>>
      tpu.enqueue_dma source(%dma_start3A_304 : memref<8x8x128xf32, #tpu.memory_space<vmem>>) target(%dma_start3A_299 : memref<8x8x128xf32, #tpu.memory_space<hbm>>) target_semaphore(%arg9 : memref<!tpu.dma_semaphore, #tpu.memory_space<semaphore_mem>>)
      %mul3A_305 = arith.constant 5 : i32
      %mul3A_306 = arith.muli %scan3A_141, %mul3A_305 : i32
      %add3A_307 = arith.constant 2 : i32
      %add3A_308 = arith.addi %mul3A_306, %add3A_307 : i32
      %add3A_309 = arith.addi %mul3A_2, %add3A_308 : i32
      %add3A_310 = arith.constant 4 : i32
      %add3A_311 = arith.addi %add3A_308, %add3A_310 : i32
      %sub3A_312 = arith.constant 5 : i32
      %sub3A_313 = arith.subi %add3A_311, %sub3A_312 : i32
      %ge3A_314 = arith.constant 0 : i32
      %ge3A_315 = arith.cmpi sge, %sub3A_313, %ge3A_314 : i32
      %convert_element_type3A_316 = arith.extui %ge3A_315 : i1 to i32
      %cond3A_317 = arith.constant 0 : i32
      %cond3A_318 = arith.cmpi ne, %convert_element_type3A_316, %cond3A_317 : i32
      scf.if %cond3A_318 {
        %add3A_557 = arith.constant 4 : i32
        %add3A_558 = arith.addi %add3A_309, %add3A_557 : i32
        %sub3A_559 = arith.constant 5 : i32
        %sub3A_560 = arith.subi %add3A_558, %sub3A_559 : i32
        %jit3A_561 = arith.constant 128 : i32
        %div3A_562 = arith.divsi %sub3A_560, %jit3A_561 : i32
        %sign3A_563 = arith.constant 0 : i32
        %sign3A_564 = arith.cmpi sgt, %sub3A_560, %sign3A_563 : i32
        %sign3A_565 = arith.extui %sign3A_564 : i1 to i32
        %sign3A_566 = arith.constant 0 : i32
        %sign3A_567 = arith.cmpi slt, %sub3A_560, %sign3A_566 : i32
        %sign3A_568 = arith.extui %sign3A_567 : i1 to i32
        %sign3A_569 = arith.subi %sign3A_565, %sign3A_568 : i32
        %sign3A_570 = arith.constant 0 : i32
        %sign3A_571 = arith.cmpi sgt, %jit3A_561, %sign3A_570 : i32
        %sign3A_572 = arith.extui %sign3A_571 : i1 to i32
        %sign3A_573 = arith.constant 0 : i32
        %sign3A_574 = arith.cmpi slt, %jit3A_561, %sign3A_573 : i32
        %sign3A_575 = arith.extui %sign3A_574 : i1 to i32
        %sign3A_576 = arith.subi %sign3A_572, %sign3A_575 : i32
        %ne3A_577 = arith.cmpi ne, %sign3A_569, %sign3A_576 : i32
        %rem3A_578 = arith.remsi %sub3A_560, %jit3A_561 : i32
        %ne3A_579 = arith.constant 0 : i32
        %ne3A_580 = arith.cmpi ne, %rem3A_578, %ne3A_579 : i32
        %and3A_581 = arith.andi %ne3A_577, %ne3A_580 : i1
        %sub3A_582 = arith.constant 1 : i32
        %sub3A_583 = arith.subi %div3A_562, %sub3A_582 : i32
        %select_n3A_584 = arith.select %and3A_581, %sub3A_583, %div3A_562 : i32
        %rem3A_585 = arith.constant 128 : i32
        %rem3A_586 = arith.remsi %sub3A_560, %rem3A_585 : i32
        %dma_wait3A_587 = arith.constant 1 : i32
        %dma_wait3A_588 = arith.constant 0 : i32
        %dma_wait3A_589 = arith.constant 0 : i32
        %dma_wait3A_590 = arith.constant 0 : i32
        %dma_wait3A_591 = tpu.memref_slice %arg7[%dma_wait3A_587, %dma_wait3A_588, %dma_wait3A_589, %dma_wait3A_590] : memref<5x8x8x129xf32, #tpu.memory_space<vmem>> -> memref<1x8x8x128xf32, #tpu.memory_space<vmem>>
        %dma_wait3A_592 = tpu.memref_squeeze %dma_wait3A_591 : memref<1x8x8x128xf32, #tpu.memory_space<vmem>> -> memref<8x8x128xf32, #tpu.memory_space<vmem>>
        %dma_wait3A_593 = arith.constant 0 : i32
        %dma_wait3A_594 = arith.constant 0 : i32
        %dma_wait3A_595 = arith.constant 0 : i32
        %dma_wait3A_596 = tpu.memref_slice %arg4[%select_n3A_584, %dma_wait3A_593, %rem3A_586, %dma_wait3A_594, %dma_wait3A_595] : memref<50x8x128x8x128xf32, #tpu.memory_space<hbm>> -> memref<1x8x1x8x128xf32, #tpu.memory_space<hbm>>
        %dma_wait3A_597 = tpu.memref_squeeze %dma_wait3A_596 : memref<1x8x1x8x128xf32, #tpu.memory_space<hbm>> -> memref<8x8x128xf32, #tpu.memory_space<hbm>>
        %dma_wait3A_598 = arith.constant 0 : i32
        %dma_wait3A_599 = arith.constant 0 : i32
        %dma_wait3A_600 = arith.constant 0 : i32
        %dma_wait3A_601 = tpu.memref_slice %arg4[%select_n3A_584, %dma_wait3A_598, %rem3A_586, %dma_wait3A_599, %dma_wait3A_600] : memref<50x8x128x8x128xf32, #tpu.memory_space<hbm>> -> memref<1x8x1x8x128xf32, #tpu.memory_space<hbm>>
        %dma_wait3A_602 = tpu.memref_squeeze %dma_wait3A_601 : memref<1x8x1x8x128xf32, #tpu.memory_space<hbm>> -> memref<8x8x128xf32, #tpu.memory_space<hbm>>
        %dma_wait3A_603 = arith.constant 0 : i32
        %dma_wait3A_604 = arith.constant 0 : i32
        %dma_wait3A_605 = arith.constant 0 : i32
        %dma_wait3A_606 = tpu.memref_slice %arg7[%dma_wait3A_587, %dma_wait3A_603, %dma_wait3A_604, %dma_wait3A_605] : memref<5x8x8x129xf32, #tpu.memory_space<vmem>> -> memref<1x8x8x128xf32, #tpu.memory_space<vmem>>
        %dma_wait3A_607 = tpu.memref_squeeze %dma_wait3A_606 : memref<1x8x8x128xf32, #tpu.memory_space<vmem>> -> memref<8x8x128xf32, #tpu.memory_space<vmem>>
        tpu.wait_dma2 semaphore(%arg9 : memref<!tpu.dma_semaphore, #tpu.memory_space<semaphore_mem>>) src(%dma_wait3A_607 : memref<8x8x128xf32, #tpu.memory_space<vmem>>) dst(%dma_wait3A_602 : memref<8x8x128xf32, #tpu.memory_space<hbm>>)
      } else {
      }
      %add3A_319 = arith.constant 4 : i32
      %add3A_320 = arith.addi %add3A_308, %add3A_319 : i32
      %lt3A_321 = arith.constant 200 : i32
      %lt3A_322 = arith.cmpi slt, %add3A_320, %lt3A_321 : i32
      %convert_element_type3A_323 = arith.extui %lt3A_322 : i1 to i32
      %cond3A_324 = arith.constant 0 : i32
      %cond3A_325 = arith.cmpi ne, %convert_element_type3A_323, %cond3A_324 : i32
      scf.if %cond3A_325 {
        %add3A_557 = arith.constant 4 : i32
        %add3A_558 = arith.addi %add3A_308, %add3A_557 : i32
        %dma_start3A_559 = arith.constant 1 : i32
        %dma_start3A_560 = arith.constant 0 : i32
        %dma_start3A_561 = arith.constant 0 : i32
        %dma_start3A_562 = tpu.memref_slice %arg6[%dma_start3A_559, %dma_start3A_560, %dma_start3A_561] : memref<5x128x64xf32, #tpu.memory_space<vmem>> -> memref<1x128x64xf32, #tpu.memory_space<vmem>>
        %dma_start3A_563 = tpu.memref_squeeze %dma_start3A_562 : memref<1x128x64xf32, #tpu.memory_space<vmem>> -> memref<128x64xf32, #tpu.memory_space<vmem>>
        %dma_start3A_564 = arith.constant 0 : i32
        %dma_start3A_565 = tpu.memref_slice %arg5[%add3A_558, %dma_start3A_564] : memref<200x128xi32, #tpu.memory_space<vmem>> -> memref<1x128xi32, #tpu.memory_space<vmem>>
        %dma_start3A_566 = tpu.memref_squeeze %dma_start3A_565 : memref<1x128xi32, #tpu.memory_space<vmem>> -> memref<128xi32, #tpu.memory_space<vmem>>
        %dma_start3A_567 = arith.constant 0 : i32
        %dma_start3A_568 = arith.constant 0 : i32
        %dma_start3A_569 = tpu.memref_slice %arg2[%dma_start3A_567, %dma_start3A_568] : memref<1000000x64xf32, #tpu.memory_space<hbm>> -> memref<1000000x64xf32, #tpu.memory_space<hbm>>
        tpu.enqueue_indirect_dma source(%dma_start3A_569 : memref<1000000x64xf32, #tpu.memory_space<hbm>>) target(%dma_start3A_563 : memref<128x64xf32, #tpu.memory_space<vmem>>) offsets(%dma_start3A_566 : memref<128xi32, #tpu.memory_space<vmem>>) semaphore(%arg8 : memref<!tpu.dma_semaphore, #tpu.memory_space<semaphore_mem>>)
      } else {
      }
      %dma_wait3A_326 = arith.constant 2 : i32
      %dma_wait3A_327 = arith.constant 0 : i32
      %dma_wait3A_328 = arith.constant 0 : i32
      %dma_wait3A_329 = tpu.memref_slice %arg6[%dma_wait3A_326, %dma_wait3A_327, %dma_wait3A_328] : memref<5x128x64xf32, #tpu.memory_space<vmem>> -> memref<1x128x64xf32, #tpu.memory_space<vmem>>
      %dma_wait3A_330 = tpu.memref_squeeze %dma_wait3A_329 : memref<1x128x64xf32, #tpu.memory_space<vmem>> -> memref<128x64xf32, #tpu.memory_space<vmem>>
      %dma_wait3A_331 = arith.constant 0 : i32
      %dma_wait3A_332 = tpu.memref_slice %arg5[%add3A_308, %dma_wait3A_331] : memref<200x128xi32, #tpu.memory_space<vmem>> -> memref<1x128xi32, #tpu.memory_space<vmem>>
      %dma_wait3A_333 = tpu.memref_squeeze %dma_wait3A_332 : memref<1x128xi32, #tpu.memory_space<vmem>> -> memref<128xi32, #tpu.memory_space<vmem>>
      %dma_wait3A_334 = arith.constant 0 : i32
      %dma_wait3A_335 = arith.constant 0 : i32
      %dma_wait3A_336 = tpu.memref_slice %arg2[%dma_wait3A_334, %dma_wait3A_335] : memref<1000000x64xf32, #tpu.memory_space<hbm>> -> memref<1000000x64xf32, #tpu.memory_space<hbm>>
      tpu.wait_indirect_dma semaphore(%arg8 : memref<!tpu.dma_semaphore, #tpu.memory_space<semaphore_mem>>) src(%dma_wait3A_336 : memref<1000000x64xf32, #tpu.memory_space<hbm>>) dst(%dma_wait3A_330 : memref<128x64xf32, #tpu.memory_space<vmem>>)
      %parallel_loop3A_337 = arith.constant 0 : i32
      %parallel_loop3A_338 = arith.constant 128 : i32
      %parallel_loop3A_339 = arith.constant 1 : i32
      %parallel_loop3A_340 = arith.constant 2 : i32
      %parallel_loop3A_341 = arith.constant 2 : i32
      scf.for %parallel_loop3A_557 = %parallel_loop3A_337 to %parallel_loop3A_338 step %parallel_loop3A_339  : i32 {
        %parallel_loop3A_558 = vector.broadcast %parallel_loop3A_557 : i32 to vector<16xi32>
        %parallel_loop3A_559 = arith.constant 0 : i32
        %parallel_loop3A_560 = arith.constant 0 : i32
        %parallel_loop3A_561 = tpu.memref_slice %arg6[%parallel_loop3A_340, %parallel_loop3A_559, %parallel_loop3A_560] : memref<5x128x64xf32, #tpu.memory_space<vmem>> -> memref<1x128x64xf32, #tpu.memory_space<vmem>>
        %parallel_loop3A_562 = tpu.memref_squeeze %parallel_loop3A_561 : memref<1x128x64xf32, #tpu.memory_space<vmem>> -> memref<128x64xf32, #tpu.memory_space<vmem>>
        %parallel_loop3A_563 = arith.index_cast %parallel_loop3A_557 : i32 to index
        %parallel_loop3A_564 = arith.constant 0 : index
        %parallel_loop3A_565 = tpu.vector_load %parallel_loop3A_562[%parallel_loop3A_563, %parallel_loop3A_564] {strides = array<i32>} : memref<128x64xf32, #tpu.memory_space<vmem>>, vector<16xf32>,
        %parallel_loop3A_566 = arith.constant 0 : i32
        %parallel_loop3A_567 = arith.constant 0 : i32
        %parallel_loop3A_568 = tpu.memref_slice %arg6[%parallel_loop3A_340, %parallel_loop3A_566, %parallel_loop3A_567] : memref<5x128x64xf32, #tpu.memory_space<vmem>> -> memref<1x128x64xf32, #tpu.memory_space<vmem>>
        %parallel_loop3A_569 = tpu.memref_squeeze %parallel_loop3A_568 : memref<1x128x64xf32, #tpu.memory_space<vmem>> -> memref<128x64xf32, #tpu.memory_space<vmem>>
        %parallel_loop3A_570 = arith.index_cast %parallel_loop3A_557 : i32 to index
        %parallel_loop3A_571 = arith.constant 16 : index
        %parallel_loop3A_572 = tpu.vector_load %parallel_loop3A_569[%parallel_loop3A_570, %parallel_loop3A_571] {strides = array<i32>} : memref<128x64xf32, #tpu.memory_space<vmem>>, vector<16xf32>,
        %parallel_loop3A_573 = arith.constant 0 : i32
        %parallel_loop3A_574 = arith.constant 0 : i32
        %parallel_loop3A_575 = tpu.memref_slice %arg6[%parallel_loop3A_340, %parallel_loop3A_573, %parallel_loop3A_574] : memref<5x128x64xf32, #tpu.memory_space<vmem>> -> memref<1x128x64xf32, #tpu.memory_space<vmem>>
        %parallel_loop3A_576 = tpu.memref_squeeze %parallel_loop3A_575 : memref<1x128x64xf32, #tpu.memory_space<vmem>> -> memref<128x64xf32, #tpu.memory_space<vmem>>
        %parallel_loop3A_577 = arith.index_cast %parallel_loop3A_557 : i32 to index
        %parallel_loop3A_578 = arith.constant 32 : index
        %parallel_loop3A_579 = tpu.vector_load %parallel_loop3A_576[%parallel_loop3A_577, %parallel_loop3A_578] {strides = array<i32>} : memref<128x64xf32, #tpu.memory_space<vmem>>, vector<16xf32>,
        %parallel_loop3A_580 = arith.constant 0 : i32
        %parallel_loop3A_581 = arith.constant 0 : i32
        %parallel_loop3A_582 = tpu.memref_slice %arg6[%parallel_loop3A_340, %parallel_loop3A_580, %parallel_loop3A_581] : memref<5x128x64xf32, #tpu.memory_space<vmem>> -> memref<1x128x64xf32, #tpu.memory_space<vmem>>
        %parallel_loop3A_583 = tpu.memref_squeeze %parallel_loop3A_582 : memref<1x128x64xf32, #tpu.memory_space<vmem>> -> memref<128x64xf32, #tpu.memory_space<vmem>>
        %parallel_loop3A_584 = arith.index_cast %parallel_loop3A_557 : i32 to index
        %parallel_loop3A_585 = arith.constant 48 : index
        %parallel_loop3A_586 = tpu.vector_load %parallel_loop3A_583[%parallel_loop3A_584, %parallel_loop3A_585] {strides = array<i32>} : memref<128x64xf32, #tpu.memory_space<vmem>>, vector<16xf32>,
        %parallel_loop3A_587 = arith.constant 0 : i32
        %parallel_loop3A_588 = arith.constant 0 : i32
        %parallel_loop3A_589 = arith.constant 0 : i32
        %parallel_loop3A_590 = tpu.memref_slice %arg7[%parallel_loop3A_341, %parallel_loop3A_587, %parallel_loop3A_588, %parallel_loop3A_589] : memref<5x8x8x129xf32, #tpu.memory_space<vmem>> -> memref<1x8x8x129xf32, #tpu.memory_space<vmem>>
        %parallel_loop3A_591 = tpu.memref_squeeze %parallel_loop3A_590 : memref<1x8x8x129xf32, #tpu.memory_space<vmem>> -> memref<8x8x129xf32, #tpu.memory_space<vmem>>
        tpu.vector_store_idx %parallel_loop3A_591[%shift_right_logical3A_54, %and3A_77, %parallel_loop3A_558], %parallel_loop3A_565 : memref<8x8x129xf32, #tpu.memory_space<vmem>>[vector<16xi32>, vector<16xi32>, vector<16xi32>], vector<16xf32>,
        %parallel_loop3A_592 = arith.constant 0 : i32
        %parallel_loop3A_593 = arith.constant 0 : i32
        %parallel_loop3A_594 = arith.constant 0 : i32
        %parallel_loop3A_595 = tpu.memref_slice %arg7[%parallel_loop3A_341, %parallel_loop3A_592, %parallel_loop3A_593, %parallel_loop3A_594] : memref<5x8x8x129xf32, #tpu.memory_space<vmem>> -> memref<1x8x8x129xf32, #tpu.memory_space<vmem>>
        %parallel_loop3A_596 = tpu.memref_squeeze %parallel_loop3A_595 : memref<1x8x8x129xf32, #tpu.memory_space<vmem>> -> memref<8x8x129xf32, #tpu.memory_space<vmem>>
        tpu.vector_store_idx %parallel_loop3A_596[%shift_right_logical3A_60, %and3A_83, %parallel_loop3A_558], %parallel_loop3A_572 : memref<8x8x129xf32, #tpu.memory_space<vmem>>[vector<16xi32>, vector<16xi32>, vector<16xi32>], vector<16xf32>,
        %parallel_loop3A_597 = arith.constant 0 : i32
        %parallel_loop3A_598 = arith.constant 0 : i32
        %parallel_loop3A_599 = arith.constant 0 : i32
        %parallel_loop3A_600 = tpu.memref_slice %arg7[%parallel_loop3A_341, %parallel_loop3A_597, %parallel_loop3A_598, %parallel_loop3A_599] : memref<5x8x8x129xf32, #tpu.memory_space<vmem>> -> memref<1x8x8x129xf32, #tpu.memory_space<vmem>>
        %parallel_loop3A_601 = tpu.memref_squeeze %parallel_loop3A_600 : memref<1x8x8x129xf32, #tpu.memory_space<vmem>> -> memref<8x8x129xf32, #tpu.memory_space<vmem>>
        tpu.vector_store_idx %parallel_loop3A_601[%shift_right_logical3A_66, %and3A_89, %parallel_loop3A_558], %parallel_loop3A_579 : memref<8x8x129xf32, #tpu.memory_space<vmem>>[vector<16xi32>, vector<16xi32>, vector<16xi32>], vector<16xf32>,
        %parallel_loop3A_602 = arith.constant 0 : i32
        %parallel_loop3A_603 = arith.constant 0 : i32
        %parallel_loop3A_604 = arith.constant 0 : i32
        %parallel_loop3A_605 = tpu.memref_slice %arg7[%parallel_loop3A_341, %parallel_loop3A_602, %parallel_loop3A_603, %parallel_loop3A_604] : memref<5x8x8x129xf32, #tpu.memory_space<vmem>> -> memref<1x8x8x129xf32, #tpu.memory_space<vmem>>
        %parallel_loop3A_606 = tpu.memref_squeeze %parallel_loop3A_605 : memref<1x8x8x129xf32, #tpu.memory_space<vmem>> -> memref<8x8x129xf32, #tpu.memory_space<vmem>>
        tpu.vector_store_idx %parallel_loop3A_606[%shift_right_logical3A_72, %and3A_95, %parallel_loop3A_558], %parallel_loop3A_586 : memref<8x8x129xf32, #tpu.memory_space<vmem>>[vector<16xi32>, vector<16xi32>, vector<16xi32>], vector<16xf32>,
      } {sc.loop_unroll_factor = 8 : i64, sc.parallel_access}
      %jit3A_342 = arith.constant 128 : i32
      %div3A_343 = arith.divsi %add3A_309, %jit3A_342 : i32
      %sign3A_344 = arith.constant 0 : i32
      %sign3A_345 = arith.cmpi sgt, %add3A_309, %sign3A_344 : i32
      %sign3A_346 = arith.extui %sign3A_345 : i1 to i32
      %sign3A_347 = arith.constant 0 : i32
      %sign3A_348 = arith.cmpi slt, %add3A_309, %sign3A_347 : i32
      %sign3A_349 = arith.extui %sign3A_348 : i1 to i32
      %sign3A_350 = arith.subi %sign3A_346, %sign3A_349 : i32
      %sign3A_351 = arith.constant 0 : i32
      %sign3A_352 = arith.cmpi sgt, %jit3A_342, %sign3A_351 : i32
      %sign3A_353 = arith.extui %sign3A_352 : i1 to i32
      %sign3A_354 = arith.constant 0 : i32
      %sign3A_355 = arith.cmpi slt, %jit3A_342, %sign3A_354 : i32
      %sign3A_356 = arith.extui %sign3A_355 : i1 to i32
      %sign3A_357 = arith.subi %sign3A_353, %sign3A_356 : i32
      %ne3A_358 = arith.cmpi ne, %sign3A_350, %sign3A_357 : i32
      %rem3A_359 = arith.remsi %add3A_309, %jit3A_342 : i32
      %ne3A_360 = arith.constant 0 : i32
      %ne3A_361 = arith.cmpi ne, %rem3A_359, %ne3A_360 : i32
      %and3A_362 = arith.andi %ne3A_358, %ne3A_361 : i1
      %sub3A_363 = arith.constant 1 : i32
      %sub3A_364 = arith.subi %div3A_343, %sub3A_363 : i32
      %select_n3A_365 = arith.select %and3A_362, %sub3A_364, %div3A_343 : i32
      %rem3A_366 = arith.constant 128 : i32
      %rem3A_367 = arith.remsi %add3A_309, %rem3A_366 : i32
      %dma_start3A_368 = arith.constant 2 : i32
      %dma_start3A_369 = arith.constant 0 : i32
      %dma_start3A_370 = arith.constant 0 : i32
      %dma_start3A_371 = arith.constant 0 : i32
      %dma_start3A_372 = tpu.memref_slice %arg7[%dma_start3A_368, %dma_start3A_369, %dma_start3A_370, %dma_start3A_371] : memref<5x8x8x129xf32, #tpu.memory_space<vmem>> -> memref<1x8x8x128xf32, #tpu.memory_space<vmem>>
      %dma_start3A_373 = tpu.memref_squeeze %dma_start3A_372 : memref<1x8x8x128xf32, #tpu.memory_space<vmem>> -> memref<8x8x128xf32, #tpu.memory_space<vmem>>
      %dma_start3A_374 = arith.constant 0 : i32
      %dma_start3A_375 = arith.constant 0 : i32
      %dma_start3A_376 = arith.constant 0 : i32
      %dma_start3A_377 = tpu.memref_slice %arg4[%select_n3A_365, %dma_start3A_374, %rem3A_367, %dma_start3A_375, %dma_start3A_376] : memref<50x8x128x8x128xf32, #tpu.memory_space<hbm>> -> memref<1x8x1x8x128xf32, #tpu.memory_space<hbm>>
      %dma_start3A_378 = tpu.memref_squeeze %dma_start3A_377 : memref<1x8x1x8x128xf32, #tpu.memory_space<hbm>> -> memref<8x8x128xf32, #tpu.memory_space<hbm>>
      %dma_start3A_379 = arith.constant 0 : i32
      %dma_start3A_380 = arith.constant 0 : i32
      %dma_start3A_381 = arith.constant 0 : i32
      %dma_start3A_382 = tpu.memref_slice %arg4[%select_n3A_365, %dma_start3A_379, %rem3A_367, %dma_start3A_380, %dma_start3A_381] : memref<50x8x128x8x128xf32, #tpu.memory_space<hbm>> -> memref<1x8x1x8x128xf32, #tpu.memory_space<hbm>>
      %dma_start3A_383 = tpu.memref_squeeze %dma_start3A_382 : memref<1x8x1x8x128xf32, #tpu.memory_space<hbm>> -> memref<8x8x128xf32, #tpu.memory_space<hbm>>
      %dma_start3A_384 = arith.constant 0 : i32
      %dma_start3A_385 = arith.constant 0 : i32
      %dma_start3A_386 = arith.constant 0 : i32
      %dma_start3A_387 = tpu.memref_slice %arg7[%dma_start3A_368, %dma_start3A_384, %dma_start3A_385, %dma_start3A_386] : memref<5x8x8x129xf32, #tpu.memory_space<vmem>> -> memref<1x8x8x128xf32, #tpu.memory_space<vmem>>
      %dma_start3A_388 = tpu.memref_squeeze %dma_start3A_387 : memref<1x8x8x128xf32, #tpu.memory_space<vmem>> -> memref<8x8x128xf32, #tpu.memory_space<vmem>>
      tpu.enqueue_dma source(%dma_start3A_388 : memref<8x8x128xf32, #tpu.memory_space<vmem>>) target(%dma_start3A_383 : memref<8x8x128xf32, #tpu.memory_space<hbm>>) target_semaphore(%arg9 : memref<!tpu.dma_semaphore, #tpu.memory_space<semaphore_mem>>)
      %mul3A_389 = arith.constant 5 : i32
      %mul3A_390 = arith.muli %scan3A_141, %mul3A_389 : i32
      %add3A_391 = arith.constant 3 : i32
      %add3A_392 = arith.addi %mul3A_390, %add3A_391 : i32
      %add3A_393 = arith.addi %mul3A_2, %add3A_392 : i32
      %add3A_394 = arith.constant 4 : i32
      %add3A_395 = arith.addi %add3A_392, %add3A_394 : i32
      %sub3A_396 = arith.constant 5 : i32
      %sub3A_397 = arith.subi %add3A_395, %sub3A_396 : i32
      %ge3A_398 = arith.constant 0 : i32
      %ge3A_399 = arith.cmpi sge, %sub3A_397, %ge3A_398 : i32
      %convert_element_type3A_400 = arith.extui %ge3A_399 : i1 to i32
      %cond3A_401 = arith.constant 0 : i32
      %cond3A_402 = arith.cmpi ne, %convert_element_type3A_400, %cond3A_401 : i32
      scf.if %cond3A_402 {
        %add3A_557 = arith.constant 4 : i32
        %add3A_558 = arith.addi %add3A_393, %add3A_557 : i32
        %sub3A_559 = arith.constant 5 : i32
        %sub3A_560 = arith.subi %add3A_558, %sub3A_559 : i32
        %jit3A_561 = arith.constant 128 : i32
        %div3A_562 = arith.divsi %sub3A_560, %jit3A_561 : i32
        %sign3A_563 = arith.constant 0 : i32
        %sign3A_564 = arith.cmpi sgt, %sub3A_560, %sign3A_563 : i32
        %sign3A_565 = arith.extui %sign3A_564 : i1 to i32
        %sign3A_566 = arith.constant 0 : i32
        %sign3A_567 = arith.cmpi slt, %sub3A_560, %sign3A_566 : i32
        %sign3A_568 = arith.extui %sign3A_567 : i1 to i32
        %sign3A_569 = arith.subi %sign3A_565, %sign3A_568 : i32
        %sign3A_570 = arith.constant 0 : i32
        %sign3A_571 = arith.cmpi sgt, %jit3A_561, %sign3A_570 : i32
        %sign3A_572 = arith.extui %sign3A_571 : i1 to i32
        %sign3A_573 = arith.constant 0 : i32
        %sign3A_574 = arith.cmpi slt, %jit3A_561, %sign3A_573 : i32
        %sign3A_575 = arith.extui %sign3A_574 : i1 to i32
        %sign3A_576 = arith.subi %sign3A_572, %sign3A_575 : i32
        %ne3A_577 = arith.cmpi ne, %sign3A_569, %sign3A_576 : i32
        %rem3A_578 = arith.remsi %sub3A_560, %jit3A_561 : i32
        %ne3A_579 = arith.constant 0 : i32
        %ne3A_580 = arith.cmpi ne, %rem3A_578, %ne3A_579 : i32
        %and3A_581 = arith.andi %ne3A_577, %ne3A_580 : i1
        %sub3A_582 = arith.constant 1 : i32
        %sub3A_583 = arith.subi %div3A_562, %sub3A_582 : i32
        %select_n3A_584 = arith.select %and3A_581, %sub3A_583, %div3A_562 : i32
        %rem3A_585 = arith.constant 128 : i32
        %rem3A_586 = arith.remsi %sub3A_560, %rem3A_585 : i32
        %dma_wait3A_587 = arith.constant 2 : i32
        %dma_wait3A_588 = arith.constant 0 : i32
        %dma_wait3A_589 = arith.constant 0 : i32
        %dma_wait3A_590 = arith.constant 0 : i32
        %dma_wait3A_591 = tpu.memref_slice %arg7[%dma_wait3A_587, %dma_wait3A_588, %dma_wait3A_589, %dma_wait3A_590] : memref<5x8x8x129xf32, #tpu.memory_space<vmem>> -> memref<1x8x8x128xf32, #tpu.memory_space<vmem>>
        %dma_wait3A_592 = tpu.memref_squeeze %dma_wait3A_591 : memref<1x8x8x128xf32, #tpu.memory_space<vmem>> -> memref<8x8x128xf32, #tpu.memory_space<vmem>>
        %dma_wait3A_593 = arith.constant 0 : i32
        %dma_wait3A_594 = arith.constant 0 : i32
        %dma_wait3A_595 = arith.constant 0 : i32
        %dma_wait3A_596 = tpu.memref_slice %arg4[%select_n3A_584, %dma_wait3A_593, %rem3A_586, %dma_wait3A_594, %dma_wait3A_595] : memref<50x8x128x8x128xf32, #tpu.memory_space<hbm>> -> memref<1x8x1x8x128xf32, #tpu.memory_space<hbm>>
        %dma_wait3A_597 = tpu.memref_squeeze %dma_wait3A_596 : memref<1x8x1x8x128xf32, #tpu.memory_space<hbm>> -> memref<8x8x128xf32, #tpu.memory_space<hbm>>
        %dma_wait3A_598 = arith.constant 0 : i32
        %dma_wait3A_599 = arith.constant 0 : i32
        %dma_wait3A_600 = arith.constant 0 : i32
        %dma_wait3A_601 = tpu.memref_slice %arg4[%select_n3A_584, %dma_wait3A_598, %rem3A_586, %dma_wait3A_599, %dma_wait3A_600] : memref<50x8x128x8x128xf32, #tpu.memory_space<hbm>> -> memref<1x8x1x8x128xf32, #tpu.memory_space<hbm>>
        %dma_wait3A_602 = tpu.memref_squeeze %dma_wait3A_601 : memref<1x8x1x8x128xf32, #tpu.memory_space<hbm>> -> memref<8x8x128xf32, #tpu.memory_space<hbm>>
        %dma_wait3A_603 = arith.constant 0 : i32
        %dma_wait3A_604 = arith.constant 0 : i32
        %dma_wait3A_605 = arith.constant 0 : i32
        %dma_wait3A_606 = tpu.memref_slice %arg7[%dma_wait3A_587, %dma_wait3A_603, %dma_wait3A_604, %dma_wait3A_605] : memref<5x8x8x129xf32, #tpu.memory_space<vmem>> -> memref<1x8x8x128xf32, #tpu.memory_space<vmem>>
        %dma_wait3A_607 = tpu.memref_squeeze %dma_wait3A_606 : memref<1x8x8x128xf32, #tpu.memory_space<vmem>> -> memref<8x8x128xf32, #tpu.memory_space<vmem>>
        tpu.wait_dma2 semaphore(%arg9 : memref<!tpu.dma_semaphore, #tpu.memory_space<semaphore_mem>>) src(%dma_wait3A_607 : memref<8x8x128xf32, #tpu.memory_space<vmem>>) dst(%dma_wait3A_602 : memref<8x8x128xf32, #tpu.memory_space<hbm>>)
      } else {
      }
      %add3A_403 = arith.constant 4 : i32
      %add3A_404 = arith.addi %add3A_392, %add3A_403 : i32
      %lt3A_405 = arith.constant 200 : i32
      %lt3A_406 = arith.cmpi slt, %add3A_404, %lt3A_405 : i32
      %convert_element_type3A_407 = arith.extui %lt3A_406 : i1 to i32
      %cond3A_408 = arith.constant 0 : i32
      %cond3A_409 = arith.cmpi ne, %convert_element_type3A_407, %cond3A_408 : i32
      scf.if %cond3A_409 {
        %add3A_557 = arith.constant 4 : i32
        %add3A_558 = arith.addi %add3A_392, %add3A_557 : i32
        %dma_start3A_559 = arith.constant 2 : i32
        %dma_start3A_560 = arith.constant 0 : i32
        %dma_start3A_561 = arith.constant 0 : i32
        %dma_start3A_562 = tpu.memref_slice %arg6[%dma_start3A_559, %dma_start3A_560, %dma_start3A_561] : memref<5x128x64xf32, #tpu.memory_space<vmem>> -> memref<1x128x64xf32, #tpu.memory_space<vmem>>
        %dma_start3A_563 = tpu.memref_squeeze %dma_start3A_562 : memref<1x128x64xf32, #tpu.memory_space<vmem>> -> memref<128x64xf32, #tpu.memory_space<vmem>>
        %dma_start3A_564 = arith.constant 0 : i32
        %dma_start3A_565 = tpu.memref_slice %arg5[%add3A_558, %dma_start3A_564] : memref<200x128xi32, #tpu.memory_space<vmem>> -> memref<1x128xi32, #tpu.memory_space<vmem>>
        %dma_start3A_566 = tpu.memref_squeeze %dma_start3A_565 : memref<1x128xi32, #tpu.memory_space<vmem>> -> memref<128xi32, #tpu.memory_space<vmem>>
        %dma_start3A_567 = arith.constant 0 : i32
        %dma_start3A_568 = arith.constant 0 : i32
        %dma_start3A_569 = tpu.memref_slice %arg2[%dma_start3A_567, %dma_start3A_568] : memref<1000000x64xf32, #tpu.memory_space<hbm>> -> memref<1000000x64xf32, #tpu.memory_space<hbm>>
        tpu.enqueue_indirect_dma source(%dma_start3A_569 : memref<1000000x64xf32, #tpu.memory_space<hbm>>) target(%dma_start3A_563 : memref<128x64xf32, #tpu.memory_space<vmem>>) offsets(%dma_start3A_566 : memref<128xi32, #tpu.memory_space<vmem>>) semaphore(%arg8 : memref<!tpu.dma_semaphore, #tpu.memory_space<semaphore_mem>>)
      } else {
      }
      %dma_wait3A_410 = arith.constant 3 : i32
      %dma_wait3A_411 = arith.constant 0 : i32
      %dma_wait3A_412 = arith.constant 0 : i32
      %dma_wait3A_413 = tpu.memref_slice %arg6[%dma_wait3A_410, %dma_wait3A_411, %dma_wait3A_412] : memref<5x128x64xf32, #tpu.memory_space<vmem>> -> memref<1x128x64xf32, #tpu.memory_space<vmem>>
      %dma_wait3A_414 = tpu.memref_squeeze %dma_wait3A_413 : memref<1x128x64xf32, #tpu.memory_space<vmem>> -> memref<128x64xf32, #tpu.memory_space<vmem>>
      %dma_wait3A_415 = arith.constant 0 : i32
      %dma_wait3A_416 = tpu.memref_slice %arg5[%add3A_392, %dma_wait3A_415] : memref<200x128xi32, #tpu.memory_space<vmem>> -> memref<1x128xi32, #tpu.memory_space<vmem>>
      %dma_wait3A_417 = tpu.memref_squeeze %dma_wait3A_416 : memref<1x128xi32, #tpu.memory_space<vmem>> -> memref<128xi32, #tpu.memory_space<vmem>>
      %dma_wait3A_418 = arith.constant 0 : i32
      %dma_wait3A_419 = arith.constant 0 : i32
      %dma_wait3A_420 = tpu.memref_slice %arg2[%dma_wait3A_418, %dma_wait3A_419] : memref<1000000x64xf32, #tpu.memory_space<hbm>> -> memref<1000000x64xf32, #tpu.memory_space<hbm>>
      tpu.wait_indirect_dma semaphore(%arg8 : memref<!tpu.dma_semaphore, #tpu.memory_space<semaphore_mem>>) src(%dma_wait3A_420 : memref<1000000x64xf32, #tpu.memory_space<hbm>>) dst(%dma_wait3A_414 : memref<128x64xf32, #tpu.memory_space<vmem>>)
      %parallel_loop3A_421 = arith.constant 0 : i32
      %parallel_loop3A_422 = arith.constant 128 : i32
      %parallel_loop3A_423 = arith.constant 1 : i32
      %parallel_loop3A_424 = arith.constant 3 : i32
      %parallel_loop3A_425 = arith.constant 3 : i32
      scf.for %parallel_loop3A_557 = %parallel_loop3A_421 to %parallel_loop3A_422 step %parallel_loop3A_423  : i32 {
        %parallel_loop3A_558 = vector.broadcast %parallel_loop3A_557 : i32 to vector<16xi32>
        %parallel_loop3A_559 = arith.constant 0 : i32
        %parallel_loop3A_560 = arith.constant 0 : i32
        %parallel_loop3A_561 = tpu.memref_slice %arg6[%parallel_loop3A_424, %parallel_loop3A_559, %parallel_loop3A_560] : memref<5x128x64xf32, #tpu.memory_space<vmem>> -> memref<1x128x64xf32, #tpu.memory_space<vmem>>
        %parallel_loop3A_562 = tpu.memref_squeeze %parallel_loop3A_561 : memref<1x128x64xf32, #tpu.memory_space<vmem>> -> memref<128x64xf32, #tpu.memory_space<vmem>>
        %parallel_loop3A_563 = arith.index_cast %parallel_loop3A_557 : i32 to index
        %parallel_loop3A_564 = arith.constant 0 : index
        %parallel_loop3A_565 = tpu.vector_load %parallel_loop3A_562[%parallel_loop3A_563, %parallel_loop3A_564] {strides = array<i32>} : memref<128x64xf32, #tpu.memory_space<vmem>>, vector<16xf32>,
        %parallel_loop3A_566 = arith.constant 0 : i32
        %parallel_loop3A_567 = arith.constant 0 : i32
        %parallel_loop3A_568 = tpu.memref_slice %arg6[%parallel_loop3A_424, %parallel_loop3A_566, %parallel_loop3A_567] : memref<5x128x64xf32, #tpu.memory_space<vmem>> -> memref<1x128x64xf32, #tpu.memory_space<vmem>>
        %parallel_loop3A_569 = tpu.memref_squeeze %parallel_loop3A_568 : memref<1x128x64xf32, #tpu.memory_space<vmem>> -> memref<128x64xf32, #tpu.memory_space<vmem>>
        %parallel_loop3A_570 = arith.index_cast %parallel_loop3A_557 : i32 to index
        %parallel_loop3A_571 = arith.constant 16 : index
        %parallel_loop3A_572 = tpu.vector_load %parallel_loop3A_569[%parallel_loop3A_570, %parallel_loop3A_571] {strides = array<i32>} : memref<128x64xf32, #tpu.memory_space<vmem>>, vector<16xf32>,
        %parallel_loop3A_573 = arith.constant 0 : i32
        %parallel_loop3A_574 = arith.constant 0 : i32
        %parallel_loop3A_575 = tpu.memref_slice %arg6[%parallel_loop3A_424, %parallel_loop3A_573, %parallel_loop3A_574] : memref<5x128x64xf32, #tpu.memory_space<vmem>> -> memref<1x128x64xf32, #tpu.memory_space<vmem>>
        %parallel_loop3A_576 = tpu.memref_squeeze %parallel_loop3A_575 : memref<1x128x64xf32, #tpu.memory_space<vmem>> -> memref<128x64xf32, #tpu.memory_space<vmem>>
        %parallel_loop3A_577 = arith.index_cast %parallel_loop3A_557 : i32 to index
        %parallel_loop3A_578 = arith.constant 32 : index
        %parallel_loop3A_579 = tpu.vector_load %parallel_loop3A_576[%parallel_loop3A_577, %parallel_loop3A_578] {strides = array<i32>} : memref<128x64xf32, #tpu.memory_space<vmem>>, vector<16xf32>,
        %parallel_loop3A_580 = arith.constant 0 : i32
        %parallel_loop3A_581 = arith.constant 0 : i32
        %parallel_loop3A_582 = tpu.memref_slice %arg6[%parallel_loop3A_424, %parallel_loop3A_580, %parallel_loop3A_581] : memref<5x128x64xf32, #tpu.memory_space<vmem>> -> memref<1x128x64xf32, #tpu.memory_space<vmem>>
        %parallel_loop3A_583 = tpu.memref_squeeze %parallel_loop3A_582 : memref<1x128x64xf32, #tpu.memory_space<vmem>> -> memref<128x64xf32, #tpu.memory_space<vmem>>
        %parallel_loop3A_584 = arith.index_cast %parallel_loop3A_557 : i32 to index
        %parallel_loop3A_585 = arith.constant 48 : index
        %parallel_loop3A_586 = tpu.vector_load %parallel_loop3A_583[%parallel_loop3A_584, %parallel_loop3A_585] {strides = array<i32>} : memref<128x64xf32, #tpu.memory_space<vmem>>, vector<16xf32>,
        %parallel_loop3A_587 = arith.constant 0 : i32
        %parallel_loop3A_588 = arith.constant 0 : i32
        %parallel_loop3A_589 = arith.constant 0 : i32
        %parallel_loop3A_590 = tpu.memref_slice %arg7[%parallel_loop3A_425, %parallel_loop3A_587, %parallel_loop3A_588, %parallel_loop3A_589] : memref<5x8x8x129xf32, #tpu.memory_space<vmem>> -> memref<1x8x8x129xf32, #tpu.memory_space<vmem>>
        %parallel_loop3A_591 = tpu.memref_squeeze %parallel_loop3A_590 : memref<1x8x8x129xf32, #tpu.memory_space<vmem>> -> memref<8x8x129xf32, #tpu.memory_space<vmem>>
        tpu.vector_store_idx %parallel_loop3A_591[%shift_right_logical3A_54, %and3A_77, %parallel_loop3A_558], %parallel_loop3A_565 : memref<8x8x129xf32, #tpu.memory_space<vmem>>[vector<16xi32>, vector<16xi32>, vector<16xi32>], vector<16xf32>,
        %parallel_loop3A_592 = arith.constant 0 : i32
        %parallel_loop3A_593 = arith.constant 0 : i32
        %parallel_loop3A_594 = arith.constant 0 : i32
        %parallel_loop3A_595 = tpu.memref_slice %arg7[%parallel_loop3A_425, %parallel_loop3A_592, %parallel_loop3A_593, %parallel_loop3A_594] : memref<5x8x8x129xf32, #tpu.memory_space<vmem>> -> memref<1x8x8x129xf32, #tpu.memory_space<vmem>>
        %parallel_loop3A_596 = tpu.memref_squeeze %parallel_loop3A_595 : memref<1x8x8x129xf32, #tpu.memory_space<vmem>> -> memref<8x8x129xf32, #tpu.memory_space<vmem>>
        tpu.vector_store_idx %parallel_loop3A_596[%shift_right_logical3A_60, %and3A_83, %parallel_loop3A_558], %parallel_loop3A_572 : memref<8x8x129xf32, #tpu.memory_space<vmem>>[vector<16xi32>, vector<16xi32>, vector<16xi32>], vector<16xf32>,
        %parallel_loop3A_597 = arith.constant 0 : i32
        %parallel_loop3A_598 = arith.constant 0 : i32
        %parallel_loop3A_599 = arith.constant 0 : i32
        %parallel_loop3A_600 = tpu.memref_slice %arg7[%parallel_loop3A_425, %parallel_loop3A_597, %parallel_loop3A_598, %parallel_loop3A_599] : memref<5x8x8x129xf32, #tpu.memory_space<vmem>> -> memref<1x8x8x129xf32, #tpu.memory_space<vmem>>
        %parallel_loop3A_601 = tpu.memref_squeeze %parallel_loop3A_600 : memref<1x8x8x129xf32, #tpu.memory_space<vmem>> -> memref<8x8x129xf32, #tpu.memory_space<vmem>>
        tpu.vector_store_idx %parallel_loop3A_601[%shift_right_logical3A_66, %and3A_89, %parallel_loop3A_558], %parallel_loop3A_579 : memref<8x8x129xf32, #tpu.memory_space<vmem>>[vector<16xi32>, vector<16xi32>, vector<16xi32>], vector<16xf32>,
        %parallel_loop3A_602 = arith.constant 0 : i32
        %parallel_loop3A_603 = arith.constant 0 : i32
        %parallel_loop3A_604 = arith.constant 0 : i32
        %parallel_loop3A_605 = tpu.memref_slice %arg7[%parallel_loop3A_425, %parallel_loop3A_602, %parallel_loop3A_603, %parallel_loop3A_604] : memref<5x8x8x129xf32, #tpu.memory_space<vmem>> -> memref<1x8x8x129xf32, #tpu.memory_space<vmem>>
        %parallel_loop3A_606 = tpu.memref_squeeze %parallel_loop3A_605 : memref<1x8x8x129xf32, #tpu.memory_space<vmem>> -> memref<8x8x129xf32, #tpu.memory_space<vmem>>
        tpu.vector_store_idx %parallel_loop3A_606[%shift_right_logical3A_72, %and3A_95, %parallel_loop3A_558], %parallel_loop3A_586 : memref<8x8x129xf32, #tpu.memory_space<vmem>>[vector<16xi32>, vector<16xi32>, vector<16xi32>], vector<16xf32>,
      } {sc.loop_unroll_factor = 8 : i64, sc.parallel_access}
      %jit3A_426 = arith.constant 128 : i32
      %div3A_427 = arith.divsi %add3A_393, %jit3A_426 : i32
      %sign3A_428 = arith.constant 0 : i32
      %sign3A_429 = arith.cmpi sgt, %add3A_393, %sign3A_428 : i32
      %sign3A_430 = arith.extui %sign3A_429 : i1 to i32
      %sign3A_431 = arith.constant 0 : i32
      %sign3A_432 = arith.cmpi slt, %add3A_393, %sign3A_431 : i32
      %sign3A_433 = arith.extui %sign3A_432 : i1 to i32
      %sign3A_434 = arith.subi %sign3A_430, %sign3A_433 : i32
      %sign3A_435 = arith.constant 0 : i32
      %sign3A_436 = arith.cmpi sgt, %jit3A_426, %sign3A_435 : i32
      %sign3A_437 = arith.extui %sign3A_436 : i1 to i32
      %sign3A_438 = arith.constant 0 : i32
      %sign3A_439 = arith.cmpi slt, %jit3A_426, %sign3A_438 : i32
      %sign3A_440 = arith.extui %sign3A_439 : i1 to i32
      %sign3A_441 = arith.subi %sign3A_437, %sign3A_440 : i32
      %ne3A_442 = arith.cmpi ne, %sign3A_434, %sign3A_441 : i32
      %rem3A_443 = arith.remsi %add3A_393, %jit3A_426 : i32
      %ne3A_444 = arith.constant 0 : i32
      %ne3A_445 = arith.cmpi ne, %rem3A_443, %ne3A_444 : i32
      %and3A_446 = arith.andi %ne3A_442, %ne3A_445 : i1
      %sub3A_447 = arith.constant 1 : i32
      %sub3A_448 = arith.subi %div3A_427, %sub3A_447 : i32
      %select_n3A_449 = arith.select %and3A_446, %sub3A_448, %div3A_427 : i32
      %rem3A_450 = arith.constant 128 : i32
      %rem3A_451 = arith.remsi %add3A_393, %rem3A_450 : i32
      %dma_start3A_452 = arith.constant 3 : i32
      %dma_start3A_453 = arith.constant 0 : i32
      %dma_start3A_454 = arith.constant 0 : i32
      %dma_start3A_455 = arith.constant 0 : i32
      %dma_start3A_456 = tpu.memref_slice %arg7[%dma_start3A_452, %dma_start3A_453, %dma_start3A_454, %dma_start3A_455] : memref<5x8x8x129xf32, #tpu.memory_space<vmem>> -> memref<1x8x8x128xf32, #tpu.memory_space<vmem>>
      %dma_start3A_457 = tpu.memref_squeeze %dma_start3A_456 : memref<1x8x8x128xf32, #tpu.memory_space<vmem>> -> memref<8x8x128xf32, #tpu.memory_space<vmem>>
      %dma_start3A_458 = arith.constant 0 : i32
      %dma_start3A_459 = arith.constant 0 : i32
      %dma_start3A_460 = arith.constant 0 : i32
      %dma_start3A_461 = tpu.memref_slice %arg4[%select_n3A_449, %dma_start3A_458, %rem3A_451, %dma_start3A_459, %dma_start3A_460] : memref<50x8x128x8x128xf32, #tpu.memory_space<hbm>> -> memref<1x8x1x8x128xf32, #tpu.memory_space<hbm>>
      %dma_start3A_462 = tpu.memref_squeeze %dma_start3A_461 : memref<1x8x1x8x128xf32, #tpu.memory_space<hbm>> -> memref<8x8x128xf32, #tpu.memory_space<hbm>>
      %dma_start3A_463 = arith.constant 0 : i32
      %dma_start3A_464 = arith.constant 0 : i32
      %dma_start3A_465 = arith.constant 0 : i32
      %dma_start3A_466 = tpu.memref_slice %arg4[%select_n3A_449, %dma_start3A_463, %rem3A_451, %dma_start3A_464, %dma_start3A_465] : memref<50x8x128x8x128xf32, #tpu.memory_space<hbm>> -> memref<1x8x1x8x128xf32, #tpu.memory_space<hbm>>
      %dma_start3A_467 = tpu.memref_squeeze %dma_start3A_466 : memref<1x8x1x8x128xf32, #tpu.memory_space<hbm>> -> memref<8x8x128xf32, #tpu.memory_space<hbm>>
      %dma_start3A_468 = arith.constant 0 : i32
      %dma_start3A_469 = arith.constant 0 : i32
      %dma_start3A_470 = arith.constant 0 : i32
      %dma_start3A_471 = tpu.memref_slice %arg7[%dma_start3A_452, %dma_start3A_468, %dma_start3A_469, %dma_start3A_470] : memref<5x8x8x129xf32, #tpu.memory_space<vmem>> -> memref<1x8x8x128xf32, #tpu.memory_space<vmem>>
      %dma_start3A_472 = tpu.memref_squeeze %dma_start3A_471 : memref<1x8x8x128xf32, #tpu.memory_space<vmem>> -> memref<8x8x128xf32, #tpu.memory_space<vmem>>
      tpu.enqueue_dma source(%dma_start3A_472 : memref<8x8x128xf32, #tpu.memory_space<vmem>>) target(%dma_start3A_467 : memref<8x8x128xf32, #tpu.memory_space<hbm>>) target_semaphore(%arg9 : memref<!tpu.dma_semaphore, #tpu.memory_space<semaphore_mem>>)
      %mul3A_473 = arith.constant 5 : i32
      %mul3A_474 = arith.muli %scan3A_141, %mul3A_473 : i32
      %add3A_475 = arith.constant 4 : i32
      %add3A_476 = arith.addi %mul3A_474, %add3A_475 : i32
      %add3A_477 = arith.addi %mul3A_2, %add3A_476 : i32
      %add3A_478 = arith.constant 4 : i32
      %add3A_479 = arith.addi %add3A_476, %add3A_478 : i32
      %sub3A_480 = arith.constant 5 : i32
      %sub3A_481 = arith.subi %add3A_479, %sub3A_480 : i32
      %ge3A_482 = arith.constant 0 : i32
      %ge3A_483 = arith.cmpi sge, %sub3A_481, %ge3A_482 : i32
      %convert_element_type3A_484 = arith.extui %ge3A_483 : i1 to i32
      %cond3A_485 = arith.constant 0 : i32
      %cond3A_486 = arith.cmpi ne, %convert_element_type3A_484, %cond3A_485 : i32
      scf.if %cond3A_486 {
        %add3A_557 = arith.constant 4 : i32
        %add3A_558 = arith.addi %add3A_477, %add3A_557 : i32
        %sub3A_559 = arith.constant 5 : i32
        %sub3A_560 = arith.subi %add3A_558, %sub3A_559 : i32
        %jit3A_561 = arith.constant 128 : i32
        %div3A_562 = arith.divsi %sub3A_560, %jit3A_561 : i32
        %sign3A_563 = arith.constant 0 : i32
        %sign3A_564 = arith.cmpi sgt, %sub3A_560, %sign3A_563 : i32
        %sign3A_565 = arith.extui %sign3A_564 : i1 to i32
        %sign3A_566 = arith.constant 0 : i32
        %sign3A_567 = arith.cmpi slt, %sub3A_560, %sign3A_566 : i32
        %sign3A_568 = arith.extui %sign3A_567 : i1 to i32
        %sign3A_569 = arith.subi %sign3A_565, %sign3A_568 : i32
        %sign3A_570 = arith.constant 0 : i32
        %sign3A_571 = arith.cmpi sgt, %jit3A_561, %sign3A_570 : i32
        %sign3A_572 = arith.extui %sign3A_571 : i1 to i32
        %sign3A_573 = arith.constant 0 : i32
        %sign3A_574 = arith.cmpi slt, %jit3A_561, %sign3A_573 : i32
        %sign3A_575 = arith.extui %sign3A_574 : i1 to i32
        %sign3A_576 = arith.subi %sign3A_572, %sign3A_575 : i32
        %ne3A_577 = arith.cmpi ne, %sign3A_569, %sign3A_576 : i32
        %rem3A_578 = arith.remsi %sub3A_560, %jit3A_561 : i32
        %ne3A_579 = arith.constant 0 : i32
        %ne3A_580 = arith.cmpi ne, %rem3A_578, %ne3A_579 : i32
        %and3A_581 = arith.andi %ne3A_577, %ne3A_580 : i1
        %sub3A_582 = arith.constant 1 : i32
        %sub3A_583 = arith.subi %div3A_562, %sub3A_582 : i32
        %select_n3A_584 = arith.select %and3A_581, %sub3A_583, %div3A_562 : i32
        %rem3A_585 = arith.constant 128 : i32
        %rem3A_586 = arith.remsi %sub3A_560, %rem3A_585 : i32
        %dma_wait3A_587 = arith.constant 3 : i32
        %dma_wait3A_588 = arith.constant 0 : i32
        %dma_wait3A_589 = arith.constant 0 : i32
        %dma_wait3A_590 = arith.constant 0 : i32
        %dma_wait3A_591 = tpu.memref_slice %arg7[%dma_wait3A_587, %dma_wait3A_588, %dma_wait3A_589, %dma_wait3A_590] : memref<5x8x8x129xf32, #tpu.memory_space<vmem>> -> memref<1x8x8x128xf32, #tpu.memory_space<vmem>>
        %dma_wait3A_592 = tpu.memref_squeeze %dma_wait3A_591 : memref<1x8x8x128xf32, #tpu.memory_space<vmem>> -> memref<8x8x128xf32, #tpu.memory_space<vmem>>
        %dma_wait3A_593 = arith.constant 0 : i32
        %dma_wait3A_594 = arith.constant 0 : i32
        %dma_wait3A_595 = arith.constant 0 : i32
        %dma_wait3A_596 = tpu.memref_slice %arg4[%select_n3A_584, %dma_wait3A_593, %rem3A_586, %dma_wait3A_594, %dma_wait3A_595] : memref<50x8x128x8x128xf32, #tpu.memory_space<hbm>> -> memref<1x8x1x8x128xf32, #tpu.memory_space<hbm>>
        %dma_wait3A_597 = tpu.memref_squeeze %dma_wait3A_596 : memref<1x8x1x8x128xf32, #tpu.memory_space<hbm>> -> memref<8x8x128xf32, #tpu.memory_space<hbm>>
        %dma_wait3A_598 = arith.constant 0 : i32
        %dma_wait3A_599 = arith.constant 0 : i32
        %dma_wait3A_600 = arith.constant 0 : i32
        %dma_wait3A_601 = tpu.memref_slice %arg4[%select_n3A_584, %dma_wait3A_598, %rem3A_586, %dma_wait3A_599, %dma_wait3A_600] : memref<50x8x128x8x128xf32, #tpu.memory_space<hbm>> -> memref<1x8x1x8x128xf32, #tpu.memory_space<hbm>>
        %dma_wait3A_602 = tpu.memref_squeeze %dma_wait3A_601 : memref<1x8x1x8x128xf32, #tpu.memory_space<hbm>> -> memref<8x8x128xf32, #tpu.memory_space<hbm>>
        %dma_wait3A_603 = arith.constant 0 : i32
        %dma_wait3A_604 = arith.constant 0 : i32
        %dma_wait3A_605 = arith.constant 0 : i32
        %dma_wait3A_606 = tpu.memref_slice %arg7[%dma_wait3A_587, %dma_wait3A_603, %dma_wait3A_604, %dma_wait3A_605] : memref<5x8x8x129xf32, #tpu.memory_space<vmem>> -> memref<1x8x8x128xf32, #tpu.memory_space<vmem>>
        %dma_wait3A_607 = tpu.memref_squeeze %dma_wait3A_606 : memref<1x8x8x128xf32, #tpu.memory_space<vmem>> -> memref<8x8x128xf32, #tpu.memory_space<vmem>>
        tpu.wait_dma2 semaphore(%arg9 : memref<!tpu.dma_semaphore, #tpu.memory_space<semaphore_mem>>) src(%dma_wait3A_607 : memref<8x8x128xf32, #tpu.memory_space<vmem>>) dst(%dma_wait3A_602 : memref<8x8x128xf32, #tpu.memory_space<hbm>>)
      } else {
      }
      %add3A_487 = arith.constant 4 : i32
      %add3A_488 = arith.addi %add3A_476, %add3A_487 : i32
      %lt3A_489 = arith.constant 200 : i32
      %lt3A_490 = arith.cmpi slt, %add3A_488, %lt3A_489 : i32
      %convert_element_type3A_491 = arith.extui %lt3A_490 : i1 to i32
      %cond3A_492 = arith.constant 0 : i32
      %cond3A_493 = arith.cmpi ne, %convert_element_type3A_491, %cond3A_492 : i32
      scf.if %cond3A_493 {
        %add3A_557 = arith.constant 4 : i32
        %add3A_558 = arith.addi %add3A_476, %add3A_557 : i32
        %dma_start3A_559 = arith.constant 3 : i32
        %dma_start3A_560 = arith.constant 0 : i32
        %dma_start3A_561 = arith.constant 0 : i32
        %dma_start3A_562 = tpu.memref_slice %arg6[%dma_start3A_559, %dma_start3A_560, %dma_start3A_561] : memref<5x128x64xf32, #tpu.memory_space<vmem>> -> memref<1x128x64xf32, #tpu.memory_space<vmem>>
        %dma_start3A_563 = tpu.memref_squeeze %dma_start3A_562 : memref<1x128x64xf32, #tpu.memory_space<vmem>> -> memref<128x64xf32, #tpu.memory_space<vmem>>
        %dma_start3A_564 = arith.constant 0 : i32
        %dma_start3A_565 = tpu.memref_slice %arg5[%add3A_558, %dma_start3A_564] : memref<200x128xi32, #tpu.memory_space<vmem>> -> memref<1x128xi32, #tpu.memory_space<vmem>>
        %dma_start3A_566 = tpu.memref_squeeze %dma_start3A_565 : memref<1x128xi32, #tpu.memory_space<vmem>> -> memref<128xi32, #tpu.memory_space<vmem>>
        %dma_start3A_567 = arith.constant 0 : i32
        %dma_start3A_568 = arith.constant 0 : i32
        %dma_start3A_569 = tpu.memref_slice %arg2[%dma_start3A_567, %dma_start3A_568] : memref<1000000x64xf32, #tpu.memory_space<hbm>> -> memref<1000000x64xf32, #tpu.memory_space<hbm>>
        tpu.enqueue_indirect_dma source(%dma_start3A_569 : memref<1000000x64xf32, #tpu.memory_space<hbm>>) target(%dma_start3A_563 : memref<128x64xf32, #tpu.memory_space<vmem>>) offsets(%dma_start3A_566 : memref<128xi32, #tpu.memory_space<vmem>>) semaphore(%arg8 : memref<!tpu.dma_semaphore, #tpu.memory_space<semaphore_mem>>)
      } else {
      }
      %dma_wait3A_494 = arith.constant 4 : i32
      %dma_wait3A_495 = arith.constant 0 : i32
      %dma_wait3A_496 = arith.constant 0 : i32
      %dma_wait3A_497 = tpu.memref_slice %arg6[%dma_wait3A_494, %dma_wait3A_495, %dma_wait3A_496] : memref<5x128x64xf32, #tpu.memory_space<vmem>> -> memref<1x128x64xf32, #tpu.memory_space<vmem>>
      %dma_wait3A_498 = tpu.memref_squeeze %dma_wait3A_497 : memref<1x128x64xf32, #tpu.memory_space<vmem>> -> memref<128x64xf32, #tpu.memory_space<vmem>>
      %dma_wait3A_499 = arith.constant 0 : i32
      %dma_wait3A_500 = tpu.memref_slice %arg5[%add3A_476, %dma_wait3A_499] : memref<200x128xi32, #tpu.memory_space<vmem>> -> memref<1x128xi32, #tpu.memory_space<vmem>>
      %dma_wait3A_501 = tpu.memref_squeeze %dma_wait3A_500 : memref<1x128xi32, #tpu.memory_space<vmem>> -> memref<128xi32, #tpu.memory_space<vmem>>
      %dma_wait3A_502 = arith.constant 0 : i32
      %dma_wait3A_503 = arith.constant 0 : i32
      %dma_wait3A_504 = tpu.memref_slice %arg2[%dma_wait3A_502, %dma_wait3A_503] : memref<1000000x64xf32, #tpu.memory_space<hbm>> -> memref<1000000x64xf32, #tpu.memory_space<hbm>>
      tpu.wait_indirect_dma semaphore(%arg8 : memref<!tpu.dma_semaphore, #tpu.memory_space<semaphore_mem>>) src(%dma_wait3A_504 : memref<1000000x64xf32, #tpu.memory_space<hbm>>) dst(%dma_wait3A_498 : memref<128x64xf32, #tpu.memory_space<vmem>>)
      %parallel_loop3A_505 = arith.constant 0 : i32
      %parallel_loop3A_506 = arith.constant 128 : i32
      %parallel_loop3A_507 = arith.constant 1 : i32
      %parallel_loop3A_508 = arith.constant 4 : i32
      %parallel_loop3A_509 = arith.constant 4 : i32
      scf.for %parallel_loop3A_557 = %parallel_loop3A_505 to %parallel_loop3A_506 step %parallel_loop3A_507  : i32 {
        %parallel_loop3A_558 = vector.broadcast %parallel_loop3A_557 : i32 to vector<16xi32>
        %parallel_loop3A_559 = arith.constant 0 : i32
        %parallel_loop3A_560 = arith.constant 0 : i32
        %parallel_loop3A_561 = tpu.memref_slice %arg6[%parallel_loop3A_508, %parallel_loop3A_559, %parallel_loop3A_560] : memref<5x128x64xf32, #tpu.memory_space<vmem>> -> memref<1x128x64xf32, #tpu.memory_space<vmem>>
        %parallel_loop3A_562 = tpu.memref_squeeze %parallel_loop3A_561 : memref<1x128x64xf32, #tpu.memory_space<vmem>> -> memref<128x64xf32, #tpu.memory_space<vmem>>
        %parallel_loop3A_563 = arith.index_cast %parallel_loop3A_557 : i32 to index
        %parallel_loop3A_564 = arith.constant 0 : index
        %parallel_loop3A_565 = tpu.vector_load %parallel_loop3A_562[%parallel_loop3A_563, %parallel_loop3A_564] {strides = array<i32>} : memref<128x64xf32, #tpu.memory_space<vmem>>, vector<16xf32>,
        %parallel_loop3A_566 = arith.constant 0 : i32
        %parallel_loop3A_567 = arith.constant 0 : i32
        %parallel_loop3A_568 = tpu.memref_slice %arg6[%parallel_loop3A_508, %parallel_loop3A_566, %parallel_loop3A_567] : memref<5x128x64xf32, #tpu.memory_space<vmem>> -> memref<1x128x64xf32, #tpu.memory_space<vmem>>
        %parallel_loop3A_569 = tpu.memref_squeeze %parallel_loop3A_568 : memref<1x128x64xf32, #tpu.memory_space<vmem>> -> memref<128x64xf32, #tpu.memory_space<vmem>>
        %parallel_loop3A_570 = arith.index_cast %parallel_loop3A_557 : i32 to index
        %parallel_loop3A_571 = arith.constant 16 : index
        %parallel_loop3A_572 = tpu.vector_load %parallel_loop3A_569[%parallel_loop3A_570, %parallel_loop3A_571] {strides = array<i32>} : memref<128x64xf32, #tpu.memory_space<vmem>>, vector<16xf32>,
        %parallel_loop3A_573 = arith.constant 0 : i32
        %parallel_loop3A_574 = arith.constant 0 : i32
        %parallel_loop3A_575 = tpu.memref_slice %arg6[%parallel_loop3A_508, %parallel_loop3A_573, %parallel_loop3A_574] : memref<5x128x64xf32, #tpu.memory_space<vmem>> -> memref<1x128x64xf32, #tpu.memory_space<vmem>>
        %parallel_loop3A_576 = tpu.memref_squeeze %parallel_loop3A_575 : memref<1x128x64xf32, #tpu.memory_space<vmem>> -> memref<128x64xf32, #tpu.memory_space<vmem>>
        %parallel_loop3A_577 = arith.index_cast %parallel_loop3A_557 : i32 to index
        %parallel_loop3A_578 = arith.constant 32 : index
        %parallel_loop3A_579 = tpu.vector_load %parallel_loop3A_576[%parallel_loop3A_577, %parallel_loop3A_578] {strides = array<i32>} : memref<128x64xf32, #tpu.memory_space<vmem>>, vector<16xf32>,
        %parallel_loop3A_580 = arith.constant 0 : i32
        %parallel_loop3A_581 = arith.constant 0 : i32
        %parallel_loop3A_582 = tpu.memref_slice %arg6[%parallel_loop3A_508, %parallel_loop3A_580, %parallel_loop3A_581] : memref<5x128x64xf32, #tpu.memory_space<vmem>> -> memref<1x128x64xf32, #tpu.memory_space<vmem>>
        %parallel_loop3A_583 = tpu.memref_squeeze %parallel_loop3A_582 : memref<1x128x64xf32, #tpu.memory_space<vmem>> -> memref<128x64xf32, #tpu.memory_space<vmem>>
        %parallel_loop3A_584 = arith.index_cast %parallel_loop3A_557 : i32 to index
        %parallel_loop3A_585 = arith.constant 48 : index
        %parallel_loop3A_586 = tpu.vector_load %parallel_loop3A_583[%parallel_loop3A_584, %parallel_loop3A_585] {strides = array<i32>} : memref<128x64xf32, #tpu.memory_space<vmem>>, vector<16xf32>,
        %parallel_loop3A_587 = arith.constant 0 : i32
        %parallel_loop3A_588 = arith.constant 0 : i32
        %parallel_loop3A_589 = arith.constant 0 : i32
        %parallel_loop3A_590 = tpu.memref_slice %arg7[%parallel_loop3A_509, %parallel_loop3A_587, %parallel_loop3A_588, %parallel_loop3A_589] : memref<5x8x8x129xf32, #tpu.memory_space<vmem>> -> memref<1x8x8x129xf32, #tpu.memory_space<vmem>>
        %parallel_loop3A_591 = tpu.memref_squeeze %parallel_loop3A_590 : memref<1x8x8x129xf32, #tpu.memory_space<vmem>> -> memref<8x8x129xf32, #tpu.memory_space<vmem>>
        tpu.vector_store_idx %parallel_loop3A_591[%shift_right_logical3A_54, %and3A_77, %parallel_loop3A_558], %parallel_loop3A_565 : memref<8x8x129xf32, #tpu.memory_space<vmem>>[vector<16xi32>, vector<16xi32>, vector<16xi32>], vector<16xf32>,
        %parallel_loop3A_592 = arith.constant 0 : i32
        %parallel_loop3A_593 = arith.constant 0 : i32
        %parallel_loop3A_594 = arith.constant 0 : i32
        %parallel_loop3A_595 = tpu.memref_slice %arg7[%parallel_loop3A_509, %parallel_loop3A_592, %parallel_loop3A_593, %parallel_loop3A_594] : memref<5x8x8x129xf32, #tpu.memory_space<vmem>> -> memref<1x8x8x129xf32, #tpu.memory_space<vmem>>
        %parallel_loop3A_596 = tpu.memref_squeeze %parallel_loop3A_595 : memref<1x8x8x129xf32, #tpu.memory_space<vmem>> -> memref<8x8x129xf32, #tpu.memory_space<vmem>>
        tpu.vector_store_idx %parallel_loop3A_596[%shift_right_logical3A_60, %and3A_83, %parallel_loop3A_558], %parallel_loop3A_572 : memref<8x8x129xf32, #tpu.memory_space<vmem>>[vector<16xi32>, vector<16xi32>, vector<16xi32>], vector<16xf32>,
        %parallel_loop3A_597 = arith.constant 0 : i32
        %parallel_loop3A_598 = arith.constant 0 : i32
        %parallel_loop3A_599 = arith.constant 0 : i32
        %parallel_loop3A_600 = tpu.memref_slice %arg7[%parallel_loop3A_509, %parallel_loop3A_597, %parallel_loop3A_598, %parallel_loop3A_599] : memref<5x8x8x129xf32, #tpu.memory_space<vmem>> -> memref<1x8x8x129xf32, #tpu.memory_space<vmem>>
        %parallel_loop3A_601 = tpu.memref_squeeze %parallel_loop3A_600 : memref<1x8x8x129xf32, #tpu.memory_space<vmem>> -> memref<8x8x129xf32, #tpu.memory_space<vmem>>
        tpu.vector_store_idx %parallel_loop3A_601[%shift_right_logical3A_66, %and3A_89, %parallel_loop3A_558], %parallel_loop3A_579 : memref<8x8x129xf32, #tpu.memory_space<vmem>>[vector<16xi32>, vector<16xi32>, vector<16xi32>], vector<16xf32>,
        %parallel_loop3A_602 = arith.constant 0 : i32
        %parallel_loop3A_603 = arith.constant 0 : i32
        %parallel_loop3A_604 = arith.constant 0 : i32
        %parallel_loop3A_605 = tpu.memref_slice %arg7[%parallel_loop3A_509, %parallel_loop3A_602, %parallel_loop3A_603, %parallel_loop3A_604] : memref<5x8x8x129xf32, #tpu.memory_space<vmem>> -> memref<1x8x8x129xf32, #tpu.memory_space<vmem>>
        %parallel_loop3A_606 = tpu.memref_squeeze %parallel_loop3A_605 : memref<1x8x8x129xf32, #tpu.memory_space<vmem>> -> memref<8x8x129xf32, #tpu.memory_space<vmem>>
        tpu.vector_store_idx %parallel_loop3A_606[%shift_right_logical3A_72, %and3A_95, %parallel_loop3A_558], %parallel_loop3A_586 : memref<8x8x129xf32, #tpu.memory_space<vmem>>[vector<16xi32>, vector<16xi32>, vector<16xi32>], vector<16xf32>,
      } {sc.loop_unroll_factor = 8 : i64, sc.parallel_access}
      %jit3A_510 = arith.constant 128 : i32
      %div3A_511 = arith.divsi %add3A_477, %jit3A_510 : i32
      %sign3A_512 = arith.constant 0 : i32
      %sign3A_513 = arith.cmpi sgt, %add3A_477, %sign3A_512 : i32
      %sign3A_514 = arith.extui %sign3A_513 : i1 to i32
      %sign3A_515 = arith.constant 0 : i32
      %sign3A_516 = arith.cmpi slt, %add3A_477, %sign3A_515 : i32
      %sign3A_517 = arith.extui %sign3A_516 : i1 to i32
      %sign3A_518 = arith.subi %sign3A_514, %sign3A_517 : i32
      %sign3A_519 = arith.constant 0 : i32
      %sign3A_520 = arith.cmpi sgt, %jit3A_510, %sign3A_519 : i32
      %sign3A_521 = arith.extui %sign3A_520 : i1 to i32
      %sign3A_522 = arith.constant 0 : i32
      %sign3A_523 = arith.cmpi slt, %jit3A_510, %sign3A_522 : i32
      %sign3A_524 = arith.extui %sign3A_523 : i1 to i32
      %sign3A_525 = arith.subi %sign3A_521, %sign3A_524 : i32
      %ne3A_526 = arith.cmpi ne, %sign3A_518, %sign3A_525 : i32
      %rem3A_527 = arith.remsi %add3A_477, %jit3A_510 : i32
      %ne3A_528 = arith.constant 0 : i32
      %ne3A_529 = arith.cmpi ne, %rem3A_527, %ne3A_528 : i32
      %and3A_530 = arith.andi %ne3A_526, %ne3A_529 : i1
      %sub3A_531 = arith.constant 1 : i32
      %sub3A_532 = arith.subi %div3A_511, %sub3A_531 : i32
      %select_n3A_533 = arith.select %and3A_530, %sub3A_532, %div3A_511 : i32
      %rem3A_534 = arith.constant 128 : i32
      %rem3A_535 = arith.remsi %add3A_477, %rem3A_534 : i32
      %dma_start3A_536 = arith.constant 4 : i32
      %dma_start3A_537 = arith.constant 0 : i32
      %dma_start3A_538 = arith.constant 0 : i32
      %dma_start3A_539 = arith.constant 0 : i32
      %dma_start3A_540 = tpu.memref_slice %arg7[%dma_start3A_536, %dma_start3A_537, %dma_start3A_538, %dma_start3A_539] : memref<5x8x8x129xf32, #tpu.memory_space<vmem>> -> memref<1x8x8x128xf32, #tpu.memory_space<vmem>>
      %dma_start3A_541 = tpu.memref_squeeze %dma_start3A_540 : memref<1x8x8x128xf32, #tpu.memory_space<vmem>> -> memref<8x8x128xf32, #tpu.memory_space<vmem>>
      %dma_start3A_542 = arith.constant 0 : i32
      %dma_start3A_543 = arith.constant 0 : i32
      %dma_start3A_544 = arith.constant 0 : i32
      %dma_start3A_545 = tpu.memref_slice %arg4[%select_n3A_533, %dma_start3A_542, %rem3A_535, %dma_start3A_543, %dma_start3A_544] : memref<50x8x128x8x128xf32, #tpu.memory_space<hbm>> -> memref<1x8x1x8x128xf32, #tpu.memory_space<hbm>>
      %dma_start3A_546 = tpu.memref_squeeze %dma_start3A_545 : memref<1x8x1x8x128xf32, #tpu.memory_space<hbm>> -> memref<8x8x128xf32, #tpu.memory_space<hbm>>
      %dma_start3A_547 = arith.constant 0 : i32
      %dma_start3A_548 = arith.constant 0 : i32
      %dma_start3A_549 = arith.constant 0 : i32
      %dma_start3A_550 = tpu.memref_slice %arg4[%select_n3A_533, %dma_start3A_547, %rem3A_535, %dma_start3A_548, %dma_start3A_549] : memref<50x8x128x8x128xf32, #tpu.memory_space<hbm>> -> memref<1x8x1x8x128xf32, #tpu.memory_space<hbm>>
      %dma_start3A_551 = tpu.memref_squeeze %dma_start3A_550 : memref<1x8x1x8x128xf32, #tpu.memory_space<hbm>> -> memref<8x8x128xf32, #tpu.memory_space<hbm>>
      %dma_start3A_552 = arith.constant 0 : i32
      %dma_start3A_553 = arith.constant 0 : i32
      %dma_start3A_554 = arith.constant 0 : i32
      %dma_start3A_555 = tpu.memref_slice %arg7[%dma_start3A_536, %dma_start3A_552, %dma_start3A_553, %dma_start3A_554] : memref<5x8x8x129xf32, #tpu.memory_space<vmem>> -> memref<1x8x8x128xf32, #tpu.memory_space<vmem>>
      %dma_start3A_556 = tpu.memref_squeeze %dma_start3A_555 : memref<1x8x8x128xf32, #tpu.memory_space<vmem>> -> memref<8x8x128xf32, #tpu.memory_space<vmem>>
      tpu.enqueue_dma source(%dma_start3A_556 : memref<8x8x128xf32, #tpu.memory_space<vmem>>) target(%dma_start3A_551 : memref<8x8x128xf32, #tpu.memory_space<hbm>>) target_semaphore(%arg9 : memref<!tpu.dma_semaphore, #tpu.memory_space<semaphore_mem>>)
    }
    %scan3A_99 = arith.constant 40 : i32
    %add3A_100 = arith.constant 199 : i32
    %add3A_101 = arith.addi %mul3A_2, %add3A_100 : i32
    %jit3A = arith.constant 128 : i32
    %div3A = arith.divsi %add3A_101, %jit3A : i32
    %sign3A = arith.constant 0 : i32
    %sign3A_102 = arith.cmpi sgt, %add3A_101, %sign3A : i32
    %sign3A_103 = arith.extui %sign3A_102 : i1 to i32
    %sign3A_104 = arith.constant 0 : i32
    %sign3A_105 = arith.cmpi slt, %add3A_101, %sign3A_104 : i32
    %sign3A_106 = arith.extui %sign3A_105 : i1 to i32
    %sign3A_107 = arith.subi %sign3A_103, %sign3A_106 : i32
    %sign3A_108 = arith.constant 0 : i32
    %sign3A_109 = arith.cmpi sgt, %jit3A, %sign3A_108 : i32
    %sign3A_110 = arith.extui %sign3A_109 : i1 to i32
    %sign3A_111 = arith.constant 0 : i32
    %sign3A_112 = arith.cmpi slt, %jit3A, %sign3A_111 : i32
    %sign3A_113 = arith.extui %sign3A_112 : i1 to i32
    %sign3A_114 = arith.subi %sign3A_110, %sign3A_113 : i32
    %ne3A = arith.cmpi ne, %sign3A_107, %sign3A_114 : i32
    %rem3A = arith.remsi %add3A_101, %jit3A : i32
    %ne3A_115 = arith.constant 0 : i32
    %ne3A_116 = arith.cmpi ne, %rem3A, %ne3A_115 : i32
    %and3A_117 = arith.andi %ne3A, %ne3A_116 : i1
    %sub3A = arith.constant 1 : i32
    %sub3A_118 = arith.subi %div3A, %sub3A : i32
    %select_n3A = arith.select %and3A_117, %sub3A_118, %div3A : i32
    %rem3A_119 = arith.constant 128 : i32
    %rem3A_120 = arith.remsi %add3A_101, %rem3A_119 : i32
    %dma_wait3A = arith.constant 4 : i32
    %dma_wait3A_121 = arith.constant 0 : i32
    %dma_wait3A_122 = arith.constant 0 : i32
    %dma_wait3A_123 = arith.constant 0 : i32
    %dma_wait3A_124 = tpu.memref_slice %arg7[%dma_wait3A, %dma_wait3A_121, %dma_wait3A_122, %dma_wait3A_123] : memref<5x8x8x129xf32, #tpu.memory_space<vmem>> -> memref<1x8x8x128xf32, #tpu.memory_space<vmem>>
    %dma_wait3A_125 = tpu.memref_squeeze %dma_wait3A_124 : memref<1x8x8x128xf32, #tpu.memory_space<vmem>> -> memref<8x8x128xf32, #tpu.memory_space<vmem>>
    %dma_wait3A_126 = arith.constant 0 : i32
    %dma_wait3A_127 = arith.constant 0 : i32
    %dma_wait3A_128 = arith.constant 0 : i32
    %dma_wait3A_129 = tpu.memref_slice %arg4[%select_n3A, %dma_wait3A_126, %rem3A_120, %dma_wait3A_127, %dma_wait3A_128] : memref<50x8x128x8x128xf32, #tpu.memory_space<hbm>> -> memref<1x8x1x8x128xf32, #tpu.memory_space<hbm>>
    %dma_wait3A_130 = tpu.memref_squeeze %dma_wait3A_129 : memref<1x8x1x8x128xf32, #tpu.memory_space<hbm>> -> memref<8x8x128xf32, #tpu.memory_space<hbm>>
    %dma_wait3A_131 = arith.constant 0 : i32
    %dma_wait3A_132 = arith.constant 0 : i32
    %dma_wait3A_133 = arith.constant 0 : i32
    %dma_wait3A_134 = tpu.memref_slice %arg4[%select_n3A, %dma_wait3A_131, %rem3A_120, %dma_wait3A_132, %dma_wait3A_133] : memref<50x8x128x8x128xf32, #tpu.memory_space<hbm>> -> memref<1x8x1x8x128xf32, #tpu.memory_space<hbm>>
    %dma_wait3A_135 = tpu.memref_squeeze %dma_wait3A_134 : memref<1x8x1x8x128xf32, #tpu.memory_space<hbm>> -> memref<8x8x128xf32, #tpu.memory_space<hbm>>
    %dma_wait3A_136 = arith.constant 0 : i32
    %dma_wait3A_137 = arith.constant 0 : i32
    %dma_wait3A_138 = arith.constant 0 : i32
    %dma_wait3A_139 = tpu.memref_slice %arg7[%dma_wait3A, %dma_wait3A_136, %dma_wait3A_137, %dma_wait3A_138] : memref<5x8x8x129xf32, #tpu.memory_space<vmem>> -> memref<1x8x8x128xf32, #tpu.memory_space<vmem>>
    %dma_wait3A_140 = tpu.memref_squeeze %dma_wait3A_139 : memref<1x8x8x128xf32, #tpu.memory_space<vmem>> -> memref<8x8x128xf32, #tpu.memory_space<vmem>>
    tpu.wait_dma2 semaphore(%arg9 : memref<!tpu.dma_semaphore, #tpu.memory_space<semaphore_mem>>) src(%dma_wait3A_140 : memref<8x8x128xf32, #tpu.memory_space<vmem>>) dst(%dma_wait3A_135 : memref<8x8x128xf32, #tpu.memory_space<hbm>>)
    return
  }
}

</mosaic_0001>

<sc_bundles>
// kernel: kernel.3.cloned.1.call-start
scs
__scs_entry_jumppad:
0x0: {  	(pc) =	sbr.rel $0x88, $3  }
0x1: {  	(tag) =	ssettag $0x0;
	lr =	simm.s32 $0x1  }
0x2: {  	[smem:$0x3F9F] =	sst lr;
	_ =	strace $0xD0000000  }
0x3: {  	_ = 	snop  }
0x4: {  	_ = 	snop  }
0x5: {  	_ = 	snop  }
0x6: {  	_ = 	snop  }
0x7: {  	_ = 	snop  }
__scs_overlays_trampoline_lowered:
0x8: {  	[smem:$0x3FAE] =	sst s0  }
0x9: {  	[smem:$0x3FAF] =	sst s1  }
0xa: {  	[smem:$0x3FB0] =	sst s2  }
0xb: {  	[smem:$0x3FB1] =	sst s3  }
0xc: {  	[smem:$0x3FB2] =	sst s4  }
0xd: {  	[smem:$0x3FB3] =	sst s5  }
0xe: {  	[smem:$0x3FB4] =	sst s6  }
0xf: {  	[smem:$0x3FB5] =	sst s7  }
0x10: {  	[smem:$0x3FB6] =	sst s8  }
0x11: {  	[smem:$0x3FB7] =	sst s9;
	s0 =	simm.s32 @!p0 $0x0  }
0x12: {  	s1 =	sld [smem:$0x3F9D];
	s0 =	simm.s32 @p0 $0x1  }
0x13: {  	[smem:$0x3FB8] =	sst s0;
	s0 =	simm.s32 @!p1 $0x0  }
0x14: {  	s2 =	sld [smem:$0x3F9C];
	s0 =	simm.s32 @p1 $0x1  }
0x15: {  	[smem:$0x3FB9] =	sst s0;
	s0 =	simm.s32 @!p2 $0x0  }
0x16: {  	s3 =	sld [smem:$0x3FDB];
	s0 =	simm.s32 @p2 $0x1  }
0x17: {  	s4 =	simm.s32 $0x1BF5;
	[smem:$0x3FBB] =	sst s0  }
0x18: {  	s0 =	sld [smem:$0x3F9E];
	_ =	swait.ge [sflag:s4], $0x0  }
0x19: {  	s7 =	sld [smem:$0x3F9F]  }
0x1a: {  	s8 =	sadd.s32 $0xFFFFE003, lr  }
0x1b: {  	s9 =	sadd.s32 $0xFFFFFEF7, lr;
	s5 =	simm.s32 $0xFFFFFFFF;
	p2 =	slt.u32 s8, $0xFFFFF086  }
0x1c: {  	p1 =	slt.u32 s9, $0xF7A;
	s5 =	simm.s32 @!p2 $0x0  }
0x1d: {  	s5 =	simm.s32 @p1 $0x1;
	p0 =	seq.s32 s7, s2  }
0x1e: {  	s7 =	smul.u32 @!p0 $0xF7A, s2;
	p2 =	seq.s32 @!p0 s5, $0x0  }
0x1f: {  	s9 =	smul.u32 $0xF7A, s1;
	s8 =	simm.s32 @!p0 $0x1BF5;
	p2 =	por !p2, p0  }
0x20: {  	[sflag:s8] =	ssyncset.s32 @!p0 $0xFFFFF086;
	s6 =	sadd.s32 @!p0 s3, s7;
	s7 =	simm.s32 @!p0 $0x108  }
0x21: {  	s3 =	sadd.s32 s3, s9;
	s6 =	sadd.s32 @!p0 $0x88, s6;
	s7 =	simm.s32 @p2 $0x1082  }
0x22: {  	[simem:s7], [sflag:s8] =	dma.local @!p0 [hbm:s6], $0xF7A  }
0x23: {  	s9 =	sor.u32 $0xD0000000, s2;
	s6 =	simm.s32 $0x108;
	_ =	swait.ge @!p0 [sflag:s8], $0x0  }
0x24: {  	s3 =	sadd.s32 $0x88, s3;
	s6 =	simm.s32 @!p1 $0x1082;
	[sflag:s4] =	ssyncset.s32 $0xFFFFF086  }
0x25: {  	[simem:s6], [sflag:s4] =	dma.local [hbm:s3], $0xF7A  }
0x26: {  	[smem:$0x3F9F] =	sst s1;
	(tag) =	ssettag s2;
	_ =	strace s9  }
0x27: {  	s1 =	sld [smem:$0x3FAF]  }
0x28: {  	s2 =	sld [smem:$0x3FB0]  }
0x29: {  	s4 =	sld [smem:$0x3FB2]  }
0x2a: {  	p0 =	seq.s32 s5, $0x0;
	s5 =	sld [smem:$0x3FB3]  }
0x2b: {  	s6 =	sld [smem:$0x3FB4]  }
0x2c: {  	s7 =	sld [smem:$0x3FB5]  }
0x2d: {  	s3 =	simm.s32 $0x108;
	s8 =	sld [smem:$0x3FB6]  }
0x2e: {  	s3 =	simm.s32 @!p0 $0x1082;
	s9 =	sld [smem:$0x3FB7]  }
0x2f: {  	lr =	sadd.s32 s0, s3;
	s0 =	sld [smem:$0x3FAE]  }
0x30: {  	s3 =	sld [smem:$0x3FB1]  }
0x31: {  	[smem:$0x3FBA] =	sst s10  }
0x32: {  	s10 =	sld [smem:$0x3FB8];
	_ =	sdelay $0x3  }
0x33: {  	p0 =	seq.s32 s10, $0x1;
	s10 =	sld [smem:$0x3FBA];
	_ =	sdelay $0x3  }
0x34: {  	[smem:$0x3FBA] =	sst s10  }
0x35: {  	s10 =	sld [smem:$0x3FB9];
	_ =	sdelay $0x3  }
0x36: {  	p1 =	seq.s32 s10, $0x1;
	s10 =	sld [smem:$0x3FBA];
	_ =	sdelay $0x3  }
0x37: {  	[smem:$0x3FBA] =	sst s10  }
0x38: {  	s10 =	sld [smem:$0x3FBB]  }
0x39: {  	_ = 	snop;
	(pc) =	sbr.ind lr, $3  }
0x3a: {  	_ = 	snop  }
0x3b: {  	_ = 	snop  }
0x3c: {  	p2 =	seq.s32 s10, $0x1;
	s10 =	sld [smem:$0x3FBA]  }
0x3d: {  	_ =	shalt  }
0x3e: {  	_ =	shalt  }
0x3f: {  	_ =	shalt  }
0x40: {  	_ =	shalt  }
0x41: {  	_ =	shalt  }
0x42: {  	_ =	shalt  }
0x43: {  	_ =	shalt  }
0x44: {  	_ =	shalt  }
0x45: {  	_ =	shalt  }
0x46: {  	_ =	shalt  }
0x47: {  	_ =	shalt  }
0x48: {  	_ =	shalt  }
0x49: {  	_ =	shalt  }
0x4a: {  	_ =	shalt  }
0x4b: {  	_ =	shalt  }
0x4c: {  	_ =	shalt  }
0x4d: {  	_ =	shalt  }
0x4e: {  	_ =	shalt  }
0x4f: {  	_ =	shalt  }
0x50: {  	_ =	shalt  }
0x51: {  	_ =	shalt  }
0x52: {  	_ =	shalt  }
0x53: {  	_ =	shalt  }
0x54: {  	_ =	shalt  }
0x55: {  	_ =	shalt  }
0x56: {  	_ =	shalt  }
0x57: {  	_ =	shalt  }
0x58: {  	_ =	shalt  }
0x59: {  	_ =	shalt  }
0x5a: {  	_ =	shalt  }
0x5b: {  	_ =	shalt  }
0x5c: {  	_ =	shalt  }
0x5d: {  	_ =	shalt  }
0x5e: {  	_ =	shalt  }
0x5f: {  	_ =	shalt  }
0x60: {  	_ =	shalt  }
0x61: {  	_ =	shalt  }
0x62: {  	_ =	shalt  }
0x63: {  	_ =	shalt  }
0x64: {  	_ =	shalt  }
0x65: {  	_ =	shalt  }
0x66: {  	_ =	shalt  }
0x67: {  	_ =	shalt  }
0x68: {  	_ =	shalt  }
0x69: {  	_ =	shalt  }
0x6a: {  	_ =	shalt  }
0x6b: {  	_ =	shalt  }
0x6c: {  	_ =	shalt  }
0x6d: {  	_ =	shalt  }
0x6e: {  	_ =	shalt  }
0x6f: {  	_ =	shalt  }
0x70: {  	_ =	shalt  }
0x71: {  	_ =	shalt  }
0x72: {  	_ =	shalt  }
0x73: {  	_ =	shalt  }
0x74: {  	_ =	shalt  }
0x75: {  	_ =	shalt  }
0x76: {  	_ =	shalt  }
0x77: {  	_ =	shalt  }
0x78: {  	_ =	shalt  }
0x79: {  	_ =	shalt  }
0x7a: {  	_ =	shalt  }
0x7b: {  	_ =	shalt  }
0x7c: {  	_ =	shalt  }
0x7d: {  	_ =	shalt  }
0x7e: {  	_ =	shalt  }
0x7f: {  	_ =	shalt  }
0x80: {  	_ =	shalt  }
0x81: {  	_ =	shalt  }
0x82: {  	_ =	shalt  }
0x83: {  	_ =	shalt  }
0x84: {  	_ =	shalt  }
0x85: {  	_ =	shalt  }
0x86: {  	_ =	shalt  }
0x87: {  	_ =	shalt  }
.Lfunc_end0:
.L_simem_size_0:
called_computation_lowered:
.L_overlay_start_0:
0x88: {  	s2 =	sld [smem:$0x3FD9]  }
0x89: {  	s3 =	sld [smem:$0x3FFE];
	_ =	sdelay $0x1  }
0x8a: {  	s1 =	srdreg.scid  }
0x8b: {  	s0 =	sand.u32 $0x1, s1  }
0x8c: {  	s17 =	sshll.u32 s0, $0xA;
	s2 =	sadd.s32 s3, s2  }
0x8d: {  	s2 =	sadd.s32 s2, s17  }
0x8e: {  	[smem:$0x3FC6] =	sst s2  }
0x8f: {  	_ = 	snop  }
0x90: {  	s2 =	sld [smem:$0x3FD0];
	(tm) =	ssettm $0x1  }
0x91: {  	s18 =	sld [smem:$0x3FFB];
	_ =	sdelay $0x3  }
0x92: {  	_ =	strace s18  }
0x93: {  	s3 =	sld [smem:$0x3FFC];
	_ =	sdelay $0x3  }
0x94: {  	_ =	strace s3  }
0x95: {  	s3 =	sld [smem:$0x3FFD];
	_ =	sdelay $0x3  }
0x96: {  	_ =	strace s3  }
0x97: {  	_ =	strace $0x8FFFFFFF  }
0x98: {  	s19 =	sld [smem:$0x3FDB];
	_ =	sdelay $0x1  }
0x99: {  	s4 =	simm.s32 $_scs_section_size  }
0x9a: {  	s5 =	simm.s32 $_size__tile_overlayer_lowered;
	s6 =	simm.s32 $_tile_overlayer_lowered  }
0x9b: {  	s22 =	simm.s32 $0x1BFF;
	s21 =	sshll.u32 s6, $0x1;
	s3 =	sadd.s32 s4, s19  }
0x9c: {  	s7 =	simm.s32 $0x0;
	s20 =	sshll.u32 s5, $0x1;
	s5 =	sadd.s32 s21, s3  }
0x9d: {  	[timem:s7], [sflag:s22] =	dma.local [hbm:s5], s20  }
0x9e: {  	_ =	swait.ge [sflag:s22], s20  }
0x9f: {  	s4 =	ssub.s32 $0x0, s20;
	[sflag:s22] =	ssyncset.done $0x0  }
0xa0: {  	[sflag:s22] =	ssyncadd.s32 s4;
	_ =	sdelay $0x1  }
0xa1: {  	s23 =	simm.s32 $0x1B8B  }
0xa2: {  	_ =	swait.ge [sflag:s23], $0x1  }
0xa3: {  	[sflag:s23] =	ssyncset.done $0x0  }
0xa4: {  	s25 =	simm.s32 $0x1B8E;
	s24 =	sld [smem:$0x3FFE];
	[sflag:s23] =	ssyncadd.s32 $0xFFFFFFFF  }
0xa5: {  	s26 =	simm.s32 $execute0_lowered;
	[smem:$0x3FD2] =	sst s25  }
0xa6: {  	s5 =	sshll.u32 s26, $0x1;
	_ =	strace $0x80000046;
	[dreg:$0x1] =	wrdreg $0xFFFFFFFF  }
0xa7: {  	s28 =	simm.s32 $_size_execute0_lowered;
	s3 =	sadd.s32 s3, s5;
	[dreg:$0x0] =	wrdreg $0x0  }
0xa8: {  	s5 =	sshll.u32 s28, $0x1;
	[dreg:$0x2] =	wrdreg s3  }
0xa9: {  	[dreg:$0x3] =	wrdreg s5  }
0xaa: {  	[dreg:$0x4] =	wrdreg $0xC0  }
0xab: {  	_ =	task [dreg:s7], $0x5FFFF  }
0xac: {  	[dreg:$0x1] =	wrdreg $0xFFFFFFFF  }
0xad: {  	[dreg:$0x0] =	wrdreg $0x60  }
0xae: {  	[dreg:$0x2] =	wrdreg s24  }
0xaf: {  	[dreg:$0x3] =	wrdreg s2  }
0xb0: {  	[dreg:$0x4] =	wrdreg $0x9  }
0xb1: {  	_ =	task.clear_ibuf [dreg:s7], $0x5FFFF;
	_ =	strace $0x90000046  }
0xb2: {  	s29 =	simm.s32 $0x9;
	_ =	strace $0x80000048  }
0xb3: {  	_ =	swait.ge [sflag:s29], $0x1  }
0xb4: {  	[sflag:s29] =	ssyncadd.s32 $0xFFFFFFFF  }
0xb5: {  	_ =	strace $0x90000048  }
0xb6: {  	_ =	sfence  }
0xb7: {  	s30 =	sld [smem:$0x0];
	_ =	sdelay $0x2  }
0xb8: {  	s31 =	sshll.u32 s1, $0xD;
	s1 =	sshrl.u32 s1, $0x2  }
0xb9: {  	s3 =	sand.u32 $0x4000, s31;
	s1 =	sadd.s32 s1, s30  }
0xba: {  	s0 =	sor.u32 s3, s0;
	s1 =	sshll.u32 s1, $0x11  }
0xbb: {  	s0 =	sor.u32 s1, s0  }
0xbc: {  	s0 =	sadd.s32 $0x8F2B, s0  }
0xbd: {  	[sflag:s0] =	ssyncadd.remote.s32 $0x1  }
0xbe: {  	_ =	sfence.sel $0xFFFF  }
0xbf: {  	[dreg:$0x0] =	wrdreg $0xFFFFFFFF;
	(pc) =	sbr.abs _section_cstart, $3  }
0xc0: {  	[dreg:$0x1] =	wrdreg $0xFFFFFFFF  }
0xc1: {  	_ =	task.clear_ibuf [dreg:s7], $0x2FFFF;
	_ =	strace $0x9FFFFFFF  }
0xc2: {  	(tm) =	ssettm $0x7FFFFFFF  }
0xc3: {  	_ =	shalt  }
tec
execute0_lowered:
.L_overlay_start_1:
0x0: {  	(tag) =	ssettag $0x1  }
0x1: {  	v0 =	vlaneseq.u32  }
0x2: {  	v0 =	vmul.u32 $0x88, v0  }
0x3: {  	s0 =	rddreg [dreg:$0x0];
	s1 =	srdreg.scid;
	v1 =	vimm.s32 $0x0;
	vm0 =	vcmask $0x300  }
0x4: {  	s3 =	stileid.u32;
	s2 =	rddreg [dreg:$0x1];
	v1 =	vsel vm0, $0x3, v1;
	v2 =	vadd.s32 $0x880, v0  }
0x5: {  	s11 =	simm.s32 $0x3;
	s12 =	simm.s32 $0x80;
	s18 =	simm.s32 $0xC400;
	v3 =	vadd.s32 $0x1100, v0;
	v4 =	vadd.s32 $0x1980, v0;
	v5 =	vor.u32 $0x1, v0  }
0x6: {  	s19 =	simm.s32 $0xE400;
	s20 =	simm.s32 $0x1;
	s21 =	simm.s32 $0x10400;
	v6 =	vadd.s32 $0x881, v0;
	v7 =	vadd.s32 $0x1101, v0;
	v8 =	vadd.s32 $0x1981, v0  }
0x7: {  	s22 =	simm.s32 $0x2;
	s23 =	simm.s32 $0x12600;
	s24 =	simm.s32 $0x14800;
	v9 =	vor.u32 $0x2, v0;
	v10 =	vadd.s32 $0x882, v0;
	v11 =	vadd.s32 $0x1102, v0  }
0x8: {  	s25 =	simm.s32 $0x16A00;
	s1 =	sand.u32 $0x1, s1;
	s4 =	sshll.u32 s3, $0x1;
	v12 =	vadd.s32 $0x1982, v0;
	v13 =	vor.u32 $0x3, v0;
	v14 =	vadd.s32 $0x883, v0  }
0x9: {  	s26 =	simm.s32 $0x18C00;
	s28 =	simm.s32 $0x0;
	s4 =	sor.u32 s1, s4;
	v15 =	vadd.s32 $0x1103, v0;
	v16 =	vadd.s32 $0x1983, v0;
	v17 =	vor.u32 $0x4, v0  }
0xa: {  	s3 =	simm.s32 $0x0;
	s1 =	ssub.s32 $0x2, s1;
	s5 =	smul.u32 $0xC80, s4;
	v18 =	vadd.s32 $0x884, v0;
	v19 =	vadd.s32 $0x1104, v0;
	v20 =	vadd.s32 $0x1984, v0  }
0xb: {  	[smem:$0x7FF] =	sst s3;
	s7 =	sshrl.u32 s1, $0x1;
	s4 =	smul.u32 $0xC8, s4;
	v21 =	vor.u32 $0x5, v0;
	v22 =	vadd.s32 $0x885, v0;
	v23 =	vadd.s32 $0x1105, v0  }
0xc: {  	_ =	strace $0x80000047;
	v24 =	vadd.s32 $0x1985, v0;
	v25 =	vor.u32 $0x6, v0;
	v26 =	vadd.s32 $0x886, v0;
	s31 =	ssub.s32 s1, s7;
	s6 =	sadd.s32 s5, s0  }
0xd: {  	v27 =	vadd.s32 $0x1106, v0;
	v28 =	vadd.s32 $0x1986, v0;
	v29 =	vor.u32 $0x7, v0;
	s5 =	sadd.s32 $0xF42A00, s0;
	s7 =	sor.u32 $0x1, s4;
	s8 =	sor.u32 $0x2, s4  }
0xe: {  	v30 =	vadd.s32 $0x887, v0;
	v31 =	vadd.s32 $0x1107, v0;
	v32 =	vadd.s32 $0x1987, v0;
	s9 =	sor.u32 $0x3, s4;
	s10 =	smax.u32 s31, $0x1;
	s6 =	sadd.s32 $0x600, s6  }
.LBB2_1:
0xf: {  	[tilespmem:s3], [sflag:$0x3] =	stream.linear.gather [hbm4b:s6+s3], $0x6400, $0x38;
	[tilespmem:$0x1AE00] =	vst v63  }
0x10: {  	_ =	swait.ge [sflag:s11], $0x6400  }
0x11: {  	[sflag:s11] =	ssyncset.done $0x0  }
0x12: {  	s0 =	simm.s32 $0x6400;
	[sflag:s11] =	ssyncadd.s32 $0xFFFF9C00  }
0x13: {  	[tilespmem:s0], [sflag:$0x1] =	stream.indirect.gather [hbm4b:s5+s12], $0x40, s3, s12, $0xb8;
	[tilespmem:$0x1AE00] =	vst v63  }
0x14: {  	s17 =	simm.s32 $0x8400  }
0x15: {  	[tilespmem:s17], [sflag:$0x1] =	stream.indirect.gather [hbm4b:s5+s12], $0x40, s12, s12, $0xb8;
	[tilespmem:$0x1AE00] =	vst v63  }
0x16: {  	s30 =	simm.s32 $0x100;
	s1 =	simm.s32 $0xA400  }
0x17: {  	[tilespmem:s1], [sflag:$0x1] =	stream.indirect.gather [hbm4b:s5+s12], $0x40, s30, s12, $0xb8;
	[tilespmem:$0x1AE00] =	vst v63  }
0x18: {  	s31 =	simm.s32 $0x180;
	s29 =	simm.s32 $0x0  }
0x19: {  	[tilespmem:s18], [sflag:$0x1] =	stream.indirect.gather [hbm4b:s5+s12], $0x40, s31, s12, $0xb8;
	[tilespmem:$0x1AE00] =	vst v63  }
.LBB2_2:
0x1a: {  	s31 =	smul.u32 $0x5, s29;
	p0 =	seq.s32 s29, $0x0  }
0x1b: {  	s0 =	simm.s32 @!p0 $0x2  }
0x1c: {  	_ =	swait.ge @!p0 [sflag:s0], $0x2000;
	s30 =	sadd.s32 $0x4, s31  }
0x1d: {  	[sflag:s0] =	ssyncset.done @!p0 $0x0;
	s1 =	sshll.u32 s30, $0x7  }
0x1e: {  	[sflag:s0] =	ssyncadd.s32 @!p0 $0xFFFFE000;
	s14 =	sand.u32 $0x3FFFFF80, s1  }
0x1f: {  	[tilespmem:s19], [sflag:$0x1] =	stream.indirect.gather [hbm4b:s5+s12], $0x40, s14, s12, $0xb8;
	[tilespmem:$0x1AE00] =	vst v63  }
0x20: {  	_ =	swait.ge [sflag:s20], $0x2000  }
0x21: {  	s13 =	simm.s32 $0x7;
	[sflag:s20] =	ssyncset.done $0x0  }
0x22: {  	s15 =	simm.s32 $0x0;
	v33 =	vmov s13;
	s0 =	simm.s32 $0x6500;
	[sflag:s20] =	ssyncadd.s32 $0xFFFFE000  }
0x23: {  	s16 =	simm.s32 $0x1;
	v34 =	vmov s15;
	v33 =	vshrl.u32 v33, $0x3;
	v35 =	vld [tilespmem:s0+$0xC0]  }
0x24: {  	v41 =	vmov s16;
	v34 =	vshrl.u32 v34, $0x3;
	v33 =	vshll.u32 v33, v1;
	v37 =	vld [tilespmem:s0+$0xD0]  }
0x25: {  	v41 =	vshrl.u32 v41, $0x3;
	v34 =	vshll.u32 v34, v1;
	v33 =	vbroadcast v33, $0x0;
	v39 =	vld [tilespmem:s0+$0xE0]  }
0x26: {  	v41 =	vshll.u32 v41, v1;
	v34 =	vbroadcast v34, $0x0;
	v42 =	vld [tilespmem:s0+$0xF0]  }
0x27: {  	v41 =	vbroadcast v41, $0x0;
	v36 =	vadd.s32 v29, v33;
	v43 =	vld [tilespmem:s0+$0xFFFFFF00]  }
0x28: {  	v44 =	vadd.s32 v0, v34;
	v45 =	vld [tilespmem:s0+$0xFFFFFF10]  }
0x29: {  	v58 =	vadd.s32 v5, v41;
	v57 =	vld [tilespmem:s0+$0xFFFFFF40]  }
0x2a: {  	v38 =	vadd.s32 v30, v33;
	v53 =	vld [tilespmem:s0+$0xFFFFFF20]  }
0x2b: {  	v46 =	vadd.s32 v2, v34;
	v55 =	vld [tilespmem:s0+$0xFFFFFF30]  }
0x2c: {  	v60 =	vadd.s32 v6, v41;
	v59 =	vld [tilespmem:s0+$0xFFFFFF50];
	[tilespmem:v36+s21+$0x0] =	vst.idx.msk $0xffff, v35  }
0x2d: {  	s13 =	simm.s32 $0x3;
	v40 =	vadd.s32 v31, v33;
	v61 =	vld [tilespmem:s0+$0xFFFFFF60];
	[tilespmem:v44+s21+$0x0] =	vst.idx.msk $0xffff, v43  }
0x2e: {  	v49 =	vmov s13;
	v54 =	vadd.s32 v3, v34;
	v63 =	vld [tilespmem:s0+$0xFFFFFF70];
	[tilespmem:v58+s21+$0x0] =	vst.idx.msk $0xffff, v57  }
0x2f: {  	s17 =	simm.s32 $0x2;
	v62 =	vadd.s32 v7, v41;
	v48 =	vadd.s32 v8, v41;
	v41 =	vshrl.u32 v49, $0x3;
	[tilespmem:v38+s21+$0x0] =	vst.idx.msk $0xffff, v37  }
0x30: {  	v56 =	vmov s17;
	v33 =	vadd.s32 v32, v33;
	v41 =	vshll.u32 v41, v1;
	[tilespmem:v46+s21+$0x0] =	vst.idx.msk $0xffff, v45  }
0x31: {  	v34 =	vadd.s32 v4, v34;
	v41 =	vbroadcast v41, $0x0;
	v50 =	vld [tilespmem:s0+$0xFFFFFF80];
	v38 =	vshrl.u32 v56, $0x3;
	[tilespmem:v60+s21+$0x0] =	vst.idx.msk $0xffff, v59  }
0x32: {  	v52 =	vld [tilespmem:s0+$0xFFFFFF90];
	[tilespmem:v40+s21+$0x0] =	vst.idx.msk $0xffff, v39;
	v38 =	vshll.u32 v38, v1  }
0x33: {  	v58 =	vld [tilespmem:s0+$0xFFFFFFC0];
	v59 =	vadd.s32 v13, v41;
	[tilespmem:v54+s21+$0x0] =	vst.idx.msk $0xffff, v53;
	v38 =	vbroadcast v38, $0x0  }
0x34: {  	v60 =	vld [tilespmem:s0+$0xFFFFFFD0];
	[tilespmem:v62+s21+$0x0] =	vst.idx.msk $0xffff, v61;
	v61 =	vadd.s32 v14, v41  }
0x35: {  	s14 =	simm.s32 $0x4;
	v56 =	vld [tilespmem:s0+$0xFFFFFFB0];
	[tilespmem:v33+s21+$0x0] =	vst.idx.msk $0xffff, v42;
	v51 =	vadd.s32 v9, v38  }
0x36: {  	v57 =	vmov s14;
	v54 =	vld [tilespmem:s0+$0xFFFFFFA0];
	[tilespmem:v34+s21+$0x0] =	vst.idx.msk $0xffff, v55;
	v53 =	vadd.s32 v10, v38  }
0x37: {  	v44 =	vshrl.u32 v57, $0x3;
	v62 =	vld [tilespmem:s0+$0xFFFFFFE0];
	[tilespmem:v48+s21+$0x0] =	vst.idx.msk $0xffff, v63;
	v55 =	vadd.s32 v11, v38  }
0x38: {  	v44 =	vshll.u32 v44, v1;
	v48 =	vld [tilespmem:s0+$0xFFFFFFF0];
	v38 =	vadd.s32 v12, v38;
	[tilespmem:v59+s21+$0x0] =	vst.idx.msk $0xffff, v58  }
0x39: {  	s15 =	simm.s32 $0x5;
	v63 =	vadd.s32 v15, v41;
	v44 =	vbroadcast v44, $0x0;
	[tilespmem:v61+s21+$0x0] =	vst.idx.msk $0xffff, v60  }
0x3a: {  	v49 =	vmov s15;
	v41 =	vadd.s32 v16, v41;
	[tilespmem:v51+s21+$0x0] =	vst.idx.msk $0xffff, v50  }
0x3b: {  	v42 =	vshrl.u32 v49, $0x3;
	v50 =	vld [tilespmem:s0+$0x0];
	v51 =	vadd.s32 v17, v44;
	[tilespmem:v53+s21+$0x0] =	vst.idx.msk $0xffff, v52  }
0x3c: {  	v52 =	vld [tilespmem:s0+$0x10];
	v53 =	vadd.s32 v18, v44;
	[tilespmem:v55+s21+$0x0] =	vst.idx.msk $0xffff, v54;
	v54 =	vshll.u32 v42, v1  }
0x3d: {  	s16 =	simm.s32 $0x6;
	v55 =	vld [tilespmem:s0+$0x20];
	[tilespmem:v38+s21+$0x0] =	vst.idx.msk $0xffff, v56;
	v56 =	vadd.s32 v19, v44;
	v57 =	vbroadcast v54, $0x0  }
0x3e: {  	v58 =	vld [tilespmem:s0+$0x30];
	v59 =	vmov s16;
	[tilespmem:v63+s21+$0x0] =	vst.idx.msk $0xffff, v62;
	v44 =	vadd.s32 v20, v44  }
0x3f: {  	v60 =	vld [tilespmem:s0+$0x40];
	v61 =	vshrl.u32 v59, $0x3;
	[tilespmem:v41+s21+$0x0] =	vst.idx.msk $0xffff, v48;
	v47 =	vadd.s32 v21, v57  }
0x40: {  	v35 =	vld [tilespmem:s0+$0x50];
	v33 =	vshll.u32 v61, v1;
	[tilespmem:v51+s21+$0x0] =	vst.idx.msk $0xffff, v50;
	v43 =	vadd.s32 v22, v57  }
0x41: {  	s17 =	simm.s32 $0xF;
	v40 =	vld [tilespmem:s0+$0x60];
	v36 =	vbroadcast v33, $0x0;
	v42 =	vadd.s32 v23, v57;
	[tilespmem:v53+s21+$0x0] =	vst.idx.msk $0xffff, v52  }
0x42: {  	v62 =	vmov s17;
	v33 =	vld [tilespmem:s0+$0x70];
	v37 =	vadd.s32 v24, v57;
	[tilespmem:v56+s21+$0x0] =	vst.idx.msk $0xffff, v55  }
0x43: {  	v34 =	vld [tilespmem:s0+$0x80];
	v63 =	vshrl.u32 v62, $0x3;
	v38 =	vadd.s32 v25, v36;
	[tilespmem:v44+s21+$0x0] =	vst.idx.msk $0xffff, v58  }
0x44: {  	s13 =	simm.s32 $0x8;
	s1 =	sadd.s32 s4, s31;
	s14 =	simm.s32 $0x10;
	v39 =	vld [tilespmem:s0+$0x90];
	v41 =	vadd.s32 v26, v36;
	v44 =	vshll.u32 v63, v1;
	[tilespmem:v47+s21+$0x0] =	vst.idx.msk $0xffff, v60  }
.LBB2_3:
0x45: {  	p0 =	slt.u32 s14, $0x78;
	v44 =	vbroadcast v44, $0x0;
	[tilespmem:v43+s21+$0x0] =	vst.idx.msk $0xffff, v35;
	v35 =	vld [tilespmem:s0+$0xA0];
	v43 =	vadd.s32 v27, v36  }
0x46: {  	v45 =	vmov s13;
	v36 =	vadd.s32 v28, v36;
	[tilespmem:v42+s21+$0x0] =	vst.idx.msk $0xffff, v40;
	v40 =	vld [tilespmem:s0+$0xB0];
	s0 =	sadd.s32 $0x200, s0  }
0x47: {  	v42 =	vshrl.u32 v45, $0x3;
	v45 =	vld [tilespmem:s0+$0xC0];
	v46 =	vadd.s32 v29, v44;
	[tilespmem:v37+s21+$0x0] =	vst.idx.msk $0xffff, v33  }
0x48: {  	v33 =	vshll.u32 v42, v1;
	v42 =	vadd.s32 v30, v44;
	v37 =	vld [tilespmem:s0+$0xD0];
	[tilespmem:v38+s21+$0x0] =	vst.idx.msk $0xffff, v34  }
0x49: {  	s15 =	sadd.s32 $0x1, s13;
	v33 =	vbroadcast v33, $0x0;
	v38 =	vadd.s32 v31, v44;
	v34 =	vld [tilespmem:s0+$0xE0];
	[tilespmem:v41+s21+$0x0] =	vst.idx.msk $0xffff, v39  }
0x4a: {  	v44 =	vadd.s32 v32, v44;
	v39 =	vmov s15;
	v41 =	vld [tilespmem:s0+$0xF0];
	[tilespmem:v43+s21+$0x0] =	vst.idx.msk $0xffff, v35  }
0x4b: {  	v43 =	vadd.s32 v0, v33;
	v39 =	vshrl.u32 v39, $0x3;
	v35 =	vld [tilespmem:s0+$0xFFFFFF00];
	[tilespmem:v36+s21+$0x0] =	vst.idx.msk $0xffff, v40  }
0x4c: {  	v40 =	vadd.s32 v2, v33;
	v39 =	vshll.u32 v39, v1;
	v36 =	vld [tilespmem:s0+$0xFFFFFF10];
	[tilespmem:v46+s21+$0x0] =	vst.idx.msk $0xffff, v45  }
0x4d: {  	s15 =	sadd.s32 $0x2, s13;
	v46 =	vadd.s32 v3, v33;
	v39 =	vbroadcast v39, $0x0;
	v45 =	vld [tilespmem:s0+$0xFFFFFF20];
	[tilespmem:v42+s21+$0x0] =	vst.idx.msk $0xffff, v37  }
0x4e: {  	v33 =	vadd.s32 v4, v33;
	v42 =	vmov s15;
	v37 =	vld [tilespmem:s0+$0xFFFFFF30];
	[tilespmem:v38+s21+$0x0] =	vst.idx.msk $0xffff, v34  }
0x4f: {  	v38 =	vadd.s32 v5, v39;
	v42 =	vshrl.u32 v42, $0x3;
	v34 =	vld [tilespmem:s0+$0xFFFFFF40];
	[tilespmem:v44+s21+$0x0] =	vst.idx.msk $0xffff, v41  }
0x50: {  	v41 =	vadd.s32 v6, v39;
	v42 =	vshll.u32 v42, v1;
	[tilespmem:v43+s21+$0x0] =	vst.idx.msk $0xffff, v35;
	v35 =	vld [tilespmem:s0+$0xFFFFFF50]  }
0x51: {  	s15 =	sadd.s32 $0x3, s13;
	v42 =	vbroadcast v42, $0x0;
	[tilespmem:v40+s21+$0x0] =	vst.idx.msk $0xffff, v36;
	v36 =	vld [tilespmem:s0+$0xFFFFFF60];
	v40 =	vadd.s32 v7, v39  }
0x52: {  	v44 =	vmov s15;
	v39 =	vadd.s32 v8, v39;
	[tilespmem:v46+s21+$0x0] =	vst.idx.msk $0xffff, v45;
	v43 =	vld [tilespmem:s0+$0xFFFFFF70]  }
0x53: {  	v44 =	vshrl.u32 v44, $0x3;
	[tilespmem:v33+s21+$0x0] =	vst.idx.msk $0xffff, v37;
	v33 =	vld [tilespmem:s0+$0xFFFFFF80];
	v37 =	vadd.s32 v9, v42  }
0x54: {  	v44 =	vshll.u32 v44, v1;
	[tilespmem:v38+s21+$0x0] =	vst.idx.msk $0xffff, v34;
	v34 =	vld [tilespmem:s0+$0xFFFFFF90];
	v38 =	vadd.s32 v10, v42  }
0x55: {  	s15 =	sadd.s32 $0x4, s13;
	v44 =	vbroadcast v44, $0x0;
	[tilespmem:v41+s21+$0x0] =	vst.idx.msk $0xffff, v35;
	v35 =	vld [tilespmem:s0+$0xFFFFFFA0];
	v41 =	vadd.s32 v11, v42  }
0x56: {  	[tilespmem:v40+s21+$0x0] =	vst.idx.msk $0xffff, v36;
	v36 =	vld [tilespmem:s0+$0xFFFFFFB0];
	v40 =	vadd.s32 v12, v42;
	v42 =	vmov s15  }
0x57: {  	[tilespmem:v39+s21+$0x0] =	vst.idx.msk $0xffff, v43;
	v39 =	vld [tilespmem:s0+$0xFFFFFFC0];
	v43 =	vadd.s32 v13, v44;
	v42 =	vshrl.u32 v42, $0x3  }
0x58: {  	[tilespmem:v37+s21+$0x0] =	vst.idx.msk $0xffff, v33;
	v33 =	vld [tilespmem:s0+$0xFFFFFFD0];
	v37 =	vadd.s32 v14, v44;
	v42 =	vshll.u32 v42, v1  }
0x59: {  	s15 =	sadd.s32 $0x5, s13;
	[tilespmem:v38+s21+$0x0] =	vst.idx.msk $0xffff, v34;
	v34 =	vld [tilespmem:s0+$0xFFFFFFE0];
	v38 =	vadd.s32 v15, v44;
	v42 =	vbroadcast v42, $0x0  }
0x5a: {  	[tilespmem:v41+s21+$0x0] =	vst.idx.msk $0xffff, v35;
	v35 =	vld [tilespmem:s0+$0xFFFFFFF0];
	v41 =	vadd.s32 v16, v44;
	v44 =	vmov s15  }
0x5b: {  	[tilespmem:v40+s21+$0x0] =	vst.idx.msk $0xffff, v36;
	v36 =	vld [tilespmem:s0+$0x0];
	v40 =	vadd.s32 v17, v42;
	v44 =	vshrl.u32 v44, $0x3  }
0x5c: {  	v45 =	vadd.s32 v18, v42;
	[tilespmem:v43+s21+$0x0] =	vst.idx.msk $0xffff, v39;
	v39 =	vld [tilespmem:s0+$0x10];
	v43 =	vshll.u32 v44, v1  }
0x5d: {  	s15 =	sadd.s32 $0x6, s13;
	s13 =	smov.u32 s14;
	[tilespmem:v37+s21+$0x0] =	vst.idx.msk $0xffff, v33;
	v33 =	vld [tilespmem:s0+$0x20];
	v37 =	vadd.s32 v19, v42;
	v44 =	vbroadcast v43, $0x0  }
0x5e: {  	[tilespmem:v38+s21+$0x0] =	vst.idx.msk $0xffff, v34;
	v34 =	vld [tilespmem:s0+$0x30];
	v38 =	vadd.s32 v20, v42;
	v42 =	vmov s15  }
0x5f: {  	[tilespmem:v41+s21+$0x0] =	vst.idx.msk $0xffff, v35;
	v41 =	vld [tilespmem:s0+$0x40];
	v46 =	vadd.s32 v21, v44;
	v42 =	vshrl.u32 v42, $0x3  }
.Ltmp0:
0x60: {  	v43 =	vadd.s32 v22, v44;
	[tilespmem:v40+s21+$0x0] =	vst.idx.msk $0xffff, v36;
	v35 =	vld [tilespmem:s0+$0x50];
	v36 =	vshll.u32 v42, v1;
	(pc) =	sbr.rel @p0 .LBB2_3-.Ltmp0, $4  }
0x61: {  	s15 =	sadd.s32 $0x7, s14;
	v42 =	vadd.s32 v23, v44;
	[tilespmem:v45+s21+$0x0] =	vst.idx.msk $0xffff, v39;
	v40 =	vld [tilespmem:s0+$0x60];
	v36 =	vbroadcast v36, $0x0  }
0x62: {  	v39 =	vmov s15;
	[tilespmem:v37+s21+$0x0] =	vst.idx.msk $0xffff, v33;
	v33 =	vld [tilespmem:s0+$0x70];
	v37 =	vadd.s32 v24, v44  }
0x63: {  	v39 =	vshrl.u32 v39, $0x3;
	[tilespmem:v38+s21+$0x0] =	vst.idx.msk $0xffff, v34;
	v34 =	vld [tilespmem:s0+$0x80];
	v38 =	vadd.s32 v25, v36  }
0x64: {  	s14 =	sadd.s32 $0x8, s14;
	v44 =	vshll.u32 v39, v1;
	[tilespmem:v46+s21+$0x0] =	vst.idx.msk $0xffff, v41;
	v39 =	vld [tilespmem:s0+$0x90];
	v41 =	vadd.s32 v26, v36  }
0x65: {  	_ =	sdelay $0x3  }
0x66: {  	v44 =	vbroadcast v44, $0x0;
	[tilespmem:v43+s21+$0x0] =	vst.idx.msk $0xffff, v35;
	v60 =	vld [tilespmem:s0+$0xA0];
	v61 =	vadd.s32 v27, v36  }
0x67: {  	v45 =	vmov s13;
	v62 =	vld [tilespmem:s0+$0xB0];
	v63 =	vadd.s32 v28, v36;
	s0 =	sadd.s32 $0x200, s0;
	[tilespmem:v42+s21+$0x0] =	vst.idx.msk $0xffff, v40  }
0x68: {  	v48 =	vshrl.u32 v45, $0x3;
	v49 =	vld [tilespmem:s0+$0xC0];
	v46 =	vadd.s32 v29, v44;
	[tilespmem:v37+s21+$0x0] =	vst.idx.msk $0xffff, v33  }
0x69: {  	v51 =	vld [tilespmem:s0+$0xD0];
	v50 =	vshll.u32 v48, v1;
	v52 =	vadd.s32 v30, v44;
	[tilespmem:v38+s21+$0x0] =	vst.idx.msk $0xffff, v34  }
0x6a: {  	s14 =	sadd.s32 $0x1, s13;
	v53 =	vld [tilespmem:s0+$0xE0];
	v54 =	vadd.s32 v31, v44;
	v33 =	vbroadcast v50, $0x0;
	[tilespmem:v41+s21+$0x0] =	vst.idx.msk $0xffff, v39  }
0x6b: {  	v55 =	vmov s14;
	v56 =	vld [tilespmem:s0+$0xF0];
	v44 =	vadd.s32 v32, v44;
	[tilespmem:v61+s21+$0x0] =	vst.idx.msk $0xffff, v60  }
0x6c: {  	v57 =	vld [tilespmem:s0+$0xFFFFFF00];
	v39 =	vshrl.u32 v55, $0x3;
	v58 =	vadd.s32 v0, v33;
	[tilespmem:v63+s21+$0x0] =	vst.idx.msk $0xffff, v62  }
0x6d: {  	s17 =	sadd.s32 $0x2, s13;
	v59 =	vld [tilespmem:s0+$0xFFFFFF10];
	v60 =	vadd.s32 v2, v33;
	v39 =	vshll.u32 v39, v1;
	[tilespmem:v46+s21+$0x0] =	vst.idx.msk $0xffff, v49  }
0x6e: {  	v47 =	vmov s17;
	v61 =	vld [tilespmem:s0+$0xFFFFFF20];
	v62 =	vadd.s32 v3, v33;
	v39 =	vbroadcast v39, $0x0;
	[tilespmem:v52+s21+$0x0] =	vst.idx.msk $0xffff, v51  }
0x6f: {  	v42 =	vshrl.u32 v47, $0x3;
	v63 =	vld [tilespmem:s0+$0xFFFFFF30];
	v33 =	vadd.s32 v4, v33;
	[tilespmem:v54+s21+$0x0] =	vst.idx.msk $0xffff, v53  }
0x70: {  	v48 =	vld [tilespmem:s0+$0xFFFFFF40];
	v42 =	vshll.u32 v42, v1;
	v49 =	vadd.s32 v5, v39;
	[tilespmem:v44+s21+$0x0] =	vst.idx.msk $0xffff, v56  }
0x71: {  	v50 =	vld [tilespmem:s0+$0xFFFFFF50];
	v42 =	vbroadcast v42, $0x0;
	v51 =	vadd.s32 v6, v39;
	[tilespmem:v58+s21+$0x0] =	vst.idx.msk $0xffff, v57  }
0x72: {  	s15 =	sadd.s32 $0x3, s13;
	v52 =	vld [tilespmem:s0+$0xFFFFFF60];
	v53 =	vadd.s32 v7, v39;
	[tilespmem:v60+s21+$0x0] =	vst.idx.msk $0xffff, v59  }
0x73: {  	v55 =	vmov s15;
	v56 =	vld [tilespmem:s0+$0xFFFFFF80];
	v57 =	vadd.s32 v9, v42;
	[tilespmem:v62+s21+$0x0] =	vst.idx.msk $0xffff, v61  }
0x74: {  	v54 =	vld [tilespmem:s0+$0xFFFFFF70];
	v39 =	vadd.s32 v8, v39;
	v44 =	vshrl.u32 v55, $0x3;
	[tilespmem:v33+s21+$0x0] =	vst.idx.msk $0xffff, v63  }
0x75: {  	v58 =	vld [tilespmem:s0+$0xFFFFFF90];
	v59 =	vadd.s32 v10, v42;
	v44 =	vshll.u32 v44, v1;
	[tilespmem:v49+s21+$0x0] =	vst.idx.msk $0xffff, v48  }
0x76: {  	s16 =	sadd.s32 $0x4, s13;
	v60 =	vld [tilespmem:s0+$0xFFFFFFA0];
	v61 =	vadd.s32 v11, v42;
	v44 =	vbroadcast v44, $0x0;
	[tilespmem:v51+s21+$0x0] =	vst.idx.msk $0xffff, v50  }
0x77: {  	v62 =	vld [tilespmem:s0+$0xFFFFFFB0];
	v63 =	vadd.s32 v12, v42;
	v48 =	vmov s16;
	[tilespmem:v53+s21+$0x0] =	vst.idx.msk $0xffff, v52  }
0x78: {  	v49 =	vld [tilespmem:s0+$0xFFFFFFC0];
	v50 =	vadd.s32 v13, v44;
	v42 =	vshrl.u32 v48, $0x3;
	[tilespmem:v57+s21+$0x0] =	vst.idx.msk $0xffff, v56  }
0x79: {  	s17 =	sadd.s32 $0x5, s13;
	v51 =	vld [tilespmem:s0+$0xFFFFFFD0];
	v52 =	vadd.s32 v14, v44;
	v42 =	vshll.u32 v42, v1;
	[tilespmem:v39+s21+$0x0] =	vst.idx.msk $0xffff, v54  }
0x7a: {  	v53 =	vld [tilespmem:s0+$0xFFFFFFE0];
	v57 =	vmov s17;
	[tilespmem:v59+s21+$0x0] =	vst.idx.msk $0xffff, v58;
	v54 =	vadd.s32 v15, v44;
	v42 =	vbroadcast v42, $0x0  }
0x7b: {  	v55 =	vld [tilespmem:s0+$0xFFFFFFF0];
	v56 =	vadd.s32 v16, v44;
	v44 =	vshrl.u32 v57, $0x3;
	[tilespmem:v61+s21+$0x0] =	vst.idx.msk $0xffff, v60  }
0x7c: {  	v58 =	vld [tilespmem:s0+$0x0];
	v44 =	vshll.u32 v44, v1;
	[tilespmem:v63+s21+$0x0] =	vst.idx.msk $0xffff, v62;
	v59 =	vadd.s32 v17, v42  }
0x7d: {  	v60 =	vld [tilespmem:s0+$0x10];
	v61 =	vadd.s32 v18, v42;
	v44 =	vbroadcast v44, $0x0;
	[tilespmem:v50+s21+$0x0] =	vst.idx.msk $0xffff, v49  }
0x7e: {  	s15 =	sadd.s32 $0x6, s13;
	v62 =	vld [tilespmem:s0+$0x20];
	v63 =	vadd.s32 v19, v42;
	[tilespmem:v52+s21+$0x0] =	vst.idx.msk $0xffff, v51  }
0x7f: {  	v48 =	vmov s15;
	v49 =	vld [tilespmem:s0+$0x40];
	v50 =	vadd.s32 v21, v44;
	[tilespmem:v54+s21+$0x0] =	vst.idx.msk $0xffff, v53  }
0x80: {  	v46 =	vld [tilespmem:s0+$0x30];
	v47 =	vadd.s32 v20, v42;
	v42 =	vshrl.u32 v48, $0x3;
	[tilespmem:v56+s21+$0x0] =	vst.idx.msk $0xffff, v55  }
0x81: {  	v42 =	vshll.u32 v42, v1;
	v51 =	vld [tilespmem:s0+$0x50];
	v52 =	vadd.s32 v22, v44;
	[tilespmem:v59+s21+$0x0] =	vst.idx.msk $0xffff, v58  }
0x82: {  	v42 =	vbroadcast v42, $0x0;
	v53 =	vld [tilespmem:s0+$0x60];
	v54 =	vadd.s32 v23, v44;
	[tilespmem:v61+s21+$0x0] =	vst.idx.msk $0xffff, v60  }
0x83: {  	v55 =	vld [tilespmem:s0+$0x70];
	v56 =	vadd.s32 v24, v44;
	[tilespmem:v63+s21+$0x0] =	vst.idx.msk $0xffff, v62  }
0x84: {  	v57 =	vld [tilespmem:s0+$0x80];
	v58 =	vadd.s32 v25, v42;
	[tilespmem:v50+s21+$0x0] =	vst.idx.msk $0xffff, v49  }
0x85: {  	v59 =	vld [tilespmem:s0+$0x90];
	v60 =	vadd.s32 v26, v42;
	[tilespmem:v47+s21+$0x0] =	vst.idx.msk $0xffff, v46  }
0x86: {  	v61 =	vld [tilespmem:s0+$0xA0];
	v62 =	vadd.s32 v27, v42;
	[tilespmem:v52+s21+$0x0] =	vst.idx.msk $0xffff, v51  }
0x87: {  	v63 =	vld [tilespmem:s0+$0xB0];
	v42 =	vadd.s32 v28, v42;
	[tilespmem:v54+s21+$0x0] =	vst.idx.msk $0xffff, v53  }
0x88: {  	[tilespmem:v56+s21+$0x0] =	vst.idx.msk $0xffff, v55  }
0x89: {  	s16 =	sshll.u32 s1, $0x7;
	[tilespmem:v58+s21+$0x0] =	vst.idx.msk $0xffff, v57  }
0x8a: {  	s17 =	sshll.u32 s1, $0xA;
	s0 =	sand.u32 $0x3F80, s16;
	[tilespmem:v60+s21+$0x0] =	vst.idx.msk $0xffff, v59  }
0x8b: {  	s1 =	sand.u32 $0xFFE0000, s17;
	s0 =	sadd.s32 s2, s0;
	[tilespmem:v62+s21+$0x0] =	vst.idx.msk $0xffff, v61  }
0x8c: {  	s13 =	simm.s32 $0x10400;
	s1 =	sadd.s32 s1, s0;
	[tilespmem:v42+s21+$0x0] =	vst.idx.msk $0xffff, v63  }
0x8d: {  	[hbm4b:s1+s3] =	stream.linear.scatter [tilespmem:s13], [sflag:$0x2], $0x80, $0x38;
	[tilespmem:$0x1AE00] =	vst v63  }
0x8e: {  	s14 =	simm.s32 $0x10488;
	s15 =	sadd.s32 $0x10, s1  }
0x8f: {  	[hbm4b:s15+s3] =	stream.linear.scatter [tilespmem:s14], [sflag:$0x2], $0x80, $0x38;
	[tilespmem:$0x1AE00] =	vst v63  }
0x90: {  	s16 =	simm.s32 $0x10510;
	s0 =	simm.s32 $0x440;
	s17 =	sadd.s32 $0x20, s1  }
0x91: {  	[hbm4b:s17+s3] =	stream.linear.scatter [tilespmem:s16], [sflag:$0x2], $0x80, $0x38;
	[tilespmem:$0x1AE00] =	vst v63  }
0x92: {  	s13 =	simm.s32 $0x2200;
	s14 =	simm.s32 $0x10598;
	s15 =	sadd.s32 $0x30, s1  }
0x93: {  	[hbm4b:s15+s3] =	stream.linear.scatter [tilespmem:s14], [sflag:$0x2], $0x80, $0x38;
	[tilespmem:$0x1AE00] =	vst v63  }
0x94: {  	s16 =	simm.s32 $0x10620;
	s17 =	sadd.s32 $0x40, s1;
	s14 =	simm.s32 $0x106A8  }
0x95: {  	[hbm4b:s17+s3] =	stream.linear.scatter [tilespmem:s16], [sflag:$0x2], $0x80, $0x38;
	[tilespmem:$0x1AE00] =	vst v63  }
0x96: {  	s15 =	sadd.s32 $0x50, s1;
	s16 =	simm.s32 $0x10730;
	s17 =	sadd.s32 $0x60, s1  }
0x97: {  	[hbm4b:s15+s3] =	stream.linear.scatter [tilespmem:s14], [sflag:$0x2], $0x80, $0x38;
	[tilespmem:$0x1AE00] =	vst v63  }
0x98: {  	s14 =	simm.s32 $0x107B8;
	s15 =	sadd.s32 $0x70, s1;
	s1 =	sadd.s32 $0x4000, s1  }
0x99: {  	[hbm4b:s17+s3] =	stream.linear.scatter [tilespmem:s16], [sflag:$0x2], $0x80, $0x38;
	[tilespmem:$0x1AE00] =	vst v63  }
.LBB2_5:
0x9a: {  	[hbm4b:s15+s3] =	stream.linear.scatter [tilespmem:s14], [sflag:$0x2], $0x80, $0x38;
	[tilespmem:$0x1AE00] =	vst v63  }
0x9b: {  	s14 =	smov.u32 s0;
	s0 =	smov.u32 s13  }
0x9c: {  	s16 =	sadd.s32 $0x1100, s13;
	s0 =	sshra.s32 s0, $0x2;
	s15 =	sadd.s32 $0x10400, s14  }
0x9d: {  	[hbm4b:s1+s3] =	stream.linear.scatter [tilespmem:s15], [sflag:$0x2], $0x80, $0x38;
	[tilespmem:$0x1AE00] =	vst v63  }
0x9e: {  	p0 =	sne.s32 s13, $0x7700;
	s13 =	sadd.s32 $0x10488, s14;
	s15 =	sadd.s32 $0x10, s1  }
0x9f: {  	[hbm4b:s15+s3] =	stream.linear.scatter [tilespmem:s13], [sflag:$0x2], $0x80, $0x38;
	[tilespmem:$0x1AE00] =	vst v63  }
0xa0: {  	s13 =	sadd.s32 $0x10510, s14;
	s15 =	sadd.s32 $0x20, s1  }
0xa1: {  	[hbm4b:s15+s3] =	stream.linear.scatter [tilespmem:s13], [sflag:$0x2], $0x80, $0x38;
	[tilespmem:$0x1AE00] =	vst v63  }
0xa2: {  	s13 =	sadd.s32 $0x10598, s14;
	s15 =	sadd.s32 $0x30, s1  }
0xa3: {  	[hbm4b:s15+s3] =	stream.linear.scatter [tilespmem:s13], [sflag:$0x2], $0x80, $0x38;
	[tilespmem:$0x1AE00] =	vst v63  }
0xa4: {  	s13 =	sadd.s32 $0x10620, s14;
	s15 =	sadd.s32 $0x40, s1  }
0xa5: {  	[hbm4b:s15+s3] =	stream.linear.scatter [tilespmem:s13], [sflag:$0x2], $0x80, $0x38;
	[tilespmem:$0x1AE00] =	vst v63  }
.Ltmp1:
0xa6: {  	s13 =	sadd.s32 $0x106A8, s14;
	s15 =	sadd.s32 $0x50, s1;
	(pc) =	sbr.rel @p0 .LBB2_5-.Ltmp1, $4  }
0xa7: {  	[hbm4b:s15+s3] =	stream.linear.scatter [tilespmem:s13], [sflag:$0x2], $0x80, $0x38;
	[tilespmem:$0x1AE00] =	vst v63  }
0xa8: {  	s13 =	sadd.s32 $0x10730, s14;
	s15 =	sadd.s32 $0x60, s1;
	s14 =	sadd.s32 $0x107B8, s14  }
0xa9: {  	[hbm4b:s15+s3] =	stream.linear.scatter [tilespmem:s13], [sflag:$0x2], $0x80, $0x38;
	[tilespmem:$0x1AE00] =	vst v63  }
0xaa: {  	s15 =	sadd.s32 $0x70, s1;
	s1 =	sadd.s32 $0x4000, s1;
	s13 =	smov.u32 s16  }
0xab: {  	[hbm4b:s15+s3] =	stream.linear.scatter [tilespmem:s14], [sflag:$0x2], $0x80, $0x38;
	[tilespmem:$0x1AE00] =	vst v63  }
0xac: {  	s13 =	sadd.s32 $0x10400, s0  }
0xad: {  	[hbm4b:s1+s3] =	stream.linear.scatter [tilespmem:s13], [sflag:$0x2], $0x80, $0x38;
	[tilespmem:$0x1AE00] =	vst v63  }
0xae: {  	s14 =	sadd.s32 $0x10488, s0;
	s15 =	sadd.s32 $0x10, s1  }
0xaf: {  	[hbm4b:s15+s3] =	stream.linear.scatter [tilespmem:s14], [sflag:$0x2], $0x80, $0x38;
	[tilespmem:$0x1AE00] =	vst v63  }
0xb0: {  	s16 =	sadd.s32 $0x10510, s0;
	s17 =	sadd.s32 $0x20, s1  }
0xb1: {  	[hbm4b:s17+s3] =	stream.linear.scatter [tilespmem:s16], [sflag:$0x2], $0x80, $0x38;
	[tilespmem:$0x1AE00] =	vst v63  }
0xb2: {  	s14 =	sadd.s32 $0x10598, s0;
	s15 =	sadd.s32 $0x30, s1  }
0xb3: {  	[hbm4b:s15+s3] =	stream.linear.scatter [tilespmem:s14], [sflag:$0x2], $0x80, $0x38;
	[tilespmem:$0x1AE00] =	vst v63  }
0xb4: {  	s16 =	sadd.s32 $0x10620, s0;
	s17 =	sadd.s32 $0x40, s1  }
0xb5: {  	[hbm4b:s17+s3] =	stream.linear.scatter [tilespmem:s16], [sflag:$0x2], $0x80, $0x38;
	[tilespmem:$0x1AE00] =	vst v63  }
0xb6: {  	s14 =	sadd.s32 $0x106A8, s0;
	s15 =	sadd.s32 $0x50, s1  }
0xb7: {  	[hbm4b:s15+s3] =	stream.linear.scatter [tilespmem:s14], [sflag:$0x2], $0x80, $0x38;
	[tilespmem:$0x1AE00] =	vst v63  }
0xb8: {  	p0 =	seq.s32 s29, $0x27;
	s16 =	sadd.s32 $0x10730, s0;
	s17 =	sadd.s32 $0x60, s1  }
0xb9: {  	[hbm4b:s17+s3] =	stream.linear.scatter [tilespmem:s16], [sflag:$0x2], $0x80, $0x38;
	[tilespmem:$0x1AE00] =	vst v63  }
0xba: {  	s15 =	sadd.s32 $0x107B8, s0;
	s0 =	smul.u32 @!p0 $0xA00, s29;
	s16 =	sadd.s32 $0x70, s1  }
0xbb: {  	[hbm4b:s16+s3] =	stream.linear.scatter [tilespmem:s15], [sflag:$0x2], $0x80, $0x38;
	[tilespmem:$0x1AE00] =	vst v63  }
0xbc: {  	s14 =	simm.s32 @!p0 $0x80;
	_ =	swait.ge [sflag:s22], $0x2000  }
0xbd: {  	s1 =	sshra.s32 @!p0 s0, $0x2;
	s17 =	simm.s32 $0x7;
	[sflag:s22] =	ssyncset.done $0x0  }
0xbe: {  	s13 =	sadd.s32 @!p0 $0x280, s1;
	s15 =	simm.s32 @!p0 $0x6400;
	[sflag:s22] =	ssyncadd.s32 $0xFFFFE000  }
0xbf: {  	[tilespmem:s15], [sflag:$0x1] =	stream.indirect.gather @!p0 [hbm4b:s5+s14], $0x40, s13, s14, $0xb8;
	[tilespmem:$0x1AE00] =	vst v63  }
0xc0: {  	v33 =	vmov s17;
	_ =	swait.ge [sflag:s20], $0x2000  }
0xc1: {  	v33 =	vshrl.u32 v33, $0x3;
	[sflag:s20] =	ssyncset.done $0x0  }
0xc2: {  	v33 =	vshll.u32 v33, v1;
	s14 =	simm.s32 $0x0;
	s13 =	simm.s32 $0x85F0;
	[sflag:s20] =	ssyncadd.s32 $0xFFFFE000  }
0xc3: {  	v33 =	vbroadcast v33, $0x0;
	s15 =	simm.s32 $0x1;
	v34 =	vmov s14;
	v35 =	vld [tilespmem:s13+$0xFFFFFFD0]  }
0xc4: {  	v41 =	vmov s15;
	v34 =	vshrl.u32 v34, $0x3;
	v37 =	vld [tilespmem:s13+$0xFFFFFFE0]  }
0xc5: {  	v36 =	vadd.s32 v29, v33;
	v41 =	vshrl.u32 v41, $0x3;
	v34 =	vshll.u32 v34, v1;
	v39 =	vld [tilespmem:s13+$0xFFFFFFF0]  }
0xc6: {  	v38 =	vadd.s32 v30, v33;
	v41 =	vshll.u32 v41, v1;
	v34 =	vbroadcast v34, $0x0;
	v42 =	vld [tilespmem:s13+$0x0]  }
0xc7: {  	v40 =	vadd.s32 v31, v33;
	v43 =	vld [tilespmem:s13+$0xFFFFFE10];
	v41 =	vbroadcast v41, $0x0  }
0xc8: {  	v45 =	vld [tilespmem:s13+$0xFFFFFE20];
	v44 =	vadd.s32 v0, v34  }
0xc9: {  	v57 =	vld [tilespmem:s13+$0xFFFFFE50];
	v58 =	vadd.s32 v5, v41  }
0xca: {  	v33 =	vadd.s32 v32, v33;
	v53 =	vld [tilespmem:s13+$0xFFFFFE30];
	[tilespmem:v36+s23+$0x0] =	vst.idx.msk $0xffff, v35  }
0xcb: {  	s17 =	simm.s32 $0x3;
	v55 =	vld [tilespmem:s13+$0xFFFFFE40];
	v46 =	vadd.s32 v2, v34;
	[tilespmem:v38+s23+$0x0] =	vst.idx.msk $0xffff, v37  }
0xcc: {  	v49 =	vmov s17;
	v59 =	vld [tilespmem:s13+$0xFFFFFE60];
	v60 =	vadd.s32 v6, v41;
	[tilespmem:v40+s23+$0x0] =	vst.idx.msk $0xffff, v39  }
0xcd: {  	s16 =	simm.s32 $0x2;
	v61 =	vld [tilespmem:s13+$0xFFFFFE70];
	v62 =	vadd.s32 v7, v41;
	v48 =	vadd.s32 v8, v41;
	v41 =	vshrl.u32 v49, $0x3;
	[tilespmem:v44+s23+$0x0] =	vst.idx.msk $0xffff, v43  }
0xce: {  	v56 =	vmov s16;
	v63 =	vld [tilespmem:s13+$0xFFFFFE80];
	v54 =	vadd.s32 v3, v34;
	v41 =	vshll.u32 v41, v1;
	[tilespmem:v58+s23+$0x0] =	vst.idx.msk $0xffff, v57  }
0xcf: {  	v50 =	vld [tilespmem:s13+$0xFFFFFE90];
	v34 =	vadd.s32 v4, v34;
	v41 =	vbroadcast v41, $0x0;
	v38 =	vshrl.u32 v56, $0x3;
	[tilespmem:v33+s23+$0x0] =	vst.idx.msk $0xffff, v42  }
0xd0: {  	v52 =	vld [tilespmem:s13+$0xFFFFFEA0];
	v38 =	vshll.u32 v38, v1;
	[tilespmem:v46+s23+$0x0] =	vst.idx.msk $0xffff, v45  }
0xd1: {  	v58 =	vld [tilespmem:s13+$0xFFFFFED0];
	v38 =	vbroadcast v38, $0x0;
	[tilespmem:v60+s23+$0x0] =	vst.idx.msk $0xffff, v59;
	v59 =	vadd.s32 v13, v41  }
0xd2: {  	v60 =	vld [tilespmem:s13+$0xFFFFFEE0];
	[tilespmem:v62+s23+$0x0] =	vst.idx.msk $0xffff, v61;
	v61 =	vadd.s32 v14, v41  }
0xd3: {  	s14 =	simm.s32 $0x4;
	v56 =	vld [tilespmem:s13+$0xFFFFFEC0];
	[tilespmem:v54+s23+$0x0] =	vst.idx.msk $0xffff, v53;
	v51 =	vadd.s32 v9, v38  }
0xd4: {  	v57 =	vmov s14;
	v54 =	vld [tilespmem:s13+$0xFFFFFEB0];
	[tilespmem:v34+s23+$0x0] =	vst.idx.msk $0xffff, v55;
	v53 =	vadd.s32 v10, v38  }
0xd5: {  	v44 =	vshrl.u32 v57, $0x3;
	v62 =	vld [tilespmem:s13+$0xFFFFFEF0];
	v55 =	vadd.s32 v11, v38;
	[tilespmem:v48+s23+$0x0] =	vst.idx.msk $0xffff, v63  }
0xd6: {  	v44 =	vshll.u32 v44, v1;
	v38 =	vadd.s32 v12, v38;
	v48 =	vld [tilespmem:s13+$0xFFFFFF00];
	[tilespmem:v59+s23+$0x0] =	vst.idx.msk $0xffff, v58  }
0xd7: {  	s15 =	simm.s32 $0x5;
	v63 =	vadd.s32 v15, v41;
	v44 =	vbroadcast v44, $0x0;
	[tilespmem:v61+s23+$0x0] =	vst.idx.msk $0xffff, v60  }
0xd8: {  	v49 =	vmov s15;
	v41 =	vadd.s32 v16, v41;
	[tilespmem:v51+s23+$0x0] =	vst.idx.msk $0xffff, v50  }
0xd9: {  	v42 =	vshrl.u32 v49, $0x3;
	v50 =	vld [tilespmem:s13+$0xFFFFFF10];
	v51 =	vadd.s32 v17, v44;
	[tilespmem:v53+s23+$0x0] =	vst.idx.msk $0xffff, v52  }
0xda: {  	v52 =	vld [tilespmem:s13+$0xFFFFFF20];
	v53 =	vadd.s32 v18, v44;
	[tilespmem:v55+s23+$0x0] =	vst.idx.msk $0xffff, v54;
	v54 =	vshll.u32 v42, v1  }
0xdb: {  	s16 =	simm.s32 $0x6;
	v55 =	vld [tilespmem:s13+$0xFFFFFF30];
	[tilespmem:v38+s23+$0x0] =	vst.idx.msk $0xffff, v56;
	v56 =	vadd.s32 v19, v44;
	v57 =	vbroadcast v54, $0x0  }
0xdc: {  	v58 =	vld [tilespmem:s13+$0xFFFFFF40];
	v59 =	vmov s16;
	[tilespmem:v63+s23+$0x0] =	vst.idx.msk $0xffff, v62;
	v44 =	vadd.s32 v20, v44  }
0xdd: {  	v60 =	vld [tilespmem:s13+$0xFFFFFF50];
	v61 =	vshrl.u32 v59, $0x3;
	[tilespmem:v41+s23+$0x0] =	vst.idx.msk $0xffff, v48;
	v47 =	vadd.s32 v21, v57  }
0xde: {  	v35 =	vld [tilespmem:s13+$0xFFFFFF60];
	v33 =	vshll.u32 v61, v1;
	[tilespmem:v51+s23+$0x0] =	vst.idx.msk $0xffff, v50;
	v43 =	vadd.s32 v22, v57  }
0xdf: {  	s17 =	simm.s32 $0xF;
	v40 =	vld [tilespmem:s13+$0xFFFFFF70];
	v36 =	vbroadcast v33, $0x0;
	v42 =	vadd.s32 v23, v57;
	[tilespmem:v53+s23+$0x0] =	vst.idx.msk $0xffff, v52  }
0xe0: {  	v62 =	vmov s17;
	v33 =	vld [tilespmem:s13+$0xFFFFFF80];
	v37 =	vadd.s32 v24, v57;
	[tilespmem:v56+s23+$0x0] =	vst.idx.msk $0xffff, v55  }
0xe1: {  	v34 =	vld [tilespmem:s13+$0xFFFFFF90];
	v63 =	vshrl.u32 v62, $0x3;
	v38 =	vadd.s32 v25, v36;
	[tilespmem:v44+s23+$0x0] =	vst.idx.msk $0xffff, v58  }
0xe2: {  	s0 =	sadd.s32 s31, s7;
	s15 =	simm.s32 $0x10;
	s14 =	simm.s32 $0x8;
	v39 =	vld [tilespmem:s13+$0xFFFFFFA0];
	v41 =	vadd.s32 v26, v36;
	v44 =	vshll.u32 v63, v1;
	[tilespmem:v47+s23+$0x0] =	vst.idx.msk $0xffff, v60  }
.LBB2_7:
0xe3: {  	p1 =	slt.u32 s15, $0x78;
	v44 =	vbroadcast v44, $0x0;
	[tilespmem:v43+s23+$0x0] =	vst.idx.msk $0xffff, v35;
	v35 =	vld [tilespmem:s13+$0xFFFFFFB0];
	v43 =	vadd.s32 v27, v36  }
0xe4: {  	v45 =	vmov s14;
	v36 =	vadd.s32 v28, v36;
	[tilespmem:v42+s23+$0x0] =	vst.idx.msk $0xffff, v40;
	v40 =	vld [tilespmem:s13+$0xFFFFFFC0];
	s13 =	sadd.s32 $0x200, s13  }
0xe5: {  	v42 =	vshrl.u32 v45, $0x3;
	v45 =	vld [tilespmem:s13+$0xFFFFFFD0];
	v46 =	vadd.s32 v29, v44;
	[tilespmem:v37+s23+$0x0] =	vst.idx.msk $0xffff, v33  }
0xe6: {  	v33 =	vshll.u32 v42, v1;
	v42 =	vadd.s32 v30, v44;
	v37 =	vld [tilespmem:s13+$0xFFFFFFE0];
	[tilespmem:v38+s23+$0x0] =	vst.idx.msk $0xffff, v34  }
0xe7: {  	s16 =	sadd.s32 $0x1, s14;
	v33 =	vbroadcast v33, $0x0;
	v38 =	vadd.s32 v31, v44;
	v34 =	vld [tilespmem:s13+$0xFFFFFFF0];
	[tilespmem:v41+s23+$0x0] =	vst.idx.msk $0xffff, v39  }
0xe8: {  	v44 =	vadd.s32 v32, v44;
	v39 =	vmov s16;
	v41 =	vld [tilespmem:s13+$0x0];
	[tilespmem:v43+s23+$0x0] =	vst.idx.msk $0xffff, v35  }
0xe9: {  	v43 =	vadd.s32 v0, v33;
	v39 =	vshrl.u32 v39, $0x3;
	v35 =	vld [tilespmem:s13+$0xFFFFFE10];
	[tilespmem:v36+s23+$0x0] =	vst.idx.msk $0xffff, v40  }
0xea: {  	v40 =	vadd.s32 v2, v33;
	v39 =	vshll.u32 v39, v1;
	v36 =	vld [tilespmem:s13+$0xFFFFFE20];
	[tilespmem:v46+s23+$0x0] =	vst.idx.msk $0xffff, v45  }
0xeb: {  	s16 =	sadd.s32 $0x2, s14;
	v46 =	vadd.s32 v3, v33;
	v39 =	vbroadcast v39, $0x0;
	v45 =	vld [tilespmem:s13+$0xFFFFFE30];
	[tilespmem:v42+s23+$0x0] =	vst.idx.msk $0xffff, v37  }
0xec: {  	v33 =	vadd.s32 v4, v33;
	v42 =	vmov s16;
	v37 =	vld [tilespmem:s13+$0xFFFFFE40];
	[tilespmem:v38+s23+$0x0] =	vst.idx.msk $0xffff, v34  }
0xed: {  	v38 =	vadd.s32 v5, v39;
	v42 =	vshrl.u32 v42, $0x3;
	v34 =	vld [tilespmem:s13+$0xFFFFFE50];
	[tilespmem:v44+s23+$0x0] =	vst.idx.msk $0xffff, v41  }
0xee: {  	v41 =	vadd.s32 v6, v39;
	v42 =	vshll.u32 v42, v1;
	[tilespmem:v43+s23+$0x0] =	vst.idx.msk $0xffff, v35;
	v35 =	vld [tilespmem:s13+$0xFFFFFE60]  }
0xef: {  	s16 =	sadd.s32 $0x3, s14;
	v42 =	vbroadcast v42, $0x0;
	[tilespmem:v40+s23+$0x0] =	vst.idx.msk $0xffff, v36;
	v36 =	vld [tilespmem:s13+$0xFFFFFE70];
	v40 =	vadd.s32 v7, v39  }
0xf0: {  	v44 =	vmov s16;
	v39 =	vadd.s32 v8, v39;
	[tilespmem:v46+s23+$0x0] =	vst.idx.msk $0xffff, v45;
	v43 =	vld [tilespmem:s13+$0xFFFFFE80]  }
0xf1: {  	v44 =	vshrl.u32 v44, $0x3;
	[tilespmem:v33+s23+$0x0] =	vst.idx.msk $0xffff, v37;
	v33 =	vld [tilespmem:s13+$0xFFFFFE90];
	v37 =	vadd.s32 v9, v42  }
0xf2: {  	v44 =	vshll.u32 v44, v1;
	[tilespmem:v38+s23+$0x0] =	vst.idx.msk $0xffff, v34;
	v34 =	vld [tilespmem:s13+$0xFFFFFEA0];
	v38 =	vadd.s32 v10, v42  }
0xf3: {  	s16 =	sadd.s32 $0x4, s14;
	v44 =	vbroadcast v44, $0x0;
	[tilespmem:v41+s23+$0x0] =	vst.idx.msk $0xffff, v35;
	v35 =	vld [tilespmem:s13+$0xFFFFFEB0];
	v41 =	vadd.s32 v11, v42  }
0xf4: {  	[tilespmem:v40+s23+$0x0] =	vst.idx.msk $0xffff, v36;
	v36 =	vld [tilespmem:s13+$0xFFFFFEC0];
	v40 =	vadd.s32 v12, v42;
	v42 =	vmov s16  }
0xf5: {  	[tilespmem:v39+s23+$0x0] =	vst.idx.msk $0xffff, v43;
	v39 =	vld [tilespmem:s13+$0xFFFFFED0];
	v43 =	vadd.s32 v13, v44;
	v42 =	vshrl.u32 v42, $0x3  }
0xf6: {  	[tilespmem:v37+s23+$0x0] =	vst.idx.msk $0xffff, v33;
	v33 =	vld [tilespmem:s13+$0xFFFFFEE0];
	v37 =	vadd.s32 v14, v44;
	v42 =	vshll.u32 v42, v1  }
0xf7: {  	s16 =	sadd.s32 $0x5, s14;
	[tilespmem:v38+s23+$0x0] =	vst.idx.msk $0xffff, v34;
	v34 =	vld [tilespmem:s13+$0xFFFFFEF0];
	v38 =	vadd.s32 v15, v44;
	v42 =	vbroadcast v42, $0x0  }
0xf8: {  	[tilespmem:v41+s23+$0x0] =	vst.idx.msk $0xffff, v35;
	v35 =	vld [tilespmem:s13+$0xFFFFFF00];
	v41 =	vadd.s32 v16, v44;
	v44 =	vmov s16  }
0xf9: {  	[tilespmem:v40+s23+$0x0] =	vst.idx.msk $0xffff, v36;
	v36 =	vld [tilespmem:s13+$0xFFFFFF10];
	v40 =	vadd.s32 v17, v42;
	v44 =	vshrl.u32 v44, $0x3  }
0xfa: {  	v45 =	vadd.s32 v18, v42;
	[tilespmem:v43+s23+$0x0] =	vst.idx.msk $0xffff, v39;
	v39 =	vld [tilespmem:s13+$0xFFFFFF20];
	v43 =	vshll.u32 v44, v1  }
0xfb: {  	s16 =	sadd.s32 $0x6, s14;
	s14 =	smov.u32 s15;
	[tilespmem:v37+s23+$0x0] =	vst.idx.msk $0xffff, v33;
	v33 =	vld [tilespmem:s13+$0xFFFFFF30];
	v37 =	vadd.s32 v19, v42;
	v44 =	vbroadcast v43, $0x0  }
0xfc: {  	[tilespmem:v38+s23+$0x0] =	vst.idx.msk $0xffff, v34;
	v34 =	vld [tilespmem:s13+$0xFFFFFF40];
	v38 =	vadd.s32 v20, v42;
	v42 =	vmov s16  }
0xfd: {  	[tilespmem:v41+s23+$0x0] =	vst.idx.msk $0xffff, v35;
	v41 =	vld [tilespmem:s13+$0xFFFFFF50];
	v46 =	vadd.s32 v21, v44;
	v42 =	vshrl.u32 v42, $0x3  }
.Ltmp2:
0xfe: {  	v43 =	vadd.s32 v22, v44;
	[tilespmem:v40+s23+$0x0] =	vst.idx.msk $0xffff, v36;
	v35 =	vld [tilespmem:s13+$0xFFFFFF60];
	v36 =	vshll.u32 v42, v1;
	(pc) =	sbr.rel @p1 .LBB2_7-.Ltmp2, $4  }
0xff: {  	s16 =	sadd.s32 $0x7, s15;
	v42 =	vadd.s32 v23, v44;
	[tilespmem:v45+s23+$0x0] =	vst.idx.msk $0xffff, v39;
	v40 =	vld [tilespmem:s13+$0xFFFFFF70];
	v36 =	vbroadcast v36, $0x0  }
0x100: {  	v39 =	vmov s16;
	[tilespmem:v37+s23+$0x0] =	vst.idx.msk $0xffff, v33;
	v33 =	vld [tilespmem:s13+$0xFFFFFF80];
	v37 =	vadd.s32 v24, v44  }
0x101: {  	v39 =	vshrl.u32 v39, $0x3;
	[tilespmem:v38+s23+$0x0] =	vst.idx.msk $0xffff, v34;
	v34 =	vld [tilespmem:s13+$0xFFFFFF90];
	v38 =	vadd.s32 v25, v36  }
0x102: {  	s15 =	sadd.s32 $0x8, s15;
	v44 =	vshll.u32 v39, v1;
	[tilespmem:v46+s23+$0x0] =	vst.idx.msk $0xffff, v41;
	v39 =	vld [tilespmem:s13+$0xFFFFFFA0];
	v41 =	vadd.s32 v26, v36  }
0x103: {  	_ =	sdelay $0x3  }
0x104: {  	v44 =	vbroadcast v44, $0x0;
	[tilespmem:v43+s23+$0x0] =	vst.idx.msk $0xffff, v35;
	v60 =	vld [tilespmem:s13+$0xFFFFFFB0];
	v61 =	vadd.s32 v27, v36  }
0x105: {  	v45 =	vmov s14;
	v62 =	vld [tilespmem:s13+$0xFFFFFFC0];
	v63 =	vadd.s32 v28, v36;
	s13 =	sadd.s32 $0x200, s13;
	[tilespmem:v42+s23+$0x0] =	vst.idx.msk $0xffff, v40  }
0x106: {  	v48 =	vshrl.u32 v45, $0x3;
	v49 =	vld [tilespmem:s13+$0xFFFFFFD0];
	v46 =	vadd.s32 v29, v44;
	[tilespmem:v37+s23+$0x0] =	vst.idx.msk $0xffff, v33  }
0x107: {  	v51 =	vld [tilespmem:s13+$0xFFFFFFE0];
	v50 =	vshll.u32 v48, v1;
	v52 =	vadd.s32 v30, v44;
	[tilespmem:v38+s23+$0x0] =	vst.idx.msk $0xffff, v34  }
0x108: {  	s15 =	sadd.s32 $0x1, s14;
	v53 =	vld [tilespmem:s13+$0xFFFFFFF0];
	v54 =	vadd.s32 v31, v44;
	v33 =	vbroadcast v50, $0x0;
	[tilespmem:v41+s23+$0x0] =	vst.idx.msk $0xffff, v39  }
0x109: {  	v55 =	vmov s15;
	v56 =	vld [tilespmem:s13+$0x0];
	v44 =	vadd.s32 v32, v44;
	[tilespmem:v61+s23+$0x0] =	vst.idx.msk $0xffff, v60  }
0x10a: {  	v57 =	vld [tilespmem:s13+$0xFFFFFE10];
	v39 =	vshrl.u32 v55, $0x3;
	v58 =	vadd.s32 v0, v33;
	[tilespmem:v63+s23+$0x0] =	vst.idx.msk $0xffff, v62  }
0x10b: {  	s17 =	sadd.s32 $0x2, s14;
	v59 =	vld [tilespmem:s13+$0xFFFFFE20];
	v60 =	vadd.s32 v2, v33;
	v39 =	vshll.u32 v39, v1;
	[tilespmem:v46+s23+$0x0] =	vst.idx.msk $0xffff, v49  }
0x10c: {  	v47 =	vmov s17;
	v61 =	vld [tilespmem:s13+$0xFFFFFE30];
	v62 =	vadd.s32 v3, v33;
	v39 =	vbroadcast v39, $0x0;
	[tilespmem:v52+s23+$0x0] =	vst.idx.msk $0xffff, v51  }
0x10d: {  	v42 =	vshrl.u32 v47, $0x3;
	v63 =	vld [tilespmem:s13+$0xFFFFFE40];
	v33 =	vadd.s32 v4, v33;
	[tilespmem:v54+s23+$0x0] =	vst.idx.msk $0xffff, v53  }
0x10e: {  	v48 =	vld [tilespmem:s13+$0xFFFFFE50];
	v42 =	vshll.u32 v42, v1;
	v49 =	vadd.s32 v5, v39;
	[tilespmem:v44+s23+$0x0] =	vst.idx.msk $0xffff, v56  }
0x10f: {  	v50 =	vld [tilespmem:s13+$0xFFFFFE60];
	v42 =	vbroadcast v42, $0x0;
	v51 =	vadd.s32 v6, v39;
	[tilespmem:v58+s23+$0x0] =	vst.idx.msk $0xffff, v57  }
0x110: {  	s16 =	sadd.s32 $0x3, s14;
	v52 =	vld [tilespmem:s13+$0xFFFFFE70];
	v53 =	vadd.s32 v7, v39;
	[tilespmem:v60+s23+$0x0] =	vst.idx.msk $0xffff, v59  }
0x111: {  	v55 =	vmov s16;
	v56 =	vld [tilespmem:s13+$0xFFFFFE90];
	v57 =	vadd.s32 v9, v42;
	[tilespmem:v62+s23+$0x0] =	vst.idx.msk $0xffff, v61  }
0x112: {  	v54 =	vld [tilespmem:s13+$0xFFFFFE80];
	v39 =	vadd.s32 v8, v39;
	v44 =	vshrl.u32 v55, $0x3;
	[tilespmem:v33+s23+$0x0] =	vst.idx.msk $0xffff, v63  }
0x113: {  	v58 =	vld [tilespmem:s13+$0xFFFFFEA0];
	v59 =	vadd.s32 v10, v42;
	v44 =	vshll.u32 v44, v1;
	[tilespmem:v49+s23+$0x0] =	vst.idx.msk $0xffff, v48  }
0x114: {  	s17 =	sadd.s32 $0x4, s14;
	v60 =	vld [tilespmem:s13+$0xFFFFFEB0];
	v61 =	vadd.s32 v11, v42;
	v44 =	vbroadcast v44, $0x0;
	[tilespmem:v51+s23+$0x0] =	vst.idx.msk $0xffff, v50  }
0x115: {  	v62 =	vld [tilespmem:s13+$0xFFFFFEC0];
	v63 =	vadd.s32 v12, v42;
	v48 =	vmov s17;
	[tilespmem:v53+s23+$0x0] =	vst.idx.msk $0xffff, v52  }
0x116: {  	v49 =	vld [tilespmem:s13+$0xFFFFFED0];
	v50 =	vadd.s32 v13, v44;
	v42 =	vshrl.u32 v48, $0x3;
	[tilespmem:v57+s23+$0x0] =	vst.idx.msk $0xffff, v56  }
0x117: {  	s16 =	sadd.s32 $0x5, s14;
	v51 =	vld [tilespmem:s13+$0xFFFFFEE0];
	v52 =	vadd.s32 v14, v44;
	v42 =	vshll.u32 v42, v1;
	[tilespmem:v39+s23+$0x0] =	vst.idx.msk $0xffff, v54  }
0x118: {  	v53 =	vld [tilespmem:s13+$0xFFFFFEF0];
	v57 =	vmov s16;
	[tilespmem:v59+s23+$0x0] =	vst.idx.msk $0xffff, v58;
	v54 =	vadd.s32 v15, v44;
	v42 =	vbroadcast v42, $0x0  }
0x119: {  	v55 =	vld [tilespmem:s13+$0xFFFFFF00];
	v56 =	vadd.s32 v16, v44;
	v44 =	vshrl.u32 v57, $0x3;
	[tilespmem:v61+s23+$0x0] =	vst.idx.msk $0xffff, v60  }
0x11a: {  	v58 =	vld [tilespmem:s13+$0xFFFFFF10];
	v44 =	vshll.u32 v44, v1;
	[tilespmem:v63+s23+$0x0] =	vst.idx.msk $0xffff, v62;
	v59 =	vadd.s32 v17, v42  }
0x11b: {  	v60 =	vld [tilespmem:s13+$0xFFFFFF20];
	v61 =	vadd.s32 v18, v42;
	v44 =	vbroadcast v44, $0x0;
	[tilespmem:v50+s23+$0x0] =	vst.idx.msk $0xffff, v49  }
0x11c: {  	s17 =	sadd.s32 $0x6, s14;
	v62 =	vld [tilespmem:s13+$0xFFFFFF30];
	v63 =	vadd.s32 v19, v42;
	[tilespmem:v52+s23+$0x0] =	vst.idx.msk $0xffff, v51  }
0x11d: {  	v48 =	vmov s17;
	v49 =	vld [tilespmem:s13+$0xFFFFFF50];
	v50 =	vadd.s32 v21, v44;
	[tilespmem:v54+s23+$0x0] =	vst.idx.msk $0xffff, v53  }
0x11e: {  	v46 =	vld [tilespmem:s13+$0xFFFFFF40];
	v47 =	vadd.s32 v20, v42;
	v42 =	vshrl.u32 v48, $0x3;
	[tilespmem:v56+s23+$0x0] =	vst.idx.msk $0xffff, v55  }
0x11f: {  	v42 =	vshll.u32 v42, v1;
	v51 =	vld [tilespmem:s13+$0xFFFFFF60];
	v52 =	vadd.s32 v22, v44;
	[tilespmem:v59+s23+$0x0] =	vst.idx.msk $0xffff, v58  }
0x120: {  	v42 =	vbroadcast v42, $0x0;
	v53 =	vld [tilespmem:s13+$0xFFFFFF70];
	v54 =	vadd.s32 v23, v44;
	[tilespmem:v61+s23+$0x0] =	vst.idx.msk $0xffff, v60  }
0x121: {  	v55 =	vld [tilespmem:s13+$0xFFFFFF80];
	v56 =	vadd.s32 v24, v44;
	[tilespmem:v63+s23+$0x0] =	vst.idx.msk $0xffff, v62  }
0x122: {  	v57 =	vld [tilespmem:s13+$0xFFFFFF90];
	v58 =	vadd.s32 v25, v42;
	[tilespmem:v50+s23+$0x0] =	vst.idx.msk $0xffff, v49  }
0x123: {  	v59 =	vld [tilespmem:s13+$0xFFFFFFA0];
	v60 =	vadd.s32 v26, v42;
	[tilespmem:v47+s23+$0x0] =	vst.idx.msk $0xffff, v46  }
0x124: {  	v61 =	vld [tilespmem:s13+$0xFFFFFFB0];
	v62 =	vadd.s32 v27, v42;
	[tilespmem:v52+s23+$0x0] =	vst.idx.msk $0xffff, v51  }
0x125: {  	v63 =	vld [tilespmem:s13+$0xFFFFFFC0];
	v42 =	vadd.s32 v28, v42;
	[tilespmem:v54+s23+$0x0] =	vst.idx.msk $0xffff, v53  }
0x126: {  	[tilespmem:v56+s23+$0x0] =	vst.idx.msk $0xffff, v55  }
0x127: {  	s15 =	sshll.u32 s0, $0x7;
	[tilespmem:v58+s23+$0x0] =	vst.idx.msk $0xffff, v57  }
0x128: {  	s16 =	sshll.u32 s0, $0xA;
	s13 =	sand.u32 $0x3F80, s15;
	[tilespmem:v60+s23+$0x0] =	vst.idx.msk $0xffff, v59  }
0x129: {  	s0 =	sand.u32 $0xFFE0000, s16;
	s13 =	sadd.s32 s2, s13;
	[tilespmem:v62+s23+$0x0] =	vst.idx.msk $0xffff, v61  }
0x12a: {  	s17 =	simm.s32 $0x12600;
	s13 =	sadd.s32 s0, s13;
	[tilespmem:v42+s23+$0x0] =	vst.idx.msk $0xffff, v63  }
0x12b: {  	[hbm4b:s13+s3] =	stream.linear.scatter [tilespmem:s17], [sflag:$0x2], $0x80, $0x38;
	[tilespmem:$0x1AE00] =	vst v63  }
0x12c: {  	s14 =	simm.s32 $0x12688;
	s15 =	sadd.s32 $0x10, s13  }
0x12d: {  	[hbm4b:s15+s3] =	stream.linear.scatter [tilespmem:s14], [sflag:$0x2], $0x80, $0x38;
	[tilespmem:$0x1AE00] =	vst v63  }
0x12e: {  	s16 =	simm.s32 $0x12710;
	s17 =	sadd.s32 $0x20, s13  }
0x12f: {  	[hbm4b:s17+s3] =	stream.linear.scatter [tilespmem:s16], [sflag:$0x2], $0x80, $0x38;
	[tilespmem:$0x1AE00] =	vst v63  }
0x130: {  	s14 =	simm.s32 $0x12798;
	s15 =	sadd.s32 $0x30, s13  }
0x131: {  	[hbm4b:s15+s3] =	stream.linear.scatter [tilespmem:s14], [sflag:$0x2], $0x80, $0x38;
	[tilespmem:$0x1AE00] =	vst v63  }
0x132: {  	s16 =	simm.s32 $0x12820;
	s17 =	sadd.s32 $0x40, s13  }
0x133: {  	[hbm4b:s17+s3] =	stream.linear.scatter [tilespmem:s16], [sflag:$0x2], $0x80, $0x38;
	[tilespmem:$0x1AE00] =	vst v63  }
0x134: {  	s0 =	simm.s32 $0x440;
	s14 =	simm.s32 $0x128A8;
	s15 =	sadd.s32 $0x50, s13  }
0x135: {  	[hbm4b:s15+s3] =	stream.linear.scatter [tilespmem:s14], [sflag:$0x2], $0x80, $0x38;
	[tilespmem:$0x1AE00] =	vst v63  }
0x136: {  	s16 =	simm.s32 $0x12930;
	s17 =	sadd.s32 $0x60, s13;
	s14 =	simm.s32 $0x2200  }
0x137: {  	[hbm4b:s17+s3] =	stream.linear.scatter [tilespmem:s16], [sflag:$0x2], $0x80, $0x38;
	[tilespmem:$0x1AE00] =	vst v63  }
0x138: {  	s15 =	simm.s32 $0x129B8;
	s16 =	sadd.s32 $0x70, s13;
	s13 =	sadd.s32 $0x4000, s13  }
.LBB2_9:
0x139: {  	[hbm4b:s16+s3] =	stream.linear.scatter [tilespmem:s15], [sflag:$0x2], $0x80, $0x38;
	[tilespmem:$0x1AE00] =	vst v63  }
0x13a: {  	s15 =	smov.u32 s0;
	s0 =	smov.u32 s14  }
0x13b: {  	s17 =	sadd.s32 $0x1100, s14;
	s0 =	sshra.s32 s0, $0x2;
	s16 =	sadd.s32 $0x12600, s15  }
0x13c: {  	[hbm4b:s13+s3] =	stream.linear.scatter [tilespmem:s16], [sflag:$0x2], $0x80, $0x38;
	[tilespmem:$0x1AE00] =	vst v63  }
0x13d: {  	p1 =	sne.s32 s14, $0x7700;
	s14 =	sadd.s32 $0x12688, s15;
	s16 =	sadd.s32 $0x10, s13  }
0x13e: {  	[hbm4b:s16+s3] =	stream.linear.scatter [tilespmem:s14], [sflag:$0x2], $0x80, $0x38;
	[tilespmem:$0x1AE00] =	vst v63  }
0x13f: {  	s14 =	sadd.s32 $0x12710, s15;
	s16 =	sadd.s32 $0x20, s13  }
0x140: {  	[hbm4b:s16+s3] =	stream.linear.scatter [tilespmem:s14], [sflag:$0x2], $0x80, $0x38;
	[tilespmem:$0x1AE00] =	vst v63  }
0x141: {  	s14 =	sadd.s32 $0x12798, s15;
	s16 =	sadd.s32 $0x30, s13  }
0x142: {  	[hbm4b:s16+s3] =	stream.linear.scatter [tilespmem:s14], [sflag:$0x2], $0x80, $0x38;
	[tilespmem:$0x1AE00] =	vst v63  }
0x143: {  	s14 =	sadd.s32 $0x12820, s15;
	s16 =	sadd.s32 $0x40, s13  }
0x144: {  	[hbm4b:s16+s3] =	stream.linear.scatter [tilespmem:s14], [sflag:$0x2], $0x80, $0x38;
	[tilespmem:$0x1AE00] =	vst v63  }
.Ltmp3:
0x145: {  	s14 =	sadd.s32 $0x128A8, s15;
	s16 =	sadd.s32 $0x50, s13;
	(pc) =	sbr.rel @p1 .LBB2_9-.Ltmp3, $4  }
0x146: {  	[hbm4b:s16+s3] =	stream.linear.scatter [tilespmem:s14], [sflag:$0x2], $0x80, $0x38;
	[tilespmem:$0x1AE00] =	vst v63  }
0x147: {  	s14 =	sadd.s32 $0x12930, s15;
	s16 =	sadd.s32 $0x60, s13;
	s15 =	sadd.s32 $0x129B8, s15  }
0x148: {  	[hbm4b:s16+s3] =	stream.linear.scatter [tilespmem:s14], [sflag:$0x2], $0x80, $0x38;
	[tilespmem:$0x1AE00] =	vst v63  }
0x149: {  	s16 =	sadd.s32 $0x70, s13;
	s13 =	sadd.s32 $0x4000, s13;
	s14 =	smov.u32 s17  }
0x14a: {  	[hbm4b:s16+s3] =	stream.linear.scatter [tilespmem:s15], [sflag:$0x2], $0x80, $0x38;
	[tilespmem:$0x1AE00] =	vst v63  }
0x14b: {  	s14 =	sadd.s32 $0x12600, s0  }
0x14c: {  	[hbm4b:s13+s3] =	stream.linear.scatter [tilespmem:s14], [sflag:$0x2], $0x80, $0x38;
	[tilespmem:$0x1AE00] =	vst v63  }
0x14d: {  	s16 =	sadd.s32 $0x12688, s0;
	s17 =	sadd.s32 $0x10, s13  }
0x14e: {  	[hbm4b:s17+s3] =	stream.linear.scatter [tilespmem:s16], [sflag:$0x2], $0x80, $0x38;
	[tilespmem:$0x1AE00] =	vst v63  }
0x14f: {  	s16 =	sadd.s32 $0x12710, s0;
	s17 =	sadd.s32 $0x20, s13  }
0x150: {  	[hbm4b:s17+s3] =	stream.linear.scatter [tilespmem:s16], [sflag:$0x2], $0x80, $0x38;
	[tilespmem:$0x1AE00] =	vst v63  }
0x151: {  	s16 =	sadd.s32 $0x12798, s0;
	s17 =	sadd.s32 $0x30, s13  }
0x152: {  	[hbm4b:s17+s3] =	stream.linear.scatter [tilespmem:s16], [sflag:$0x2], $0x80, $0x38;
	[tilespmem:$0x1AE00] =	vst v63  }
0x153: {  	s16 =	sadd.s32 $0x12820, s0;
	s17 =	sadd.s32 $0x40, s13  }
0x154: {  	[hbm4b:s17+s3] =	stream.linear.scatter [tilespmem:s16], [sflag:$0x2], $0x80, $0x38;
	[tilespmem:$0x1AE00] =	vst v63  }
0x155: {  	s16 =	sadd.s32 $0x128A8, s0;
	s17 =	sadd.s32 $0x50, s13  }
0x156: {  	[hbm4b:s17+s3] =	stream.linear.scatter [tilespmem:s16], [sflag:$0x2], $0x80, $0x38;
	[tilespmem:$0x1AE00] =	vst v63  }
0x157: {  	s16 =	sadd.s32 $0x12930, s0;
	s17 =	sadd.s32 $0x60, s13  }
0x158: {  	[hbm4b:s17+s3] =	stream.linear.scatter [tilespmem:s16], [sflag:$0x2], $0x80, $0x38;
	[tilespmem:$0x1AE00] =	vst v63  }
0x159: {  	s15 =	sadd.s32 $0x129B8, s0;
	s16 =	sadd.s32 $0x70, s13  }
0x15a: {  	[hbm4b:s16+s3] =	stream.linear.scatter [tilespmem:s15], [sflag:$0x2], $0x80, $0x38;
	[tilespmem:$0x1AE00] =	vst v63  }
0x15b: {  	_ =	swait.ge [sflag:s22], $0x2000  }
0x15c: {  	s14 =	simm.s32 @!p0 $0x80;
	s17 =	simm.s32 $0x7;
	[sflag:s22] =	ssyncset.done $0x0  }
0x15d: {  	s13 =	sadd.s32 @!p0 $0x300, s1;
	s15 =	simm.s32 @!p0 $0x8400;
	[sflag:s22] =	ssyncadd.s32 $0xFFFFE000  }
0x15e: {  	[tilespmem:s15], [sflag:$0x1] =	stream.indirect.gather @!p0 [hbm4b:s5+s14], $0x40, s13, s14, $0xb8;
	[tilespmem:$0x1AE00] =	vst v63  }
0x15f: {  	v33 =	vmov s17;
	_ =	swait.ge [sflag:s20], $0x2000  }
0x160: {  	v33 =	vshrl.u32 v33, $0x3;
	[sflag:s20] =	ssyncset.done $0x0  }
0x161: {  	v33 =	vshll.u32 v33, v1;
	s14 =	simm.s32 $0x0;
	s13 =	simm.s32 $0xA5F0;
	[sflag:s20] =	ssyncadd.s32 $0xFFFFE000  }
0x162: {  	v33 =	vbroadcast v33, $0x0;
	s15 =	simm.s32 $0x1;
	v34 =	vmov s14;
	v35 =	vld [tilespmem:s13+$0xFFFFFFD0]  }
0x163: {  	v41 =	vmov s15;
	v34 =	vshrl.u32 v34, $0x3;
	v37 =	vld [tilespmem:s13+$0xFFFFFFE0]  }
0x164: {  	v36 =	vadd.s32 v29, v33;
	v41 =	vshrl.u32 v41, $0x3;
	v34 =	vshll.u32 v34, v1;
	v39 =	vld [tilespmem:s13+$0xFFFFFFF0]  }
0x165: {  	v38 =	vadd.s32 v30, v33;
	v41 =	vshll.u32 v41, v1;
	v34 =	vbroadcast v34, $0x0;
	v42 =	vld [tilespmem:s13+$0x0]  }
0x166: {  	v40 =	vadd.s32 v31, v33;
	v43 =	vld [tilespmem:s13+$0xFFFFFE10];
	v41 =	vbroadcast v41, $0x0  }
0x167: {  	v45 =	vld [tilespmem:s13+$0xFFFFFE20];
	v44 =	vadd.s32 v0, v34  }
0x168: {  	v57 =	vld [tilespmem:s13+$0xFFFFFE50];
	v58 =	vadd.s32 v5, v41  }
0x169: {  	v33 =	vadd.s32 v32, v33;
	v53 =	vld [tilespmem:s13+$0xFFFFFE30];
	[tilespmem:v36+s24+$0x0] =	vst.idx.msk $0xffff, v35  }
0x16a: {  	s17 =	simm.s32 $0x3;
	v55 =	vld [tilespmem:s13+$0xFFFFFE40];
	v46 =	vadd.s32 v2, v34;
	[tilespmem:v38+s24+$0x0] =	vst.idx.msk $0xffff, v37  }
0x16b: {  	v49 =	vmov s17;
	v59 =	vld [tilespmem:s13+$0xFFFFFE60];
	v60 =	vadd.s32 v6, v41;
	[tilespmem:v40+s24+$0x0] =	vst.idx.msk $0xffff, v39  }
0x16c: {  	s16 =	simm.s32 $0x2;
	v61 =	vld [tilespmem:s13+$0xFFFFFE70];
	v62 =	vadd.s32 v7, v41;
	v48 =	vadd.s32 v8, v41;
	v41 =	vshrl.u32 v49, $0x3;
	[tilespmem:v44+s24+$0x0] =	vst.idx.msk $0xffff, v43  }
0x16d: {  	v56 =	vmov s16;
	v63 =	vld [tilespmem:s13+$0xFFFFFE80];
	v54 =	vadd.s32 v3, v34;
	v41 =	vshll.u32 v41, v1;
	[tilespmem:v58+s24+$0x0] =	vst.idx.msk $0xffff, v57  }
0x16e: {  	v50 =	vld [tilespmem:s13+$0xFFFFFE90];
	v34 =	vadd.s32 v4, v34;
	v41 =	vbroadcast v41, $0x0;
	v38 =	vshrl.u32 v56, $0x3;
	[tilespmem:v33+s24+$0x0] =	vst.idx.msk $0xffff, v42  }
0x16f: {  	v52 =	vld [tilespmem:s13+$0xFFFFFEA0];
	v38 =	vshll.u32 v38, v1;
	[tilespmem:v46+s24+$0x0] =	vst.idx.msk $0xffff, v45  }
0x170: {  	v58 =	vld [tilespmem:s13+$0xFFFFFED0];
	v38 =	vbroadcast v38, $0x0;
	[tilespmem:v60+s24+$0x0] =	vst.idx.msk $0xffff, v59;
	v59 =	vadd.s32 v13, v41  }
0x171: {  	v60 =	vld [tilespmem:s13+$0xFFFFFEE0];
	[tilespmem:v62+s24+$0x0] =	vst.idx.msk $0xffff, v61;
	v61 =	vadd.s32 v14, v41  }
0x172: {  	s14 =	simm.s32 $0x4;
	v56 =	vld [tilespmem:s13+$0xFFFFFEC0];
	[tilespmem:v54+s24+$0x0] =	vst.idx.msk $0xffff, v53;
	v51 =	vadd.s32 v9, v38  }
0x173: {  	v57 =	vmov s14;
	v54 =	vld [tilespmem:s13+$0xFFFFFEB0];
	[tilespmem:v34+s24+$0x0] =	vst.idx.msk $0xffff, v55;
	v53 =	vadd.s32 v10, v38  }
0x174: {  	v44 =	vshrl.u32 v57, $0x3;
	v62 =	vld [tilespmem:s13+$0xFFFFFEF0];
	v55 =	vadd.s32 v11, v38;
	[tilespmem:v48+s24+$0x0] =	vst.idx.msk $0xffff, v63  }
0x175: {  	v44 =	vshll.u32 v44, v1;
	v38 =	vadd.s32 v12, v38;
	v48 =	vld [tilespmem:s13+$0xFFFFFF00];
	[tilespmem:v59+s24+$0x0] =	vst.idx.msk $0xffff, v58  }
0x176: {  	s15 =	simm.s32 $0x5;
	v63 =	vadd.s32 v15, v41;
	v44 =	vbroadcast v44, $0x0;
	[tilespmem:v61+s24+$0x0] =	vst.idx.msk $0xffff, v60  }
0x177: {  	v49 =	vmov s15;
	v41 =	vadd.s32 v16, v41;
	[tilespmem:v51+s24+$0x0] =	vst.idx.msk $0xffff, v50  }
0x178: {  	v42 =	vshrl.u32 v49, $0x3;
	v50 =	vld [tilespmem:s13+$0xFFFFFF10];
	v51 =	vadd.s32 v17, v44;
	[tilespmem:v53+s24+$0x0] =	vst.idx.msk $0xffff, v52  }
0x179: {  	v52 =	vld [tilespmem:s13+$0xFFFFFF20];
	v53 =	vadd.s32 v18, v44;
	[tilespmem:v55+s24+$0x0] =	vst.idx.msk $0xffff, v54;
	v54 =	vshll.u32 v42, v1  }
0x17a: {  	s16 =	simm.s32 $0x6;
	v55 =	vld [tilespmem:s13+$0xFFFFFF30];
	[tilespmem:v38+s24+$0x0] =	vst.idx.msk $0xffff, v56;
	v56 =	vadd.s32 v19, v44;
	v57 =	vbroadcast v54, $0x0  }
0x17b: {  	v58 =	vld [tilespmem:s13+$0xFFFFFF40];
	v59 =	vmov s16;
	[tilespmem:v63+s24+$0x0] =	vst.idx.msk $0xffff, v62;
	v44 =	vadd.s32 v20, v44  }
0x17c: {  	v60 =	vld [tilespmem:s13+$0xFFFFFF50];
	v61 =	vshrl.u32 v59, $0x3;
	[tilespmem:v41+s24+$0x0] =	vst.idx.msk $0xffff, v48;
	v47 =	vadd.s32 v21, v57  }
0x17d: {  	v35 =	vld [tilespmem:s13+$0xFFFFFF60];
	v33 =	vshll.u32 v61, v1;
	[tilespmem:v51+s24+$0x0] =	vst.idx.msk $0xffff, v50;
	v43 =	vadd.s32 v22, v57  }
0x17e: {  	s17 =	simm.s32 $0xF;
	v40 =	vld [tilespmem:s13+$0xFFFFFF70];
	v36 =	vbroadcast v33, $0x0;
	v42 =	vadd.s32 v23, v57;
	[tilespmem:v53+s24+$0x0] =	vst.idx.msk $0xffff, v52  }
0x17f: {  	v62 =	vmov s17;
	v33 =	vld [tilespmem:s13+$0xFFFFFF80];
	v37 =	vadd.s32 v24, v57;
	[tilespmem:v56+s24+$0x0] =	vst.idx.msk $0xffff, v55  }
0x180: {  	v34 =	vld [tilespmem:s13+$0xFFFFFF90];
	v63 =	vshrl.u32 v62, $0x3;
	v38 =	vadd.s32 v25, v36;
	[tilespmem:v44+s24+$0x0] =	vst.idx.msk $0xffff, v58  }
0x181: {  	s0 =	sadd.s32 s31, s8;
	s15 =	simm.s32 $0x10;
	s14 =	simm.s32 $0x8;
	v39 =	vld [tilespmem:s13+$0xFFFFFFA0];
	v41 =	vadd.s32 v26, v36;
	v44 =	vshll.u32 v63, v1;
	[tilespmem:v47+s24+$0x0] =	vst.idx.msk $0xffff, v60  }
.LBB2_11:
0x182: {  	p1 =	slt.u32 s15, $0x78;
	v44 =	vbroadcast v44, $0x0;
	[tilespmem:v43+s24+$0x0] =	vst.idx.msk $0xffff, v35;
	v35 =	vld [tilespmem:s13+$0xFFFFFFB0];
	v43 =	vadd.s32 v27, v36  }
0x183: {  	v45 =	vmov s14;
	v36 =	vadd.s32 v28, v36;
	[tilespmem:v42+s24+$0x0] =	vst.idx.msk $0xffff, v40;
	v40 =	vld [tilespmem:s13+$0xFFFFFFC0];
	s13 =	sadd.s32 $0x200, s13  }
0x184: {  	v42 =	vshrl.u32 v45, $0x3;
	v45 =	vld [tilespmem:s13+$0xFFFFFFD0];
	v46 =	vadd.s32 v29, v44;
	[tilespmem:v37+s24+$0x0] =	vst.idx.msk $0xffff, v33  }
0x185: {  	v33 =	vshll.u32 v42, v1;
	v42 =	vadd.s32 v30, v44;
	v37 =	vld [tilespmem:s13+$0xFFFFFFE0];
	[tilespmem:v38+s24+$0x0] =	vst.idx.msk $0xffff, v34  }
0x186: {  	s16 =	sadd.s32 $0x1, s14;
	v33 =	vbroadcast v33, $0x0;
	v38 =	vadd.s32 v31, v44;
	v34 =	vld [tilespmem:s13+$0xFFFFFFF0];
	[tilespmem:v41+s24+$0x0] =	vst.idx.msk $0xffff, v39  }
0x187: {  	v44 =	vadd.s32 v32, v44;
	v39 =	vmov s16;
	v41 =	vld [tilespmem:s13+$0x0];
	[tilespmem:v43+s24+$0x0] =	vst.idx.msk $0xffff, v35  }
0x188: {  	v43 =	vadd.s32 v0, v33;
	v39 =	vshrl.u32 v39, $0x3;
	v35 =	vld [tilespmem:s13+$0xFFFFFE10];
	[tilespmem:v36+s24+$0x0] =	vst.idx.msk $0xffff, v40  }
0x189: {  	v40 =	vadd.s32 v2, v33;
	v39 =	vshll.u32 v39, v1;
	v36 =	vld [tilespmem:s13+$0xFFFFFE20];
	[tilespmem:v46+s24+$0x0] =	vst.idx.msk $0xffff, v45  }
0x18a: {  	s16 =	sadd.s32 $0x2, s14;
	v46 =	vadd.s32 v3, v33;
	v39 =	vbroadcast v39, $0x0;
	v45 =	vld [tilespmem:s13+$0xFFFFFE30];
	[tilespmem:v42+s24+$0x0] =	vst.idx.msk $0xffff, v37  }
0x18b: {  	v33 =	vadd.s32 v4, v33;
	v42 =	vmov s16;
	v37 =	vld [tilespmem:s13+$0xFFFFFE40];
	[tilespmem:v38+s24+$0x0] =	vst.idx.msk $0xffff, v34  }
0x18c: {  	v38 =	vadd.s32 v5, v39;
	v42 =	vshrl.u32 v42, $0x3;
	v34 =	vld [tilespmem:s13+$0xFFFFFE50];
	[tilespmem:v44+s24+$0x0] =	vst.idx.msk $0xffff, v41  }
0x18d: {  	v41 =	vadd.s32 v6, v39;
	v42 =	vshll.u32 v42, v1;
	[tilespmem:v43+s24+$0x0] =	vst.idx.msk $0xffff, v35;
	v35 =	vld [tilespmem:s13+$0xFFFFFE60]  }
0x18e: {  	s16 =	sadd.s32 $0x3, s14;
	v42 =	vbroadcast v42, $0x0;
	[tilespmem:v40+s24+$0x0] =	vst.idx.msk $0xffff, v36;
	v36 =	vld [tilespmem:s13+$0xFFFFFE70];
	v40 =	vadd.s32 v7, v39  }
0x18f: {  	v44 =	vmov s16;
	v39 =	vadd.s32 v8, v39;
	[tilespmem:v46+s24+$0x0] =	vst.idx.msk $0xffff, v45;
	v43 =	vld [tilespmem:s13+$0xFFFFFE80]  }
0x190: {  	v44 =	vshrl.u32 v44, $0x3;
	[tilespmem:v33+s24+$0x0] =	vst.idx.msk $0xffff, v37;
	v33 =	vld [tilespmem:s13+$0xFFFFFE90];
	v37 =	vadd.s32 v9, v42  }
0x191: {  	v44 =	vshll.u32 v44, v1;
	[tilespmem:v38+s24+$0x0] =	vst.idx.msk $0xffff, v34;
	v34 =	vld [tilespmem:s13+$0xFFFFFEA0];
	v38 =	vadd.s32 v10, v42  }
0x192: {  	s16 =	sadd.s32 $0x4, s14;
	v44 =	vbroadcast v44, $0x0;
	[tilespmem:v41+s24+$0x0] =	vst.idx.msk $0xffff, v35;
	v35 =	vld [tilespmem:s13+$0xFFFFFEB0];
	v41 =	vadd.s32 v11, v42  }
0x193: {  	[tilespmem:v40+s24+$0x0] =	vst.idx.msk $0xffff, v36;
	v36 =	vld [tilespmem:s13+$0xFFFFFEC0];
	v40 =	vadd.s32 v12, v42;
	v42 =	vmov s16  }
0x194: {  	[tilespmem:v39+s24+$0x0] =	vst.idx.msk $0xffff, v43;
	v39 =	vld [tilespmem:s13+$0xFFFFFED0];
	v43 =	vadd.s32 v13, v44;
	v42 =	vshrl.u32 v42, $0x3  }
0x195: {  	[tilespmem:v37+s24+$0x0] =	vst.idx.msk $0xffff, v33;
	v33 =	vld [tilespmem:s13+$0xFFFFFEE0];
	v37 =	vadd.s32 v14, v44;
	v42 =	vshll.u32 v42, v1  }
0x196: {  	s16 =	sadd.s32 $0x5, s14;
	[tilespmem:v38+s24+$0x0] =	vst.idx.msk $0xffff, v34;
	v34 =	vld [tilespmem:s13+$0xFFFFFEF0];
	v38 =	vadd.s32 v15, v44;
	v42 =	vbroadcast v42, $0x0  }
0x197: {  	[tilespmem:v41+s24+$0x0] =	vst.idx.msk $0xffff, v35;
	v35 =	vld [tilespmem:s13+$0xFFFFFF00];
	v41 =	vadd.s32 v16, v44;
	v44 =	vmov s16  }
0x198: {  	[tilespmem:v40+s24+$0x0] =	vst.idx.msk $0xffff, v36;
	v36 =	vld [tilespmem:s13+$0xFFFFFF10];
	v40 =	vadd.s32 v17, v42;
	v44 =	vshrl.u32 v44, $0x3  }
0x199: {  	v45 =	vadd.s32 v18, v42;
	[tilespmem:v43+s24+$0x0] =	vst.idx.msk $0xffff, v39;
	v39 =	vld [tilespmem:s13+$0xFFFFFF20];
	v43 =	vshll.u32 v44, v1  }
0x19a: {  	s16 =	sadd.s32 $0x6, s14;
	s14 =	smov.u32 s15;
	[tilespmem:v37+s24+$0x0] =	vst.idx.msk $0xffff, v33;
	v33 =	vld [tilespmem:s13+$0xFFFFFF30];
	v37 =	vadd.s32 v19, v42;
	v44 =	vbroadcast v43, $0x0  }
0x19b: {  	[tilespmem:v38+s24+$0x0] =	vst.idx.msk $0xffff, v34;
	v34 =	vld [tilespmem:s13+$0xFFFFFF40];
	v38 =	vadd.s32 v20, v42;
	v42 =	vmov s16  }
0x19c: {  	[tilespmem:v41+s24+$0x0] =	vst.idx.msk $0xffff, v35;
	v41 =	vld [tilespmem:s13+$0xFFFFFF50];
	v46 =	vadd.s32 v21, v44;
	v42 =	vshrl.u32 v42, $0x3  }
.Ltmp4:
0x19d: {  	v43 =	vadd.s32 v22, v44;
	[tilespmem:v40+s24+$0x0] =	vst.idx.msk $0xffff, v36;
	v35 =	vld [tilespmem:s13+$0xFFFFFF60];
	v36 =	vshll.u32 v42, v1;
	(pc) =	sbr.rel @p1 .LBB2_11-.Ltmp4, $4  }
0x19e: {  	s16 =	sadd.s32 $0x7, s15;
	v42 =	vadd.s32 v23, v44;
	[tilespmem:v45+s24+$0x0] =	vst.idx.msk $0xffff, v39;
	v40 =	vld [tilespmem:s13+$0xFFFFFF70];
	v36 =	vbroadcast v36, $0x0  }
0x19f: {  	v39 =	vmov s16;
	[tilespmem:v37+s24+$0x0] =	vst.idx.msk $0xffff, v33;
	v33 =	vld [tilespmem:s13+$0xFFFFFF80];
	v37 =	vadd.s32 v24, v44  }
0x1a0: {  	v39 =	vshrl.u32 v39, $0x3;
	[tilespmem:v38+s24+$0x0] =	vst.idx.msk $0xffff, v34;
	v34 =	vld [tilespmem:s13+$0xFFFFFF90];
	v38 =	vadd.s32 v25, v36  }
0x1a1: {  	s15 =	sadd.s32 $0x8, s15;
	v44 =	vshll.u32 v39, v1;
	[tilespmem:v46+s24+$0x0] =	vst.idx.msk $0xffff, v41;
	v39 =	vld [tilespmem:s13+$0xFFFFFFA0];
	v41 =	vadd.s32 v26, v36  }
0x1a2: {  	_ =	sdelay $0x3  }
0x1a3: {  	v44 =	vbroadcast v44, $0x0;
	[tilespmem:v43+s24+$0x0] =	vst.idx.msk $0xffff, v35;
	v60 =	vld [tilespmem:s13+$0xFFFFFFB0];
	v61 =	vadd.s32 v27, v36  }
0x1a4: {  	v45 =	vmov s14;
	v62 =	vld [tilespmem:s13+$0xFFFFFFC0];
	v63 =	vadd.s32 v28, v36;
	s13 =	sadd.s32 $0x200, s13;
	[tilespmem:v42+s24+$0x0] =	vst.idx.msk $0xffff, v40  }
0x1a5: {  	v48 =	vshrl.u32 v45, $0x3;
	v49 =	vld [tilespmem:s13+$0xFFFFFFD0];
	v46 =	vadd.s32 v29, v44;
	[tilespmem:v37+s24+$0x0] =	vst.idx.msk $0xffff, v33  }
0x1a6: {  	v51 =	vld [tilespmem:s13+$0xFFFFFFE0];
	v50 =	vshll.u32 v48, v1;
	v52 =	vadd.s32 v30, v44;
	[tilespmem:v38+s24+$0x0] =	vst.idx.msk $0xffff, v34  }
0x1a7: {  	s15 =	sadd.s32 $0x1, s14;
	v53 =	vld [tilespmem:s13+$0xFFFFFFF0];
	v54 =	vadd.s32 v31, v44;
	v33 =	vbroadcast v50, $0x0;
	[tilespmem:v41+s24+$0x0] =	vst.idx.msk $0xffff, v39  }
0x1a8: {  	v55 =	vmov s15;
	v56 =	vld [tilespmem:s13+$0x0];
	v44 =	vadd.s32 v32, v44;
	[tilespmem:v61+s24+$0x0] =	vst.idx.msk $0xffff, v60  }
0x1a9: {  	v57 =	vld [tilespmem:s13+$0xFFFFFE10];
	v39 =	vshrl.u32 v55, $0x3;
	v58 =	vadd.s32 v0, v33;
	[tilespmem:v63+s24+$0x0] =	vst.idx.msk $0xffff, v62  }
0x1aa: {  	s17 =	sadd.s32 $0x2, s14;
	v59 =	vld [tilespmem:s13+$0xFFFFFE20];
	v60 =	vadd.s32 v2, v33;
	v39 =	vshll.u32 v39, v1;
	[tilespmem:v46+s24+$0x0] =	vst.idx.msk $0xffff, v49  }
0x1ab: {  	v47 =	vmov s17;
	v61 =	vld [tilespmem:s13+$0xFFFFFE30];
	v62 =	vadd.s32 v3, v33;
	v39 =	vbroadcast v39, $0x0;
	[tilespmem:v52+s24+$0x0] =	vst.idx.msk $0xffff, v51  }
0x1ac: {  	v42 =	vshrl.u32 v47, $0x3;
	v63 =	vld [tilespmem:s13+$0xFFFFFE40];
	v33 =	vadd.s32 v4, v33;
	[tilespmem:v54+s24+$0x0] =	vst.idx.msk $0xffff, v53  }
0x1ad: {  	v48 =	vld [tilespmem:s13+$0xFFFFFE50];
	v42 =	vshll.u32 v42, v1;
	v49 =	vadd.s32 v5, v39;
	[tilespmem:v44+s24+$0x0] =	vst.idx.msk $0xffff, v56  }
0x1ae: {  	v50 =	vld [tilespmem:s13+$0xFFFFFE60];
	v42 =	vbroadcast v42, $0x0;
	v51 =	vadd.s32 v6, v39;
	[tilespmem:v58+s24+$0x0] =	vst.idx.msk $0xffff, v57  }
0x1af: {  	s16 =	sadd.s32 $0x3, s14;
	v52 =	vld [tilespmem:s13+$0xFFFFFE70];
	v53 =	vadd.s32 v7, v39;
	[tilespmem:v60+s24+$0x0] =	vst.idx.msk $0xffff, v59  }
0x1b0: {  	v55 =	vmov s16;
	v56 =	vld [tilespmem:s13+$0xFFFFFE90];
	v57 =	vadd.s32 v9, v42;
	[tilespmem:v62+s24+$0x0] =	vst.idx.msk $0xffff, v61  }
0x1b1: {  	v54 =	vld [tilespmem:s13+$0xFFFFFE80];
	v39 =	vadd.s32 v8, v39;
	v44 =	vshrl.u32 v55, $0x3;
	[tilespmem:v33+s24+$0x0] =	vst.idx.msk $0xffff, v63  }
0x1b2: {  	v58 =	vld [tilespmem:s13+$0xFFFFFEA0];
	v59 =	vadd.s32 v10, v42;
	v44 =	vshll.u32 v44, v1;
	[tilespmem:v49+s24+$0x0] =	vst.idx.msk $0xffff, v48  }
0x1b3: {  	s17 =	sadd.s32 $0x4, s14;
	v60 =	vld [tilespmem:s13+$0xFFFFFEB0];
	v61 =	vadd.s32 v11, v42;
	v44 =	vbroadcast v44, $0x0;
	[tilespmem:v51+s24+$0x0] =	vst.idx.msk $0xffff, v50  }
0x1b4: {  	v62 =	vld [tilespmem:s13+$0xFFFFFEC0];
	v63 =	vadd.s32 v12, v42;
	v48 =	vmov s17;
	[tilespmem:v53+s24+$0x0] =	vst.idx.msk $0xffff, v52  }
0x1b5: {  	v49 =	vld [tilespmem:s13+$0xFFFFFED0];
	v50 =	vadd.s32 v13, v44;
	v42 =	vshrl.u32 v48, $0x3;
	[tilespmem:v57+s24+$0x0] =	vst.idx.msk $0xffff, v56  }
0x1b6: {  	s16 =	sadd.s32 $0x5, s14;
	v51 =	vld [tilespmem:s13+$0xFFFFFEE0];
	v52 =	vadd.s32 v14, v44;
	v42 =	vshll.u32 v42, v1;
	[tilespmem:v39+s24+$0x0] =	vst.idx.msk $0xffff, v54  }
0x1b7: {  	v53 =	vld [tilespmem:s13+$0xFFFFFEF0];
	v57 =	vmov s16;
	[tilespmem:v59+s24+$0x0] =	vst.idx.msk $0xffff, v58;
	v54 =	vadd.s32 v15, v44;
	v42 =	vbroadcast v42, $0x0  }
0x1b8: {  	v55 =	vld [tilespmem:s13+$0xFFFFFF00];
	v56 =	vadd.s32 v16, v44;
	v44 =	vshrl.u32 v57, $0x3;
	[tilespmem:v61+s24+$0x0] =	vst.idx.msk $0xffff, v60  }
0x1b9: {  	v58 =	vld [tilespmem:s13+$0xFFFFFF10];
	v44 =	vshll.u32 v44, v1;
	[tilespmem:v63+s24+$0x0] =	vst.idx.msk $0xffff, v62;
	v59 =	vadd.s32 v17, v42  }
0x1ba: {  	v60 =	vld [tilespmem:s13+$0xFFFFFF20];
	v61 =	vadd.s32 v18, v42;
	v44 =	vbroadcast v44, $0x0;
	[tilespmem:v50+s24+$0x0] =	vst.idx.msk $0xffff, v49  }
0x1bb: {  	s17 =	sadd.s32 $0x6, s14;
	v62 =	vld [tilespmem:s13+$0xFFFFFF30];
	v63 =	vadd.s32 v19, v42;
	[tilespmem:v52+s24+$0x0] =	vst.idx.msk $0xffff, v51  }
0x1bc: {  	v48 =	vmov s17;
	v49 =	vld [tilespmem:s13+$0xFFFFFF50];
	v50 =	vadd.s32 v21, v44;
	[tilespmem:v54+s24+$0x0] =	vst.idx.msk $0xffff, v53  }
0x1bd: {  	v46 =	vld [tilespmem:s13+$0xFFFFFF40];
	v47 =	vadd.s32 v20, v42;
	v42 =	vshrl.u32 v48, $0x3;
	[tilespmem:v56+s24+$0x0] =	vst.idx.msk $0xffff, v55  }
0x1be: {  	v42 =	vshll.u32 v42, v1;
	v51 =	vld [tilespmem:s13+$0xFFFFFF60];
	v52 =	vadd.s32 v22, v44;
	[tilespmem:v59+s24+$0x0] =	vst.idx.msk $0xffff, v58  }
0x1bf: {  	v42 =	vbroadcast v42, $0x0;
	v53 =	vld [tilespmem:s13+$0xFFFFFF70];
	v54 =	vadd.s32 v23, v44;
	[tilespmem:v61+s24+$0x0] =	vst.idx.msk $0xffff, v60  }
0x1c0: {  	v55 =	vld [tilespmem:s13+$0xFFFFFF80];
	v56 =	vadd.s32 v24, v44;
	[tilespmem:v63+s24+$0x0] =	vst.idx.msk $0xffff, v62  }
0x1c1: {  	v57 =	vld [tilespmem:s13+$0xFFFFFF90];
	v58 =	vadd.s32 v25, v42;
	[tilespmem:v50+s24+$0x0] =	vst.idx.msk $0xffff, v49  }
0x1c2: {  	v59 =	vld [tilespmem:s13+$0xFFFFFFA0];
	v60 =	vadd.s32 v26, v42;
	[tilespmem:v47+s24+$0x0] =	vst.idx.msk $0xffff, v46  }
0x1c3: {  	v61 =	vld [tilespmem:s13+$0xFFFFFFB0];
	v62 =	vadd.s32 v27, v42;
	[tilespmem:v52+s24+$0x0] =	vst.idx.msk $0xffff, v51  }
0x1c4: {  	v63 =	vld [tilespmem:s13+$0xFFFFFFC0];
	v42 =	vadd.s32 v28, v42;
	[tilespmem:v54+s24+$0x0] =	vst.idx.msk $0xffff, v53  }
0x1c5: {  	[tilespmem:v56+s24+$0x0] =	vst.idx.msk $0xffff, v55  }
0x1c6: {  	s15 =	sshll.u32 s0, $0x7;
	[tilespmem:v58+s24+$0x0] =	vst.idx.msk $0xffff, v57  }
0x1c7: {  	s16 =	sshll.u32 s0, $0xA;
	s13 =	sand.u32 $0x3F80, s15;
	[tilespmem:v60+s24+$0x0] =	vst.idx.msk $0xffff, v59  }
0x1c8: {  	s0 =	sand.u32 $0xFFE0000, s16;
	s13 =	sadd.s32 s2, s13;
	[tilespmem:v62+s24+$0x0] =	vst.idx.msk $0xffff, v61  }
0x1c9: {  	s17 =	simm.s32 $0x14800;
	s13 =	sadd.s32 s0, s13;
	[tilespmem:v42+s24+$0x0] =	vst.idx.msk $0xffff, v63  }
0x1ca: {  	[hbm4b:s13+s3] =	stream.linear.scatter [tilespmem:s17], [sflag:$0x2], $0x80, $0x38;
	[tilespmem:$0x1AE00] =	vst v63  }
0x1cb: {  	s14 =	simm.s32 $0x14888;
	s15 =	sadd.s32 $0x10, s13  }
0x1cc: {  	[hbm4b:s15+s3] =	stream.linear.scatter [tilespmem:s14], [sflag:$0x2], $0x80, $0x38;
	[tilespmem:$0x1AE00] =	vst v63  }
0x1cd: {  	s16 =	simm.s32 $0x14910;
	s17 =	sadd.s32 $0x20, s13  }
0x1ce: {  	[hbm4b:s17+s3] =	stream.linear.scatter [tilespmem:s16], [sflag:$0x2], $0x80, $0x38;
	[tilespmem:$0x1AE00] =	vst v63  }
0x1cf: {  	s14 =	simm.s32 $0x14998;
	s15 =	sadd.s32 $0x30, s13  }
0x1d0: {  	[hbm4b:s15+s3] =	stream.linear.scatter [tilespmem:s14], [sflag:$0x2], $0x80, $0x38;
	[tilespmem:$0x1AE00] =	vst v63  }
0x1d1: {  	s16 =	simm.s32 $0x14A20;
	s17 =	sadd.s32 $0x40, s13  }
0x1d2: {  	[hbm4b:s17+s3] =	stream.linear.scatter [tilespmem:s16], [sflag:$0x2], $0x80, $0x38;
	[tilespmem:$0x1AE00] =	vst v63  }
0x1d3: {  	s0 =	simm.s32 $0x440;
	s14 =	simm.s32 $0x14AA8;
	s15 =	sadd.s32 $0x50, s13  }
0x1d4: {  	[hbm4b:s15+s3] =	stream.linear.scatter [tilespmem:s14], [sflag:$0x2], $0x80, $0x38;
	[tilespmem:$0x1AE00] =	vst v63  }
0x1d5: {  	s16 =	simm.s32 $0x14B30;
	s17 =	sadd.s32 $0x60, s13;
	s14 =	simm.s32 $0x2200  }
0x1d6: {  	[hbm4b:s17+s3] =	stream.linear.scatter [tilespmem:s16], [sflag:$0x2], $0x80, $0x38;
	[tilespmem:$0x1AE00] =	vst v63  }
0x1d7: {  	s15 =	simm.s32 $0x14BB8;
	s16 =	sadd.s32 $0x70, s13;
	s13 =	sadd.s32 $0x4000, s13  }
.LBB2_13:
0x1d8: {  	[hbm4b:s16+s3] =	stream.linear.scatter [tilespmem:s15], [sflag:$0x2], $0x80, $0x38;
	[tilespmem:$0x1AE00] =	vst v63  }
0x1d9: {  	s15 =	smov.u32 s0;
	s0 =	smov.u32 s14  }
0x1da: {  	s17 =	sadd.s32 $0x1100, s14;
	s0 =	sshra.s32 s0, $0x2;
	s16 =	sadd.s32 $0x14800, s15  }
0x1db: {  	[hbm4b:s13+s3] =	stream.linear.scatter [tilespmem:s16], [sflag:$0x2], $0x80, $0x38;
	[tilespmem:$0x1AE00] =	vst v63  }
0x1dc: {  	p1 =	sne.s32 s14, $0x7700;
	s14 =	sadd.s32 $0x14888, s15;
	s16 =	sadd.s32 $0x10, s13  }
0x1dd: {  	[hbm4b:s16+s3] =	stream.linear.scatter [tilespmem:s14], [sflag:$0x2], $0x80, $0x38;
	[tilespmem:$0x1AE00] =	vst v63  }
0x1de: {  	s14 =	sadd.s32 $0x14910, s15;
	s16 =	sadd.s32 $0x20, s13  }
0x1df: {  	[hbm4b:s16+s3] =	stream.linear.scatter [tilespmem:s14], [sflag:$0x2], $0x80, $0x38;
	[tilespmem:$0x1AE00] =	vst v63  }
0x1e0: {  	s14 =	sadd.s32 $0x14998, s15;
	s16 =	sadd.s32 $0x30, s13  }
0x1e1: {  	[hbm4b:s16+s3] =	stream.linear.scatter [tilespmem:s14], [sflag:$0x2], $0x80, $0x38;
	[tilespmem:$0x1AE00] =	vst v63  }
0x1e2: {  	s14 =	sadd.s32 $0x14A20, s15;
	s16 =	sadd.s32 $0x40, s13  }
0x1e3: {  	[hbm4b:s16+s3] =	stream.linear.scatter [tilespmem:s14], [sflag:$0x2], $0x80, $0x38;
	[tilespmem:$0x1AE00] =	vst v63  }
.Ltmp5:
0x1e4: {  	s14 =	sadd.s32 $0x14AA8, s15;
	s16 =	sadd.s32 $0x50, s13;
	(pc) =	sbr.rel @p1 .LBB2_13-.Ltmp5, $4  }
0x1e5: {  	[hbm4b:s16+s3] =	stream.linear.scatter [tilespmem:s14], [sflag:$0x2], $0x80, $0x38;
	[tilespmem:$0x1AE00] =	vst v63  }
0x1e6: {  	s14 =	sadd.s32 $0x14B30, s15;
	s16 =	sadd.s32 $0x60, s13;
	s15 =	sadd.s32 $0x14BB8, s15  }
0x1e7: {  	[hbm4b:s16+s3] =	stream.linear.scatter [tilespmem:s14], [sflag:$0x2], $0x80, $0x38;
	[tilespmem:$0x1AE00] =	vst v63  }
0x1e8: {  	s16 =	sadd.s32 $0x70, s13;
	s13 =	sadd.s32 $0x4000, s13;
	s14 =	smov.u32 s17  }
0x1e9: {  	[hbm4b:s16+s3] =	stream.linear.scatter [tilespmem:s15], [sflag:$0x2], $0x80, $0x38;
	[tilespmem:$0x1AE00] =	vst v63  }
0x1ea: {  	s14 =	sadd.s32 $0x14800, s0  }
0x1eb: {  	[hbm4b:s13+s3] =	stream.linear.scatter [tilespmem:s14], [sflag:$0x2], $0x80, $0x38;
	[tilespmem:$0x1AE00] =	vst v63  }
0x1ec: {  	s16 =	sadd.s32 $0x14888, s0;
	s17 =	sadd.s32 $0x10, s13  }
0x1ed: {  	[hbm4b:s17+s3] =	stream.linear.scatter [tilespmem:s16], [sflag:$0x2], $0x80, $0x38;
	[tilespmem:$0x1AE00] =	vst v63  }
0x1ee: {  	s16 =	sadd.s32 $0x14910, s0;
	s17 =	sadd.s32 $0x20, s13  }
0x1ef: {  	[hbm4b:s17+s3] =	stream.linear.scatter [tilespmem:s16], [sflag:$0x2], $0x80, $0x38;
	[tilespmem:$0x1AE00] =	vst v63  }
0x1f0: {  	s16 =	sadd.s32 $0x14998, s0;
	s17 =	sadd.s32 $0x30, s13  }
0x1f1: {  	[hbm4b:s17+s3] =	stream.linear.scatter [tilespmem:s16], [sflag:$0x2], $0x80, $0x38;
	[tilespmem:$0x1AE00] =	vst v63  }
0x1f2: {  	s16 =	sadd.s32 $0x14A20, s0;
	s17 =	sadd.s32 $0x40, s13  }
0x1f3: {  	[hbm4b:s17+s3] =	stream.linear.scatter [tilespmem:s16], [sflag:$0x2], $0x80, $0x38;
	[tilespmem:$0x1AE00] =	vst v63  }
0x1f4: {  	s16 =	sadd.s32 $0x14AA8, s0;
	s17 =	sadd.s32 $0x50, s13  }
0x1f5: {  	[hbm4b:s17+s3] =	stream.linear.scatter [tilespmem:s16], [sflag:$0x2], $0x80, $0x38;
	[tilespmem:$0x1AE00] =	vst v63  }
0x1f6: {  	s16 =	sadd.s32 $0x14B30, s0;
	s17 =	sadd.s32 $0x60, s13  }
0x1f7: {  	[hbm4b:s17+s3] =	stream.linear.scatter [tilespmem:s16], [sflag:$0x2], $0x80, $0x38;
	[tilespmem:$0x1AE00] =	vst v63  }
0x1f8: {  	s15 =	sadd.s32 $0x14BB8, s0;
	s16 =	sadd.s32 $0x70, s13  }
0x1f9: {  	[hbm4b:s16+s3] =	stream.linear.scatter [tilespmem:s15], [sflag:$0x2], $0x80, $0x38;
	[tilespmem:$0x1AE00] =	vst v63  }
0x1fa: {  	_ =	swait.ge [sflag:s22], $0x2000  }
0x1fb: {  	s14 =	simm.s32 @!p0 $0x80;
	s17 =	simm.s32 $0x7;
	[sflag:s22] =	ssyncset.done $0x0  }
0x1fc: {  	s13 =	sadd.s32 @!p0 $0x380, s1;
	s15 =	simm.s32 @!p0 $0xA400;
	[sflag:s22] =	ssyncadd.s32 $0xFFFFE000  }
0x1fd: {  	[tilespmem:s15], [sflag:$0x1] =	stream.indirect.gather @!p0 [hbm4b:s5+s14], $0x40, s13, s14, $0xb8;
	[tilespmem:$0x1AE00] =	vst v63  }
0x1fe: {  	v33 =	vmov s17;
	_ =	swait.ge [sflag:s20], $0x2000  }
0x1ff: {  	v33 =	vshrl.u32 v33, $0x3;
	[sflag:s20] =	ssyncset.done $0x0  }
0x200: {  	v33 =	vshll.u32 v33, v1;
	s14 =	simm.s32 $0x0;
	s13 =	simm.s32 $0xC5F0;
	[sflag:s20] =	ssyncadd.s32 $0xFFFFE000  }
0x201: {  	v33 =	vbroadcast v33, $0x0;
	s15 =	simm.s32 $0x1;
	v34 =	vmov s14;
	v35 =	vld [tilespmem:s13+$0xFFFFFFD0]  }
0x202: {  	v41 =	vmov s15;
	v34 =	vshrl.u32 v34, $0x3;
	v37 =	vld [tilespmem:s13+$0xFFFFFFE0]  }
0x203: {  	v36 =	vadd.s32 v29, v33;
	v41 =	vshrl.u32 v41, $0x3;
	v34 =	vshll.u32 v34, v1;
	v39 =	vld [tilespmem:s13+$0xFFFFFFF0]  }
0x204: {  	v38 =	vadd.s32 v30, v33;
	v41 =	vshll.u32 v41, v1;
	v34 =	vbroadcast v34, $0x0;
	v42 =	vld [tilespmem:s13+$0x0]  }
0x205: {  	v40 =	vadd.s32 v31, v33;
	v43 =	vld [tilespmem:s13+$0xFFFFFE10];
	v41 =	vbroadcast v41, $0x0  }
0x206: {  	v45 =	vld [tilespmem:s13+$0xFFFFFE20];
	v44 =	vadd.s32 v0, v34  }
0x207: {  	v57 =	vld [tilespmem:s13+$0xFFFFFE50];
	v58 =	vadd.s32 v5, v41  }
0x208: {  	v33 =	vadd.s32 v32, v33;
	v53 =	vld [tilespmem:s13+$0xFFFFFE30];
	[tilespmem:v36+s25+$0x0] =	vst.idx.msk $0xffff, v35  }
0x209: {  	s17 =	simm.s32 $0x3;
	v55 =	vld [tilespmem:s13+$0xFFFFFE40];
	v46 =	vadd.s32 v2, v34;
	[tilespmem:v38+s25+$0x0] =	vst.idx.msk $0xffff, v37  }
0x20a: {  	v49 =	vmov s17;
	v59 =	vld [tilespmem:s13+$0xFFFFFE60];
	v60 =	vadd.s32 v6, v41;
	[tilespmem:v40+s25+$0x0] =	vst.idx.msk $0xffff, v39  }
0x20b: {  	s16 =	simm.s32 $0x2;
	v61 =	vld [tilespmem:s13+$0xFFFFFE70];
	v62 =	vadd.s32 v7, v41;
	v48 =	vadd.s32 v8, v41;
	v41 =	vshrl.u32 v49, $0x3;
	[tilespmem:v44+s25+$0x0] =	vst.idx.msk $0xffff, v43  }
0x20c: {  	v56 =	vmov s16;
	v63 =	vld [tilespmem:s13+$0xFFFFFE80];
	v54 =	vadd.s32 v3, v34;
	v41 =	vshll.u32 v41, v1;
	[tilespmem:v58+s25+$0x0] =	vst.idx.msk $0xffff, v57  }
0x20d: {  	v50 =	vld [tilespmem:s13+$0xFFFFFE90];
	v34 =	vadd.s32 v4, v34;
	v41 =	vbroadcast v41, $0x0;
	v38 =	vshrl.u32 v56, $0x3;
	[tilespmem:v33+s25+$0x0] =	vst.idx.msk $0xffff, v42  }
0x20e: {  	v52 =	vld [tilespmem:s13+$0xFFFFFEA0];
	v38 =	vshll.u32 v38, v1;
	[tilespmem:v46+s25+$0x0] =	vst.idx.msk $0xffff, v45  }
0x20f: {  	v58 =	vld [tilespmem:s13+$0xFFFFFED0];
	v38 =	vbroadcast v38, $0x0;
	[tilespmem:v60+s25+$0x0] =	vst.idx.msk $0xffff, v59;
	v59 =	vadd.s32 v13, v41  }
0x210: {  	v60 =	vld [tilespmem:s13+$0xFFFFFEE0];
	[tilespmem:v62+s25+$0x0] =	vst.idx.msk $0xffff, v61;
	v61 =	vadd.s32 v14, v41  }
0x211: {  	s14 =	simm.s32 $0x4;
	v56 =	vld [tilespmem:s13+$0xFFFFFEC0];
	[tilespmem:v54+s25+$0x0] =	vst.idx.msk $0xffff, v53;
	v51 =	vadd.s32 v9, v38  }
0x212: {  	v57 =	vmov s14;
	v54 =	vld [tilespmem:s13+$0xFFFFFEB0];
	[tilespmem:v34+s25+$0x0] =	vst.idx.msk $0xffff, v55;
	v53 =	vadd.s32 v10, v38  }
0x213: {  	v44 =	vshrl.u32 v57, $0x3;
	v62 =	vld [tilespmem:s13+$0xFFFFFEF0];
	v55 =	vadd.s32 v11, v38;
	[tilespmem:v48+s25+$0x0] =	vst.idx.msk $0xffff, v63  }
0x214: {  	v44 =	vshll.u32 v44, v1;
	v38 =	vadd.s32 v12, v38;
	v48 =	vld [tilespmem:s13+$0xFFFFFF00];
	[tilespmem:v59+s25+$0x0] =	vst.idx.msk $0xffff, v58  }
0x215: {  	s15 =	simm.s32 $0x5;
	v63 =	vadd.s32 v15, v41;
	v44 =	vbroadcast v44, $0x0;
	[tilespmem:v61+s25+$0x0] =	vst.idx.msk $0xffff, v60  }
0x216: {  	v49 =	vmov s15;
	v41 =	vadd.s32 v16, v41;
	[tilespmem:v51+s25+$0x0] =	vst.idx.msk $0xffff, v50  }
0x217: {  	v42 =	vshrl.u32 v49, $0x3;
	v50 =	vld [tilespmem:s13+$0xFFFFFF10];
	v51 =	vadd.s32 v17, v44;
	[tilespmem:v53+s25+$0x0] =	vst.idx.msk $0xffff, v52  }
0x218: {  	v52 =	vld [tilespmem:s13+$0xFFFFFF20];
	v53 =	vadd.s32 v18, v44;
	[tilespmem:v55+s25+$0x0] =	vst.idx.msk $0xffff, v54;
	v54 =	vshll.u32 v42, v1  }
0x219: {  	s16 =	simm.s32 $0x6;
	v55 =	vld [tilespmem:s13+$0xFFFFFF30];
	[tilespmem:v38+s25+$0x0] =	vst.idx.msk $0xffff, v56;
	v56 =	vadd.s32 v19, v44;
	v57 =	vbroadcast v54, $0x0  }
0x21a: {  	v58 =	vld [tilespmem:s13+$0xFFFFFF40];
	v59 =	vmov s16;
	[tilespmem:v63+s25+$0x0] =	vst.idx.msk $0xffff, v62;
	v44 =	vadd.s32 v20, v44  }
0x21b: {  	v60 =	vld [tilespmem:s13+$0xFFFFFF50];
	v61 =	vshrl.u32 v59, $0x3;
	[tilespmem:v41+s25+$0x0] =	vst.idx.msk $0xffff, v48;
	v47 =	vadd.s32 v21, v57  }
0x21c: {  	v35 =	vld [tilespmem:s13+$0xFFFFFF60];
	v33 =	vshll.u32 v61, v1;
	[tilespmem:v51+s25+$0x0] =	vst.idx.msk $0xffff, v50;
	v43 =	vadd.s32 v22, v57  }
0x21d: {  	s17 =	simm.s32 $0xF;
	v40 =	vld [tilespmem:s13+$0xFFFFFF70];
	v36 =	vbroadcast v33, $0x0;
	v42 =	vadd.s32 v23, v57;
	[tilespmem:v53+s25+$0x0] =	vst.idx.msk $0xffff, v52  }
0x21e: {  	v62 =	vmov s17;
	v33 =	vld [tilespmem:s13+$0xFFFFFF80];
	v37 =	vadd.s32 v24, v57;
	[tilespmem:v56+s25+$0x0] =	vst.idx.msk $0xffff, v55  }
0x21f: {  	v34 =	vld [tilespmem:s13+$0xFFFFFF90];
	v63 =	vshrl.u32 v62, $0x3;
	v38 =	vadd.s32 v25, v36;
	[tilespmem:v44+s25+$0x0] =	vst.idx.msk $0xffff, v58  }
0x220: {  	s0 =	sadd.s32 s31, s9;
	s15 =	simm.s32 $0x10;
	s14 =	simm.s32 $0x8;
	v39 =	vld [tilespmem:s13+$0xFFFFFFA0];
	v41 =	vadd.s32 v26, v36;
	v44 =	vshll.u32 v63, v1;
	[tilespmem:v47+s25+$0x0] =	vst.idx.msk $0xffff, v60  }
.LBB2_15:
0x221: {  	p1 =	slt.u32 s15, $0x78;
	v44 =	vbroadcast v44, $0x0;
	[tilespmem:v43+s25+$0x0] =	vst.idx.msk $0xffff, v35;
	v35 =	vld [tilespmem:s13+$0xFFFFFFB0];
	v43 =	vadd.s32 v27, v36  }
0x222: {  	v45 =	vmov s14;
	v36 =	vadd.s32 v28, v36;
	[tilespmem:v42+s25+$0x0] =	vst.idx.msk $0xffff, v40;
	v40 =	vld [tilespmem:s13+$0xFFFFFFC0];
	s13 =	sadd.s32 $0x200, s13  }
0x223: {  	v42 =	vshrl.u32 v45, $0x3;
	v45 =	vld [tilespmem:s13+$0xFFFFFFD0];
	v46 =	vadd.s32 v29, v44;
	[tilespmem:v37+s25+$0x0] =	vst.idx.msk $0xffff, v33  }
0x224: {  	v33 =	vshll.u32 v42, v1;
	v42 =	vadd.s32 v30, v44;
	v37 =	vld [tilespmem:s13+$0xFFFFFFE0];
	[tilespmem:v38+s25+$0x0] =	vst.idx.msk $0xffff, v34  }
0x225: {  	s16 =	sadd.s32 $0x1, s14;
	v33 =	vbroadcast v33, $0x0;
	v38 =	vadd.s32 v31, v44;
	v34 =	vld [tilespmem:s13+$0xFFFFFFF0];
	[tilespmem:v41+s25+$0x0] =	vst.idx.msk $0xffff, v39  }
0x226: {  	v44 =	vadd.s32 v32, v44;
	v39 =	vmov s16;
	v41 =	vld [tilespmem:s13+$0x0];
	[tilespmem:v43+s25+$0x0] =	vst.idx.msk $0xffff, v35  }
0x227: {  	v43 =	vadd.s32 v0, v33;
	v39 =	vshrl.u32 v39, $0x3;
	v35 =	vld [tilespmem:s13+$0xFFFFFE10];
	[tilespmem:v36+s25+$0x0] =	vst.idx.msk $0xffff, v40  }
0x228: {  	v40 =	vadd.s32 v2, v33;
	v39 =	vshll.u32 v39, v1;
	v36 =	vld [tilespmem:s13+$0xFFFFFE20];
	[tilespmem:v46+s25+$0x0] =	vst.idx.msk $0xffff, v45  }
0x229: {  	s16 =	sadd.s32 $0x2, s14;
	v46 =	vadd.s32 v3, v33;
	v39 =	vbroadcast v39, $0x0;
	v45 =	vld [tilespmem:s13+$0xFFFFFE30];
	[tilespmem:v42+s25+$0x0] =	vst.idx.msk $0xffff, v37  }
0x22a: {  	v33 =	vadd.s32 v4, v33;
	v42 =	vmov s16;
	v37 =	vld [tilespmem:s13+$0xFFFFFE40];
	[tilespmem:v38+s25+$0x0] =	vst.idx.msk $0xffff, v34  }
0x22b: {  	v38 =	vadd.s32 v5, v39;
	v42 =	vshrl.u32 v42, $0x3;
	v34 =	vld [tilespmem:s13+$0xFFFFFE50];
	[tilespmem:v44+s25+$0x0] =	vst.idx.msk $0xffff, v41  }
0x22c: {  	v41 =	vadd.s32 v6, v39;
	v42 =	vshll.u32 v42, v1;
	[tilespmem:v43+s25+$0x0] =	vst.idx.msk $0xffff, v35;
	v35 =	vld [tilespmem:s13+$0xFFFFFE60]  }
0x22d: {  	s16 =	sadd.s32 $0x3, s14;
	v42 =	vbroadcast v42, $0x0;
	[tilespmem:v40+s25+$0x0] =	vst.idx.msk $0xffff, v36;
	v36 =	vld [tilespmem:s13+$0xFFFFFE70];
	v40 =	vadd.s32 v7, v39  }
0x22e: {  	v44 =	vmov s16;
	v39 =	vadd.s32 v8, v39;
	[tilespmem:v46+s25+$0x0] =	vst.idx.msk $0xffff, v45;
	v43 =	vld [tilespmem:s13+$0xFFFFFE80]  }
0x22f: {  	v44 =	vshrl.u32 v44, $0x3;
	[tilespmem:v33+s25+$0x0] =	vst.idx.msk $0xffff, v37;
	v33 =	vld [tilespmem:s13+$0xFFFFFE90];
	v37 =	vadd.s32 v9, v42  }
0x230: {  	v44 =	vshll.u32 v44, v1;
	[tilespmem:v38+s25+$0x0] =	vst.idx.msk $0xffff, v34;
	v34 =	vld [tilespmem:s13+$0xFFFFFEA0];
	v38 =	vadd.s32 v10, v42  }
0x231: {  	s16 =	sadd.s32 $0x4, s14;
	v44 =	vbroadcast v44, $0x0;
	[tilespmem:v41+s25+$0x0] =	vst.idx.msk $0xffff, v35;
	v35 =	vld [tilespmem:s13+$0xFFFFFEB0];
	v41 =	vadd.s32 v11, v42  }
0x232: {  	[tilespmem:v40+s25+$0x0] =	vst.idx.msk $0xffff, v36;
	v36 =	vld [tilespmem:s13+$0xFFFFFEC0];
	v40 =	vadd.s32 v12, v42;
	v42 =	vmov s16  }
0x233: {  	[tilespmem:v39+s25+$0x0] =	vst.idx.msk $0xffff, v43;
	v39 =	vld [tilespmem:s13+$0xFFFFFED0];
	v43 =	vadd.s32 v13, v44;
	v42 =	vshrl.u32 v42, $0x3  }
0x234: {  	[tilespmem:v37+s25+$0x0] =	vst.idx.msk $0xffff, v33;
	v33 =	vld [tilespmem:s13+$0xFFFFFEE0];
	v37 =	vadd.s32 v14, v44;
	v42 =	vshll.u32 v42, v1  }
0x235: {  	s16 =	sadd.s32 $0x5, s14;
	[tilespmem:v38+s25+$0x0] =	vst.idx.msk $0xffff, v34;
	v34 =	vld [tilespmem:s13+$0xFFFFFEF0];
	v38 =	vadd.s32 v15, v44;
	v42 =	vbroadcast v42, $0x0  }
0x236: {  	[tilespmem:v41+s25+$0x0] =	vst.idx.msk $0xffff, v35;
	v35 =	vld [tilespmem:s13+$0xFFFFFF00];
	v41 =	vadd.s32 v16, v44;
	v44 =	vmov s16  }
0x237: {  	[tilespmem:v40+s25+$0x0] =	vst.idx.msk $0xffff, v36;
	v36 =	vld [tilespmem:s13+$0xFFFFFF10];
	v40 =	vadd.s32 v17, v42;
	v44 =	vshrl.u32 v44, $0x3  }
0x238: {  	v45 =	vadd.s32 v18, v42;
	[tilespmem:v43+s25+$0x0] =	vst.idx.msk $0xffff, v39;
	v39 =	vld [tilespmem:s13+$0xFFFFFF20];
	v43 =	vshll.u32 v44, v1  }
0x239: {  	s16 =	sadd.s32 $0x6, s14;
	s14 =	smov.u32 s15;
	[tilespmem:v37+s25+$0x0] =	vst.idx.msk $0xffff, v33;
	v33 =	vld [tilespmem:s13+$0xFFFFFF30];
	v37 =	vadd.s32 v19, v42;
	v44 =	vbroadcast v43, $0x0  }
0x23a: {  	[tilespmem:v38+s25+$0x0] =	vst.idx.msk $0xffff, v34;
	v34 =	vld [tilespmem:s13+$0xFFFFFF40];
	v38 =	vadd.s32 v20, v42;
	v42 =	vmov s16  }
0x23b: {  	[tilespmem:v41+s25+$0x0] =	vst.idx.msk $0xffff, v35;
	v41 =	vld [tilespmem:s13+$0xFFFFFF50];
	v46 =	vadd.s32 v21, v44;
	v42 =	vshrl.u32 v42, $0x3  }
.Ltmp6:
0x23c: {  	v43 =	vadd.s32 v22, v44;
	[tilespmem:v40+s25+$0x0] =	vst.idx.msk $0xffff, v36;
	v35 =	vld [tilespmem:s13+$0xFFFFFF60];
	v36 =	vshll.u32 v42, v1;
	(pc) =	sbr.rel @p1 .LBB2_15-.Ltmp6, $4  }
0x23d: {  	s16 =	sadd.s32 $0x7, s15;
	v42 =	vadd.s32 v23, v44;
	[tilespmem:v45+s25+$0x0] =	vst.idx.msk $0xffff, v39;
	v40 =	vld [tilespmem:s13+$0xFFFFFF70];
	v36 =	vbroadcast v36, $0x0  }
0x23e: {  	v39 =	vmov s16;
	[tilespmem:v37+s25+$0x0] =	vst.idx.msk $0xffff, v33;
	v33 =	vld [tilespmem:s13+$0xFFFFFF80];
	v37 =	vadd.s32 v24, v44  }
0x23f: {  	v39 =	vshrl.u32 v39, $0x3;
	[tilespmem:v38+s25+$0x0] =	vst.idx.msk $0xffff, v34;
	v34 =	vld [tilespmem:s13+$0xFFFFFF90];
	v38 =	vadd.s32 v25, v36  }
0x240: {  	s15 =	sadd.s32 $0x8, s15;
	v44 =	vshll.u32 v39, v1;
	[tilespmem:v46+s25+$0x0] =	vst.idx.msk $0xffff, v41;
	v39 =	vld [tilespmem:s13+$0xFFFFFFA0];
	v41 =	vadd.s32 v26, v36  }
0x241: {  	_ =	sdelay $0x3  }
0x242: {  	v44 =	vbroadcast v44, $0x0;
	[tilespmem:v43+s25+$0x0] =	vst.idx.msk $0xffff, v35;
	v60 =	vld [tilespmem:s13+$0xFFFFFFB0];
	v61 =	vadd.s32 v27, v36  }
0x243: {  	v45 =	vmov s14;
	v62 =	vld [tilespmem:s13+$0xFFFFFFC0];
	v63 =	vadd.s32 v28, v36;
	s13 =	sadd.s32 $0x200, s13;
	[tilespmem:v42+s25+$0x0] =	vst.idx.msk $0xffff, v40  }
0x244: {  	v48 =	vshrl.u32 v45, $0x3;
	v49 =	vld [tilespmem:s13+$0xFFFFFFD0];
	v46 =	vadd.s32 v29, v44;
	[tilespmem:v37+s25+$0x0] =	vst.idx.msk $0xffff, v33  }
0x245: {  	v51 =	vld [tilespmem:s13+$0xFFFFFFE0];
	v50 =	vshll.u32 v48, v1;
	v52 =	vadd.s32 v30, v44;
	[tilespmem:v38+s25+$0x0] =	vst.idx.msk $0xffff, v34  }
0x246: {  	s15 =	sadd.s32 $0x1, s14;
	v53 =	vld [tilespmem:s13+$0xFFFFFFF0];
	v54 =	vadd.s32 v31, v44;
	v33 =	vbroadcast v50, $0x0;
	[tilespmem:v41+s25+$0x0] =	vst.idx.msk $0xffff, v39  }
0x247: {  	v55 =	vmov s15;
	v56 =	vld [tilespmem:s13+$0x0];
	v44 =	vadd.s32 v32, v44;
	[tilespmem:v61+s25+$0x0] =	vst.idx.msk $0xffff, v60  }
0x248: {  	v57 =	vld [tilespmem:s13+$0xFFFFFE10];
	v39 =	vshrl.u32 v55, $0x3;
	v58 =	vadd.s32 v0, v33;
	[tilespmem:v63+s25+$0x0] =	vst.idx.msk $0xffff, v62  }
0x249: {  	s31 =	sadd.s32 $0x2, s14;
	v59 =	vld [tilespmem:s13+$0xFFFFFE20];
	v60 =	vadd.s32 v2, v33;
	v39 =	vshll.u32 v39, v1;
	[tilespmem:v46+s25+$0x0] =	vst.idx.msk $0xffff, v49  }
0x24a: {  	v47 =	vmov s31;
	v61 =	vld [tilespmem:s13+$0xFFFFFE30];
	v62 =	vadd.s32 v3, v33;
	v39 =	vbroadcast v39, $0x0;
	[tilespmem:v52+s25+$0x0] =	vst.idx.msk $0xffff, v51  }
0x24b: {  	v42 =	vshrl.u32 v47, $0x3;
	v63 =	vld [tilespmem:s13+$0xFFFFFE40];
	v33 =	vadd.s32 v4, v33;
	[tilespmem:v54+s25+$0x0] =	vst.idx.msk $0xffff, v53  }
0x24c: {  	v48 =	vld [tilespmem:s13+$0xFFFFFE50];
	v42 =	vshll.u32 v42, v1;
	v49 =	vadd.s32 v5, v39;
	[tilespmem:v44+s25+$0x0] =	vst.idx.msk $0xffff, v56  }
0x24d: {  	v50 =	vld [tilespmem:s13+$0xFFFFFE60];
	v42 =	vbroadcast v42, $0x0;
	v51 =	vadd.s32 v6, v39;
	[tilespmem:v58+s25+$0x0] =	vst.idx.msk $0xffff, v57  }
0x24e: {  	s16 =	sadd.s32 $0x3, s14;
	v52 =	vld [tilespmem:s13+$0xFFFFFE70];
	v53 =	vadd.s32 v7, v39;
	[tilespmem:v60+s25+$0x0] =	vst.idx.msk $0xffff, v59  }
0x24f: {  	v55 =	vmov s16;
	v56 =	vld [tilespmem:s13+$0xFFFFFE90];
	v57 =	vadd.s32 v9, v42;
	[tilespmem:v62+s25+$0x0] =	vst.idx.msk $0xffff, v61  }
0x250: {  	v54 =	vld [tilespmem:s13+$0xFFFFFE80];
	v39 =	vadd.s32 v8, v39;
	v44 =	vshrl.u32 v55, $0x3;
	[tilespmem:v33+s25+$0x0] =	vst.idx.msk $0xffff, v63  }
0x251: {  	v58 =	vld [tilespmem:s13+$0xFFFFFEA0];
	v59 =	vadd.s32 v10, v42;
	v44 =	vshll.u32 v44, v1;
	[tilespmem:v49+s25+$0x0] =	vst.idx.msk $0xffff, v48  }
0x252: {  	s17 =	sadd.s32 $0x4, s14;
	v60 =	vld [tilespmem:s13+$0xFFFFFEB0];
	v61 =	vadd.s32 v11, v42;
	v44 =	vbroadcast v44, $0x0;
	[tilespmem:v51+s25+$0x0] =	vst.idx.msk $0xffff, v50  }
0x253: {  	v62 =	vld [tilespmem:s13+$0xFFFFFEC0];
	v63 =	vadd.s32 v12, v42;
	v48 =	vmov s17;
	[tilespmem:v53+s25+$0x0] =	vst.idx.msk $0xffff, v52  }
0x254: {  	v49 =	vld [tilespmem:s13+$0xFFFFFED0];
	v50 =	vadd.s32 v13, v44;
	v42 =	vshrl.u32 v48, $0x3;
	[tilespmem:v57+s25+$0x0] =	vst.idx.msk $0xffff, v56  }
0x255: {  	s31 =	sadd.s32 $0x5, s14;
	v51 =	vld [tilespmem:s13+$0xFFFFFEE0];
	v52 =	vadd.s32 v14, v44;
	v42 =	vshll.u32 v42, v1;
	[tilespmem:v39+s25+$0x0] =	vst.idx.msk $0xffff, v54  }
0x256: {  	v53 =	vld [tilespmem:s13+$0xFFFFFEF0];
	v57 =	vmov s31;
	[tilespmem:v59+s25+$0x0] =	vst.idx.msk $0xffff, v58;
	v54 =	vadd.s32 v15, v44;
	v42 =	vbroadcast v42, $0x0  }
0x257: {  	v55 =	vld [tilespmem:s13+$0xFFFFFF00];
	v56 =	vadd.s32 v16, v44;
	v44 =	vshrl.u32 v57, $0x3;
	[tilespmem:v61+s25+$0x0] =	vst.idx.msk $0xffff, v60  }
0x258: {  	v58 =	vld [tilespmem:s13+$0xFFFFFF10];
	v44 =	vshll.u32 v44, v1;
	[tilespmem:v63+s25+$0x0] =	vst.idx.msk $0xffff, v62;
	v59 =	vadd.s32 v17, v42  }
0x259: {  	v60 =	vld [tilespmem:s13+$0xFFFFFF20];
	v61 =	vadd.s32 v18, v42;
	v44 =	vbroadcast v44, $0x0;
	[tilespmem:v50+s25+$0x0] =	vst.idx.msk $0xffff, v49  }
0x25a: {  	s16 =	sadd.s32 $0x6, s14;
	v62 =	vld [tilespmem:s13+$0xFFFFFF30];
	v63 =	vadd.s32 v19, v42;
	[tilespmem:v52+s25+$0x0] =	vst.idx.msk $0xffff, v51  }
0x25b: {  	v48 =	vmov s16;
	v49 =	vld [tilespmem:s13+$0xFFFFFF50];
	v50 =	vadd.s32 v21, v44;
	[tilespmem:v54+s25+$0x0] =	vst.idx.msk $0xffff, v53  }
0x25c: {  	v46 =	vld [tilespmem:s13+$0xFFFFFF40];
	v47 =	vadd.s32 v20, v42;
	v42 =	vshrl.u32 v48, $0x3;
	[tilespmem:v56+s25+$0x0] =	vst.idx.msk $0xffff, v55  }
0x25d: {  	v42 =	vshll.u32 v42, v1;
	v51 =	vld [tilespmem:s13+$0xFFFFFF60];
	v52 =	vadd.s32 v22, v44;
	[tilespmem:v59+s25+$0x0] =	vst.idx.msk $0xffff, v58  }
0x25e: {  	v42 =	vbroadcast v42, $0x0;
	v53 =	vld [tilespmem:s13+$0xFFFFFF70];
	v54 =	vadd.s32 v23, v44;
	[tilespmem:v61+s25+$0x0] =	vst.idx.msk $0xffff, v60  }
0x25f: {  	v55 =	vld [tilespmem:s13+$0xFFFFFF80];
	v56 =	vadd.s32 v24, v44;
	[tilespmem:v63+s25+$0x0] =	vst.idx.msk $0xffff, v62  }
0x260: {  	v57 =	vld [tilespmem:s13+$0xFFFFFF90];
	v58 =	vadd.s32 v25, v42;
	[tilespmem:v50+s25+$0x0] =	vst.idx.msk $0xffff, v49  }
0x261: {  	v59 =	vld [tilespmem:s13+$0xFFFFFFA0];
	v60 =	vadd.s32 v26, v42;
	[tilespmem:v47+s25+$0x0] =	vst.idx.msk $0xffff, v46  }
0x262: {  	v61 =	vld [tilespmem:s13+$0xFFFFFFB0];
	v62 =	vadd.s32 v27, v42;
	[tilespmem:v52+s25+$0x0] =	vst.idx.msk $0xffff, v51  }
0x263: {  	v63 =	vld [tilespmem:s13+$0xFFFFFFC0];
	v42 =	vadd.s32 v28, v42;
	[tilespmem:v54+s25+$0x0] =	vst.idx.msk $0xffff, v53  }
0x264: {  	[tilespmem:v56+s25+$0x0] =	vst.idx.msk $0xffff, v55  }
0x265: {  	s17 =	sshll.u32 s0, $0x7;
	[tilespmem:v58+s25+$0x0] =	vst.idx.msk $0xffff, v57  }
0x266: {  	s31 =	sshll.u32 s0, $0xA;
	s13 =	sand.u32 $0x3F80, s17;
	[tilespmem:v60+s25+$0x0] =	vst.idx.msk $0xffff, v59  }
0x267: {  	s0 =	sand.u32 $0xFFE0000, s31;
	s13 =	sadd.s32 s2, s13;
	[tilespmem:v62+s25+$0x0] =	vst.idx.msk $0xffff, v61  }
0x268: {  	s14 =	simm.s32 $0x16A00;
	s13 =	sadd.s32 s0, s13;
	[tilespmem:v42+s25+$0x0] =	vst.idx.msk $0xffff, v63  }
0x269: {  	[hbm4b:s13+s3] =	stream.linear.scatter [tilespmem:s14], [sflag:$0x2], $0x80, $0x38;
	[tilespmem:$0x1AE00] =	vst v63  }
0x26a: {  	s15 =	simm.s32 $0x16A88;
	s16 =	sadd.s32 $0x10, s13  }
0x26b: {  	[hbm4b:s16+s3] =	stream.linear.scatter [tilespmem:s15], [sflag:$0x2], $0x80, $0x38;
	[tilespmem:$0x1AE00] =	vst v63  }
0x26c: {  	s17 =	simm.s32 $0x16B10;
	s0 =	simm.s32 $0x440;
	s31 =	sadd.s32 $0x20, s13  }
0x26d: {  	[hbm4b:s31+s3] =	stream.linear.scatter [tilespmem:s17], [sflag:$0x2], $0x80, $0x38;
	[tilespmem:$0x1AE00] =	vst v63  }
0x26e: {  	s14 =	simm.s32 $0x2200;
	s15 =	simm.s32 $0x16B98;
	s16 =	sadd.s32 $0x30, s13  }
0x26f: {  	[hbm4b:s16+s3] =	stream.linear.scatter [tilespmem:s15], [sflag:$0x2], $0x80, $0x38;
	[tilespmem:$0x1AE00] =	vst v63  }
0x270: {  	s17 =	simm.s32 $0x16C20;
	s31 =	sadd.s32 $0x40, s13;
	s15 =	simm.s32 $0x16CA8  }
0x271: {  	[hbm4b:s31+s3] =	stream.linear.scatter [tilespmem:s17], [sflag:$0x2], $0x80, $0x38;
	[tilespmem:$0x1AE00] =	vst v63  }
0x272: {  	s16 =	sadd.s32 $0x50, s13;
	s17 =	simm.s32 $0x16D30;
	s31 =	sadd.s32 $0x60, s13  }
0x273: {  	[hbm4b:s16+s3] =	stream.linear.scatter [tilespmem:s15], [sflag:$0x2], $0x80, $0x38;
	[tilespmem:$0x1AE00] =	vst v63  }
0x274: {  	s15 =	simm.s32 $0x16DB8;
	s16 =	sadd.s32 $0x70, s13;
	s13 =	sadd.s32 $0x4000, s13  }
0x275: {  	[hbm4b:s31+s3] =	stream.linear.scatter [tilespmem:s17], [sflag:$0x2], $0x80, $0x38;
	[tilespmem:$0x1AE00] =	vst v63  }
.LBB2_17:
0x276: {  	[hbm4b:s16+s3] =	stream.linear.scatter [tilespmem:s15], [sflag:$0x2], $0x80, $0x38;
	[tilespmem:$0x1AE00] =	vst v63  }
0x277: {  	s15 =	smov.u32 s0;
	s0 =	smov.u32 s14  }
0x278: {  	s17 =	sadd.s32 $0x1100, s14;
	s0 =	sshra.s32 s0, $0x2;
	s16 =	sadd.s32 $0x16A00, s15  }
0x279: {  	[hbm4b:s13+s3] =	stream.linear.scatter [tilespmem:s16], [sflag:$0x2], $0x80, $0x38;
	[tilespmem:$0x1AE00] =	vst v63  }
0x27a: {  	p1 =	sne.s32 s14, $0x7700;
	s14 =	sadd.s32 $0x16A88, s15;
	s16 =	sadd.s32 $0x10, s13  }
0x27b: {  	[hbm4b:s16+s3] =	stream.linear.scatter [tilespmem:s14], [sflag:$0x2], $0x80, $0x38;
	[tilespmem:$0x1AE00] =	vst v63  }
0x27c: {  	s14 =	sadd.s32 $0x16B10, s15;
	s16 =	sadd.s32 $0x20, s13  }
0x27d: {  	[hbm4b:s16+s3] =	stream.linear.scatter [tilespmem:s14], [sflag:$0x2], $0x80, $0x38;
	[tilespmem:$0x1AE00] =	vst v63  }
0x27e: {  	s14 =	sadd.s32 $0x16B98, s15;
	s16 =	sadd.s32 $0x30, s13  }
0x27f: {  	[hbm4b:s16+s3] =	stream.linear.scatter [tilespmem:s14], [sflag:$0x2], $0x80, $0x38;
	[tilespmem:$0x1AE00] =	vst v63  }
0x280: {  	s14 =	sadd.s32 $0x16C20, s15;
	s16 =	sadd.s32 $0x40, s13  }
0x281: {  	[hbm4b:s16+s3] =	stream.linear.scatter [tilespmem:s14], [sflag:$0x2], $0x80, $0x38;
	[tilespmem:$0x1AE00] =	vst v63  }
.Ltmp7:
0x282: {  	s14 =	sadd.s32 $0x16CA8, s15;
	s16 =	sadd.s32 $0x50, s13;
	(pc) =	sbr.rel @p1 .LBB2_17-.Ltmp7, $4  }
0x283: {  	[hbm4b:s16+s3] =	stream.linear.scatter [tilespmem:s14], [sflag:$0x2], $0x80, $0x38;
	[tilespmem:$0x1AE00] =	vst v63  }
0x284: {  	s14 =	sadd.s32 $0x16D30, s15;
	s16 =	sadd.s32 $0x60, s13;
	s15 =	sadd.s32 $0x16DB8, s15  }
0x285: {  	[hbm4b:s16+s3] =	stream.linear.scatter [tilespmem:s14], [sflag:$0x2], $0x80, $0x38;
	[tilespmem:$0x1AE00] =	vst v63  }
0x286: {  	s16 =	sadd.s32 $0x70, s13;
	s13 =	sadd.s32 $0x4000, s13;
	s14 =	smov.u32 s17  }
0x287: {  	[hbm4b:s16+s3] =	stream.linear.scatter [tilespmem:s15], [sflag:$0x2], $0x80, $0x38;
	[tilespmem:$0x1AE00] =	vst v63  }
0x288: {  	s14 =	sadd.s32 $0x16A00, s0  }
0x289: {  	[hbm4b:s13+s3] =	stream.linear.scatter [tilespmem:s14], [sflag:$0x2], $0x80, $0x38;
	[tilespmem:$0x1AE00] =	vst v63  }
0x28a: {  	s15 =	sadd.s32 $0x16A88, s0;
	s16 =	sadd.s32 $0x10, s13  }
0x28b: {  	[hbm4b:s16+s3] =	stream.linear.scatter [tilespmem:s15], [sflag:$0x2], $0x80, $0x38;
	[tilespmem:$0x1AE00] =	vst v63  }
0x28c: {  	s17 =	sadd.s32 $0x16B10, s0;
	s31 =	sadd.s32 $0x20, s13  }
0x28d: {  	[hbm4b:s31+s3] =	stream.linear.scatter [tilespmem:s17], [sflag:$0x2], $0x80, $0x38;
	[tilespmem:$0x1AE00] =	vst v63  }
0x28e: {  	s15 =	sadd.s32 $0x16B98, s0;
	s16 =	sadd.s32 $0x30, s13  }
0x28f: {  	[hbm4b:s16+s3] =	stream.linear.scatter [tilespmem:s15], [sflag:$0x2], $0x80, $0x38;
	[tilespmem:$0x1AE00] =	vst v63  }
0x290: {  	s17 =	sadd.s32 $0x16C20, s0;
	s31 =	sadd.s32 $0x40, s13  }
0x291: {  	[hbm4b:s31+s3] =	stream.linear.scatter [tilespmem:s17], [sflag:$0x2], $0x80, $0x38;
	[tilespmem:$0x1AE00] =	vst v63  }
0x292: {  	s15 =	sadd.s32 $0x16CA8, s0;
	s16 =	sadd.s32 $0x50, s13  }
0x293: {  	[hbm4b:s16+s3] =	stream.linear.scatter [tilespmem:s15], [sflag:$0x2], $0x80, $0x38;
	[tilespmem:$0x1AE00] =	vst v63  }
0x294: {  	s17 =	sadd.s32 $0x16D30, s0;
	s31 =	sadd.s32 $0x60, s13  }
0x295: {  	[hbm4b:s31+s3] =	stream.linear.scatter [tilespmem:s17], [sflag:$0x2], $0x80, $0x38;
	[tilespmem:$0x1AE00] =	vst v63  }
0x296: {  	s14 =	sadd.s32 $0x16DB8, s0;
	s15 =	sadd.s32 $0x70, s13  }
0x297: {  	[hbm4b:s15+s3] =	stream.linear.scatter [tilespmem:s14], [sflag:$0x2], $0x80, $0x38;
	[tilespmem:$0x1AE00] =	vst v63  }
0x298: {  	_ =	swait.ge [sflag:s22], $0x2000  }
0x299: {  	s1 =	sadd.s32 @!p0 $0x400, s1;
	[sflag:s22] =	ssyncset.done $0x0  }
0x29a: {  	s13 =	simm.s32 @!p0 $0x80;
	s14 =	simm.s32 @!p0 $0xC400;
	[sflag:s22] =	ssyncadd.s32 $0xFFFFE000  }
0x29b: {  	[tilespmem:s14], [sflag:$0x1] =	stream.indirect.gather @!p0 [hbm4b:s5+s13], $0x40, s1, s13, $0xb8;
	[tilespmem:$0x1AE00] =	vst v63  }
0x29c: {  	_ =	swait.ge [sflag:s20], $0x2000  }
0x29d: {  	s16 =	simm.s32 $0x7;
	[sflag:s20] =	ssyncset.done $0x0  }
0x29e: {  	v33 =	vmov s16;
	s17 =	simm.s32 $0x0;
	s1 =	simm.s32 $0xE5F0;
	[sflag:s20] =	ssyncadd.s32 $0xFFFFE000  }
0x29f: {  	v33 =	vshrl.u32 v33, $0x3;
	s31 =	simm.s32 $0x1;
	v34 =	vmov s17;
	v35 =	vld [tilespmem:s1+$0xFFFFFFD0]  }
0x2a0: {  	v33 =	vshll.u32 v33, v1;
	v41 =	vmov s31;
	v34 =	vshrl.u32 v34, $0x3;
	v37 =	vld [tilespmem:s1+$0xFFFFFFE0]  }
0x2a1: {  	v33 =	vbroadcast v33, $0x0;
	v41 =	vshrl.u32 v41, $0x3;
	v34 =	vshll.u32 v34, v1;
	v39 =	vld [tilespmem:s1+$0xFFFFFFF0]  }
0x2a2: {  	v41 =	vshll.u32 v41, v1;
	v34 =	vbroadcast v34, $0x0;
	v42 =	vld [tilespmem:s1+$0x0]  }
0x2a3: {  	v36 =	vadd.s32 v29, v33;
	v41 =	vbroadcast v41, $0x0;
	v43 =	vld [tilespmem:s1+$0xFFFFFE10]  }
0x2a4: {  	v44 =	vadd.s32 v0, v34;
	v45 =	vld [tilespmem:s1+$0xFFFFFE20]  }
0x2a5: {  	v58 =	vadd.s32 v5, v41;
	v57 =	vld [tilespmem:s1+$0xFFFFFE50]  }
0x2a6: {  	v38 =	vadd.s32 v30, v33;
	v53 =	vld [tilespmem:s1+$0xFFFFFE30]  }
0x2a7: {  	v46 =	vadd.s32 v2, v34;
	v55 =	vld [tilespmem:s1+$0xFFFFFE40]  }
0x2a8: {  	v60 =	vadd.s32 v6, v41;
	v59 =	vld [tilespmem:s1+$0xFFFFFE60];
	[tilespmem:v36+s26+$0x0] =	vst.idx.msk $0xffff, v35  }
0x2a9: {  	v40 =	vadd.s32 v31, v33;
	s14 =	simm.s32 $0x3;
	v61 =	vld [tilespmem:s1+$0xFFFFFE70];
	[tilespmem:v44+s26+$0x0] =	vst.idx.msk $0xffff, v43  }
0x2aa: {  	v54 =	vadd.s32 v3, v34;
	v49 =	vmov s14;
	v63 =	vld [tilespmem:s1+$0xFFFFFE80];
	[tilespmem:v58+s26+$0x0] =	vst.idx.msk $0xffff, v57  }
0x2ab: {  	s13 =	simm.s32 $0x2;
	v62 =	vadd.s32 v7, v41;
	v48 =	vadd.s32 v8, v41;
	v41 =	vshrl.u32 v49, $0x3;
	[tilespmem:v38+s26+$0x0] =	vst.idx.msk $0xffff, v37  }
0x2ac: {  	v33 =	vadd.s32 v32, v33;
	v56 =	vmov s13;
	v41 =	vshll.u32 v41, v1;
	[tilespmem:v46+s26+$0x0] =	vst.idx.msk $0xffff, v45  }
0x2ad: {  	v34 =	vadd.s32 v4, v34;
	v50 =	vld [tilespmem:s1+$0xFFFFFE90];
	v41 =	vbroadcast v41, $0x0;
	v38 =	vshrl.u32 v56, $0x3;
	[tilespmem:v60+s26+$0x0] =	vst.idx.msk $0xffff, v59  }
0x2ae: {  	v52 =	vld [tilespmem:s1+$0xFFFFFEA0];
	[tilespmem:v40+s26+$0x0] =	vst.idx.msk $0xffff, v39;
	v38 =	vshll.u32 v38, v1  }
0x2af: {  	v58 =	vld [tilespmem:s1+$0xFFFFFED0];
	v59 =	vadd.s32 v13, v41;
	[tilespmem:v54+s26+$0x0] =	vst.idx.msk $0xffff, v53;
	v38 =	vbroadcast v38, $0x0  }
0x2b0: {  	v60 =	vld [tilespmem:s1+$0xFFFFFEE0];
	[tilespmem:v62+s26+$0x0] =	vst.idx.msk $0xffff, v61;
	v61 =	vadd.s32 v14, v41  }
0x2b1: {  	s15 =	simm.s32 $0x4;
	v56 =	vld [tilespmem:s1+$0xFFFFFEC0];
	[tilespmem:v33+s26+$0x0] =	vst.idx.msk $0xffff, v42;
	v51 =	vadd.s32 v9, v38  }
0x2b2: {  	v57 =	vmov s15;
	v54 =	vld [tilespmem:s1+$0xFFFFFEB0];
	[tilespmem:v34+s26+$0x0] =	vst.idx.msk $0xffff, v55;
	v53 =	vadd.s32 v10, v38  }
0x2b3: {  	v44 =	vshrl.u32 v57, $0x3;
	v62 =	vld [tilespmem:s1+$0xFFFFFEF0];
	[tilespmem:v48+s26+$0x0] =	vst.idx.msk $0xffff, v63;
	v55 =	vadd.s32 v11, v38  }
0x2b4: {  	v44 =	vshll.u32 v44, v1;
	v48 =	vld [tilespmem:s1+$0xFFFFFF00];
	v38 =	vadd.s32 v12, v38;
	[tilespmem:v59+s26+$0x0] =	vst.idx.msk $0xffff, v58  }
0x2b5: {  	s16 =	simm.s32 $0x5;
	v63 =	vadd.s32 v15, v41;
	v44 =	vbroadcast v44, $0x0;
	[tilespmem:v61+s26+$0x0] =	vst.idx.msk $0xffff, v60  }
0x2b6: {  	v49 =	vmov s16;
	v41 =	vadd.s32 v16, v41;
	[tilespmem:v51+s26+$0x0] =	vst.idx.msk $0xffff, v50  }
0x2b7: {  	v42 =	vshrl.u32 v49, $0x3;
	v50 =	vld [tilespmem:s1+$0xFFFFFF10];
	v51 =	vadd.s32 v17, v44;
	[tilespmem:v53+s26+$0x0] =	vst.idx.msk $0xffff, v52  }
0x2b8: {  	v52 =	vld [tilespmem:s1+$0xFFFFFF20];
	v53 =	vadd.s32 v18, v44;
	[tilespmem:v55+s26+$0x0] =	vst.idx.msk $0xffff, v54;
	v54 =	vshll.u32 v42, v1  }
0x2b9: {  	s17 =	simm.s32 $0x6;
	v55 =	vld [tilespmem:s1+$0xFFFFFF30];
	[tilespmem:v38+s26+$0x0] =	vst.idx.msk $0xffff, v56;
	v56 =	vadd.s32 v19, v44;
	v57 =	vbroadcast v54, $0x0  }
0x2ba: {  	v58 =	vld [tilespmem:s1+$0xFFFFFF40];
	v59 =	vmov s17;
	[tilespmem:v63+s26+$0x0] =	vst.idx.msk $0xffff, v62;
	v44 =	vadd.s32 v20, v44  }
0x2bb: {  	v60 =	vld [tilespmem:s1+$0xFFFFFF50];
	v61 =	vshrl.u32 v59, $0x3;
	[tilespmem:v41+s26+$0x0] =	vst.idx.msk $0xffff, v48;
	v47 =	vadd.s32 v21, v57  }
0x2bc: {  	v35 =	vld [tilespmem:s1+$0xFFFFFF60];
	v33 =	vshll.u32 v61, v1;
	[tilespmem:v51+s26+$0x0] =	vst.idx.msk $0xffff, v50;
	v43 =	vadd.s32 v22, v57  }
0x2bd: {  	s31 =	simm.s32 $0xF;
	v40 =	vld [tilespmem:s1+$0xFFFFFF70];
	v36 =	vbroadcast v33, $0x0;
	v42 =	vadd.s32 v23, v57;
	[tilespmem:v53+s26+$0x0] =	vst.idx.msk $0xffff, v52  }
0x2be: {  	v62 =	vmov s31;
	v33 =	vld [tilespmem:s1+$0xFFFFFF80];
	v37 =	vadd.s32 v24, v57;
	[tilespmem:v56+s26+$0x0] =	vst.idx.msk $0xffff, v55  }
0x2bf: {  	v34 =	vld [tilespmem:s1+$0xFFFFFF90];
	v63 =	vshrl.u32 v62, $0x3;
	v38 =	vadd.s32 v25, v36;
	[tilespmem:v44+s26+$0x0] =	vst.idx.msk $0xffff, v58  }
0x2c0: {  	s0 =	sadd.s32 s4, s30;
	s13 =	simm.s32 $0x8;
	s14 =	simm.s32 $0x10;
	v39 =	vld [tilespmem:s1+$0xFFFFFFA0];
	v41 =	vadd.s32 v26, v36;
	v44 =	vshll.u32 v63, v1;
	[tilespmem:v47+s26+$0x0] =	vst.idx.msk $0xffff, v60  }
.LBB2_19:
0x2c1: {  	p0 =	slt.u32 s14, $0x78;
	v44 =	vbroadcast v44, $0x0;
	[tilespmem:v43+s26+$0x0] =	vst.idx.msk $0xffff, v35;
	v35 =	vld [tilespmem:s1+$0xFFFFFFB0];
	v43 =	vadd.s32 v27, v36  }
0x2c2: {  	v45 =	vmov s13;
	v36 =	vadd.s32 v28, v36;
	[tilespmem:v42+s26+$0x0] =	vst.idx.msk $0xffff, v40;
	v40 =	vld [tilespmem:s1+$0xFFFFFFC0];
	s1 =	sadd.s32 $0x200, s1  }
0x2c3: {  	v42 =	vshrl.u32 v45, $0x3;
	v45 =	vld [tilespmem:s1+$0xFFFFFFD0];
	v46 =	vadd.s32 v29, v44;
	[tilespmem:v37+s26+$0x0] =	vst.idx.msk $0xffff, v33  }
0x2c4: {  	v33 =	vshll.u32 v42, v1;
	v42 =	vadd.s32 v30, v44;
	v37 =	vld [tilespmem:s1+$0xFFFFFFE0];
	[tilespmem:v38+s26+$0x0] =	vst.idx.msk $0xffff, v34  }
0x2c5: {  	s15 =	sadd.s32 $0x1, s13;
	v33 =	vbroadcast v33, $0x0;
	v38 =	vadd.s32 v31, v44;
	v34 =	vld [tilespmem:s1+$0xFFFFFFF0];
	[tilespmem:v41+s26+$0x0] =	vst.idx.msk $0xffff, v39  }
0x2c6: {  	v44 =	vadd.s32 v32, v44;
	v39 =	vmov s15;
	v41 =	vld [tilespmem:s1+$0x0];
	[tilespmem:v43+s26+$0x0] =	vst.idx.msk $0xffff, v35  }
0x2c7: {  	v43 =	vadd.s32 v0, v33;
	v39 =	vshrl.u32 v39, $0x3;
	v35 =	vld [tilespmem:s1+$0xFFFFFE10];
	[tilespmem:v36+s26+$0x0] =	vst.idx.msk $0xffff, v40  }
0x2c8: {  	v40 =	vadd.s32 v2, v33;
	v39 =	vshll.u32 v39, v1;
	v36 =	vld [tilespmem:s1+$0xFFFFFE20];
	[tilespmem:v46+s26+$0x0] =	vst.idx.msk $0xffff, v45  }
0x2c9: {  	s15 =	sadd.s32 $0x2, s13;
	v46 =	vadd.s32 v3, v33;
	v39 =	vbroadcast v39, $0x0;
	v45 =	vld [tilespmem:s1+$0xFFFFFE30];
	[tilespmem:v42+s26+$0x0] =	vst.idx.msk $0xffff, v37  }
0x2ca: {  	v33 =	vadd.s32 v4, v33;
	v42 =	vmov s15;
	v37 =	vld [tilespmem:s1+$0xFFFFFE40];
	[tilespmem:v38+s26+$0x0] =	vst.idx.msk $0xffff, v34  }
0x2cb: {  	v38 =	vadd.s32 v5, v39;
	v42 =	vshrl.u32 v42, $0x3;
	v34 =	vld [tilespmem:s1+$0xFFFFFE50];
	[tilespmem:v44+s26+$0x0] =	vst.idx.msk $0xffff, v41  }
0x2cc: {  	v41 =	vadd.s32 v6, v39;
	v42 =	vshll.u32 v42, v1;
	[tilespmem:v43+s26+$0x0] =	vst.idx.msk $0xffff, v35;
	v35 =	vld [tilespmem:s1+$0xFFFFFE60]  }
0x2cd: {  	s15 =	sadd.s32 $0x3, s13;
	v42 =	vbroadcast v42, $0x0;
	[tilespmem:v40+s26+$0x0] =	vst.idx.msk $0xffff, v36;
	v36 =	vld [tilespmem:s1+$0xFFFFFE70];
	v40 =	vadd.s32 v7, v39  }
0x2ce: {  	v44 =	vmov s15;
	v39 =	vadd.s32 v8, v39;
	[tilespmem:v46+s26+$0x0] =	vst.idx.msk $0xffff, v45;
	v43 =	vld [tilespmem:s1+$0xFFFFFE80]  }
0x2cf: {  	v44 =	vshrl.u32 v44, $0x3;
	[tilespmem:v33+s26+$0x0] =	vst.idx.msk $0xffff, v37;
	v33 =	vld [tilespmem:s1+$0xFFFFFE90];
	v37 =	vadd.s32 v9, v42  }
0x2d0: {  	v44 =	vshll.u32 v44, v1;
	[tilespmem:v38+s26+$0x0] =	vst.idx.msk $0xffff, v34;
	v34 =	vld [tilespmem:s1+$0xFFFFFEA0];
	v38 =	vadd.s32 v10, v42  }
0x2d1: {  	s15 =	sadd.s32 $0x4, s13;
	v44 =	vbroadcast v44, $0x0;
	[tilespmem:v41+s26+$0x0] =	vst.idx.msk $0xffff, v35;
	v35 =	vld [tilespmem:s1+$0xFFFFFEB0];
	v41 =	vadd.s32 v11, v42  }
0x2d2: {  	[tilespmem:v40+s26+$0x0] =	vst.idx.msk $0xffff, v36;
	v36 =	vld [tilespmem:s1+$0xFFFFFEC0];
	v40 =	vadd.s32 v12, v42;
	v42 =	vmov s15  }
0x2d3: {  	[tilespmem:v39+s26+$0x0] =	vst.idx.msk $0xffff, v43;
	v39 =	vld [tilespmem:s1+$0xFFFFFED0];
	v43 =	vadd.s32 v13, v44;
	v42 =	vshrl.u32 v42, $0x3  }
0x2d4: {  	[tilespmem:v37+s26+$0x0] =	vst.idx.msk $0xffff, v33;
	v33 =	vld [tilespmem:s1+$0xFFFFFEE0];
	v37 =	vadd.s32 v14, v44;
	v42 =	vshll.u32 v42, v1  }
0x2d5: {  	s15 =	sadd.s32 $0x5, s13;
	[tilespmem:v38+s26+$0x0] =	vst.idx.msk $0xffff, v34;
	v34 =	vld [tilespmem:s1+$0xFFFFFEF0];
	v38 =	vadd.s32 v15, v44;
	v42 =	vbroadcast v42, $0x0  }
0x2d6: {  	[tilespmem:v41+s26+$0x0] =	vst.idx.msk $0xffff, v35;
	v35 =	vld [tilespmem:s1+$0xFFFFFF00];
	v41 =	vadd.s32 v16, v44;
	v44 =	vmov s15  }
0x2d7: {  	[tilespmem:v40+s26+$0x0] =	vst.idx.msk $0xffff, v36;
	v36 =	vld [tilespmem:s1+$0xFFFFFF10];
	v40 =	vadd.s32 v17, v42;
	v44 =	vshrl.u32 v44, $0x3  }
0x2d8: {  	v45 =	vadd.s32 v18, v42;
	[tilespmem:v43+s26+$0x0] =	vst.idx.msk $0xffff, v39;
	v39 =	vld [tilespmem:s1+$0xFFFFFF20];
	v43 =	vshll.u32 v44, v1  }
0x2d9: {  	s15 =	sadd.s32 $0x6, s13;
	s13 =	smov.u32 s14;
	[tilespmem:v37+s26+$0x0] =	vst.idx.msk $0xffff, v33;
	v33 =	vld [tilespmem:s1+$0xFFFFFF30];
	v37 =	vadd.s32 v19, v42;
	v44 =	vbroadcast v43, $0x0  }
0x2da: {  	[tilespmem:v38+s26+$0x0] =	vst.idx.msk $0xffff, v34;
	v34 =	vld [tilespmem:s1+$0xFFFFFF40];
	v38 =	vadd.s32 v20, v42;
	v42 =	vmov s15  }
0x2db: {  	[tilespmem:v41+s26+$0x0] =	vst.idx.msk $0xffff, v35;
	v41 =	vld [tilespmem:s1+$0xFFFFFF50];
	v46 =	vadd.s32 v21, v44;
	v42 =	vshrl.u32 v42, $0x3  }
.Ltmp8:
0x2dc: {  	v43 =	vadd.s32 v22, v44;
	[tilespmem:v40+s26+$0x0] =	vst.idx.msk $0xffff, v36;
	v35 =	vld [tilespmem:s1+$0xFFFFFF60];
	v36 =	vshll.u32 v42, v1;
	(pc) =	sbr.rel @p0 .LBB2_19-.Ltmp8, $4  }
0x2dd: {  	s15 =	sadd.s32 $0x7, s14;
	v42 =	vadd.s32 v23, v44;
	[tilespmem:v45+s26+$0x0] =	vst.idx.msk $0xffff, v39;
	v40 =	vld [tilespmem:s1+$0xFFFFFF70];
	v36 =	vbroadcast v36, $0x0  }
0x2de: {  	v39 =	vmov s15;
	[tilespmem:v37+s26+$0x0] =	vst.idx.msk $0xffff, v33;
	v33 =	vld [tilespmem:s1+$0xFFFFFF80];
	v37 =	vadd.s32 v24, v44  }
0x2df: {  	v39 =	vshrl.u32 v39, $0x3;
	[tilespmem:v38+s26+$0x0] =	vst.idx.msk $0xffff, v34;
	v34 =	vld [tilespmem:s1+$0xFFFFFF90];
	v38 =	vadd.s32 v25, v36  }
0x2e0: {  	s14 =	sadd.s32 $0x8, s14;
	v44 =	vshll.u32 v39, v1;
	[tilespmem:v46+s26+$0x0] =	vst.idx.msk $0xffff, v41;
	v39 =	vld [tilespmem:s1+$0xFFFFFFA0];
	v41 =	vadd.s32 v26, v36  }
0x2e1: {  	_ =	sdelay $0x3  }
0x2e2: {  	v44 =	vbroadcast v44, $0x0;
	[tilespmem:v43+s26+$0x0] =	vst.idx.msk $0xffff, v35;
	v60 =	vld [tilespmem:s1+$0xFFFFFFB0];
	v61 =	vadd.s32 v27, v36  }
0x2e3: {  	v45 =	vmov s13;
	v62 =	vld [tilespmem:s1+$0xFFFFFFC0];
	v63 =	vadd.s32 v28, v36;
	s1 =	sadd.s32 $0x200, s1;
	[tilespmem:v42+s26+$0x0] =	vst.idx.msk $0xffff, v40  }
0x2e4: {  	v48 =	vshrl.u32 v45, $0x3;
	v49 =	vld [tilespmem:s1+$0xFFFFFFD0];
	v46 =	vadd.s32 v29, v44;
	[tilespmem:v37+s26+$0x0] =	vst.idx.msk $0xffff, v33  }
0x2e5: {  	v51 =	vld [tilespmem:s1+$0xFFFFFFE0];
	v50 =	vshll.u32 v48, v1;
	v52 =	vadd.s32 v30, v44;
	[tilespmem:v38+s26+$0x0] =	vst.idx.msk $0xffff, v34  }
0x2e6: {  	s14 =	sadd.s32 $0x1, s13;
	v53 =	vld [tilespmem:s1+$0xFFFFFFF0];
	v54 =	vadd.s32 v31, v44;
	v33 =	vbroadcast v50, $0x0;
	[tilespmem:v41+s26+$0x0] =	vst.idx.msk $0xffff, v39  }
0x2e7: {  	v55 =	vmov s14;
	v56 =	vld [tilespmem:s1+$0x0];
	v44 =	vadd.s32 v32, v44;
	[tilespmem:v61+s26+$0x0] =	vst.idx.msk $0xffff, v60  }
0x2e8: {  	v57 =	vld [tilespmem:s1+$0xFFFFFE10];
	v39 =	vshrl.u32 v55, $0x3;
	v58 =	vadd.s32 v0, v33;
	[tilespmem:v63+s26+$0x0] =	vst.idx.msk $0xffff, v62  }
0x2e9: {  	s30 =	sadd.s32 $0x2, s13;
	v59 =	vld [tilespmem:s1+$0xFFFFFE20];
	v60 =	vadd.s32 v2, v33;
	v39 =	vshll.u32 v39, v1;
	[tilespmem:v46+s26+$0x0] =	vst.idx.msk $0xffff, v49  }
0x2ea: {  	v47 =	vmov s30;
	v61 =	vld [tilespmem:s1+$0xFFFFFE30];
	v62 =	vadd.s32 v3, v33;
	v39 =	vbroadcast v39, $0x0;
	[tilespmem:v52+s26+$0x0] =	vst.idx.msk $0xffff, v51  }
0x2eb: {  	v42 =	vshrl.u32 v47, $0x3;
	v63 =	vld [tilespmem:s1+$0xFFFFFE40];
	v33 =	vadd.s32 v4, v33;
	[tilespmem:v54+s26+$0x0] =	vst.idx.msk $0xffff, v53  }
0x2ec: {  	v48 =	vld [tilespmem:s1+$0xFFFFFE50];
	v42 =	vshll.u32 v42, v1;
	v49 =	vadd.s32 v5, v39;
	[tilespmem:v44+s26+$0x0] =	vst.idx.msk $0xffff, v56  }
0x2ed: {  	v50 =	vld [tilespmem:s1+$0xFFFFFE60];
	v42 =	vbroadcast v42, $0x0;
	v51 =	vadd.s32 v6, v39;
	[tilespmem:v58+s26+$0x0] =	vst.idx.msk $0xffff, v57  }
0x2ee: {  	s31 =	sadd.s32 $0x3, s13;
	v52 =	vld [tilespmem:s1+$0xFFFFFE70];
	v53 =	vadd.s32 v7, v39;
	[tilespmem:v60+s26+$0x0] =	vst.idx.msk $0xffff, v59  }
0x2ef: {  	v55 =	vmov s31;
	v56 =	vld [tilespmem:s1+$0xFFFFFE90];
	v57 =	vadd.s32 v9, v42;
	[tilespmem:v62+s26+$0x0] =	vst.idx.msk $0xffff, v61  }
0x2f0: {  	v54 =	vld [tilespmem:s1+$0xFFFFFE80];
	v39 =	vadd.s32 v8, v39;
	v44 =	vshrl.u32 v55, $0x3;
	[tilespmem:v33+s26+$0x0] =	vst.idx.msk $0xffff, v63  }
0x2f1: {  	v58 =	vld [tilespmem:s1+$0xFFFFFEA0];
	v59 =	vadd.s32 v10, v42;
	v44 =	vshll.u32 v44, v1;
	[tilespmem:v49+s26+$0x0] =	vst.idx.msk $0xffff, v48  }
0x2f2: {  	s15 =	sadd.s32 $0x4, s13;
	v60 =	vld [tilespmem:s1+$0xFFFFFEB0];
	v61 =	vadd.s32 v11, v42;
	v44 =	vbroadcast v44, $0x0;
	[tilespmem:v51+s26+$0x0] =	vst.idx.msk $0xffff, v50  }
0x2f3: {  	v62 =	vld [tilespmem:s1+$0xFFFFFEC0];
	v63 =	vadd.s32 v12, v42;
	v48 =	vmov s15;
	[tilespmem:v53+s26+$0x0] =	vst.idx.msk $0xffff, v52  }
0x2f4: {  	v49 =	vld [tilespmem:s1+$0xFFFFFED0];
	v50 =	vadd.s32 v13, v44;
	v42 =	vshrl.u32 v48, $0x3;
	[tilespmem:v57+s26+$0x0] =	vst.idx.msk $0xffff, v56  }
0x2f5: {  	s16 =	sadd.s32 $0x5, s13;
	v51 =	vld [tilespmem:s1+$0xFFFFFEE0];
	v52 =	vadd.s32 v14, v44;
	v42 =	vshll.u32 v42, v1;
	[tilespmem:v39+s26+$0x0] =	vst.idx.msk $0xffff, v54  }
0x2f6: {  	v53 =	vld [tilespmem:s1+$0xFFFFFEF0];
	v57 =	vmov s16;
	[tilespmem:v59+s26+$0x0] =	vst.idx.msk $0xffff, v58;
	v54 =	vadd.s32 v15, v44;
	v42 =	vbroadcast v42, $0x0  }
0x2f7: {  	v55 =	vld [tilespmem:s1+$0xFFFFFF00];
	v56 =	vadd.s32 v16, v44;
	v44 =	vshrl.u32 v57, $0x3;
	[tilespmem:v61+s26+$0x0] =	vst.idx.msk $0xffff, v60  }
0x2f8: {  	v58 =	vld [tilespmem:s1+$0xFFFFFF10];
	v44 =	vshll.u32 v44, v1;
	[tilespmem:v63+s26+$0x0] =	vst.idx.msk $0xffff, v62;
	v59 =	vadd.s32 v17, v42  }
0x2f9: {  	v60 =	vld [tilespmem:s1+$0xFFFFFF20];
	v61 =	vadd.s32 v18, v42;
	v44 =	vbroadcast v44, $0x0;
	[tilespmem:v50+s26+$0x0] =	vst.idx.msk $0xffff, v49  }
0x2fa: {  	s17 =	sadd.s32 $0x6, s13;
	v62 =	vld [tilespmem:s1+$0xFFFFFF30];
	v63 =	vadd.s32 v19, v42;
	[tilespmem:v52+s26+$0x0] =	vst.idx.msk $0xffff, v51  }
0x2fb: {  	v48 =	vmov s17;
	v49 =	vld [tilespmem:s1+$0xFFFFFF50];
	v50 =	vadd.s32 v21, v44;
	[tilespmem:v54+s26+$0x0] =	vst.idx.msk $0xffff, v53  }
0x2fc: {  	v46 =	vld [tilespmem:s1+$0xFFFFFF40];
	v47 =	vadd.s32 v20, v42;
	v42 =	vshrl.u32 v48, $0x3;
	[tilespmem:v56+s26+$0x0] =	vst.idx.msk $0xffff, v55  }
0x2fd: {  	v42 =	vshll.u32 v42, v1;
	v51 =	vld [tilespmem:s1+$0xFFFFFF60];
	v52 =	vadd.s32 v22, v44;
	[tilespmem:v59+s26+$0x0] =	vst.idx.msk $0xffff, v58  }
0x2fe: {  	v42 =	vbroadcast v42, $0x0;
	v53 =	vld [tilespmem:s1+$0xFFFFFF70];
	v54 =	vadd.s32 v23, v44;
	[tilespmem:v61+s26+$0x0] =	vst.idx.msk $0xffff, v60  }
0x2ff: {  	v55 =	vld [tilespmem:s1+$0xFFFFFF80];
	v56 =	vadd.s32 v24, v44;
	[tilespmem:v63+s26+$0x0] =	vst.idx.msk $0xffff, v62  }
0x300: {  	v57 =	vld [tilespmem:s1+$0xFFFFFF90];
	v58 =	vadd.s32 v25, v42;
	[tilespmem:v50+s26+$0x0] =	vst.idx.msk $0xffff, v49  }
0x301: {  	v59 =	vld [tilespmem:s1+$0xFFFFFFA0];
	v60 =	vadd.s32 v26, v42;
	[tilespmem:v47+s26+$0x0] =	vst.idx.msk $0xffff, v46  }
0x302: {  	v61 =	vld [tilespmem:s1+$0xFFFFFFB0];
	v62 =	vadd.s32 v27, v42;
	[tilespmem:v52+s26+$0x0] =	vst.idx.msk $0xffff, v51  }
0x303: {  	v63 =	vld [tilespmem:s1+$0xFFFFFFC0];
	v42 =	vadd.s32 v28, v42;
	[tilespmem:v54+s26+$0x0] =	vst.idx.msk $0xffff, v53  }
0x304: {  	[tilespmem:v56+s26+$0x0] =	vst.idx.msk $0xffff, v55  }
0x305: {  	s30 =	sshll.u32 s0, $0x7;
	[tilespmem:v58+s26+$0x0] =	vst.idx.msk $0xffff, v57  }
0x306: {  	s31 =	sshll.u32 s0, $0xA;
	s1 =	sand.u32 $0x3F80, s30;
	[tilespmem:v60+s26+$0x0] =	vst.idx.msk $0xffff, v59  }
0x307: {  	s0 =	sand.u32 $0xFFE0000, s31;
	s1 =	sadd.s32 s2, s1;
	[tilespmem:v62+s26+$0x0] =	vst.idx.msk $0xffff, v61  }
0x308: {  	s13 =	simm.s32 $0x18C00;
	s1 =	sadd.s32 s0, s1;
	[tilespmem:v42+s26+$0x0] =	vst.idx.msk $0xffff, v63  }
0x309: {  	[hbm4b:s1+s3] =	stream.linear.scatter [tilespmem:s13], [sflag:$0x2], $0x80, $0x38;
	[tilespmem:$0x1AE00] =	vst v63  }
0x30a: {  	s14 =	simm.s32 $0x18C88;
	s15 =	sadd.s32 $0x10, s1  }
0x30b: {  	[hbm4b:s15+s3] =	stream.linear.scatter [tilespmem:s14], [sflag:$0x2], $0x80, $0x38;
	[tilespmem:$0x1AE00] =	vst v63  }
0x30c: {  	s16 =	simm.s32 $0x18D10;
	s30 =	simm.s32 $0x18D98;
	s17 =	sadd.s32 $0x20, s1  }
0x30d: {  	[hbm4b:s17+s3] =	stream.linear.scatter [tilespmem:s16], [sflag:$0x2], $0x80, $0x38;
	[tilespmem:$0x1AE00] =	vst v63  }
0x30e: {  	s0 =	simm.s32 $0x440;
	s31 =	sadd.s32 $0x30, s1;
	s13 =	simm.s32 $0x2200  }
0x30f: {  	[hbm4b:s31+s3] =	stream.linear.scatter [tilespmem:s30], [sflag:$0x2], $0x80, $0x38;
	[tilespmem:$0x1AE00] =	vst v63  }
0x310: {  	s14 =	simm.s32 $0x18E20;
	s15 =	sadd.s32 $0x40, s1;
	s16 =	simm.s32 $0x18EA8  }
0x311: {  	[hbm4b:s15+s3] =	stream.linear.scatter [tilespmem:s14], [sflag:$0x2], $0x80, $0x38;
	[tilespmem:$0x1AE00] =	vst v63  }
0x312: {  	s17 =	sadd.s32 $0x50, s1;
	s30 =	simm.s32 $0x18F30;
	s31 =	sadd.s32 $0x60, s1  }
0x313: {  	[hbm4b:s17+s3] =	stream.linear.scatter [tilespmem:s16], [sflag:$0x2], $0x80, $0x38;
	[tilespmem:$0x1AE00] =	vst v63  }
0x314: {  	s14 =	simm.s32 $0x18FB8;
	s15 =	sadd.s32 $0x70, s1;
	s1 =	sadd.s32 $0x4000, s1  }
0x315: {  	[hbm4b:s31+s3] =	stream.linear.scatter [tilespmem:s30], [sflag:$0x2], $0x80, $0x38;
	[tilespmem:$0x1AE00] =	vst v63  }
.LBB2_21:
0x316: {  	[hbm4b:s15+s3] =	stream.linear.scatter [tilespmem:s14], [sflag:$0x2], $0x80, $0x38;
	[tilespmem:$0x1AE00] =	vst v63  }
0x317: {  	s14 =	smov.u32 s0;
	s0 =	smov.u32 s13  }
0x318: {  	s16 =	sadd.s32 $0x1100, s13;
	s0 =	sshra.s32 s0, $0x2;
	s15 =	sadd.s32 $0x18C00, s14  }
0x319: {  	[hbm4b:s1+s3] =	stream.linear.scatter [tilespmem:s15], [sflag:$0x2], $0x80, $0x38;
	[tilespmem:$0x1AE00] =	vst v63  }
0x31a: {  	p0 =	sne.s32 s13, $0x7700;
	s13 =	sadd.s32 $0x18C88, s14;
	s15 =	sadd.s32 $0x10, s1  }
0x31b: {  	[hbm4b:s15+s3] =	stream.linear.scatter [tilespmem:s13], [sflag:$0x2], $0x80, $0x38;
	[tilespmem:$0x1AE00] =	vst v63  }
0x31c: {  	s13 =	sadd.s32 $0x18D10, s14;
	s15 =	sadd.s32 $0x20, s1  }
0x31d: {  	[hbm4b:s15+s3] =	stream.linear.scatter [tilespmem:s13], [sflag:$0x2], $0x80, $0x38;
	[tilespmem:$0x1AE00] =	vst v63  }
0x31e: {  	s13 =	sadd.s32 $0x18D98, s14;
	s15 =	sadd.s32 $0x30, s1  }
0x31f: {  	[hbm4b:s15+s3] =	stream.linear.scatter [tilespmem:s13], [sflag:$0x2], $0x80, $0x38;
	[tilespmem:$0x1AE00] =	vst v63  }
0x320: {  	s13 =	sadd.s32 $0x18E20, s14;
	s15 =	sadd.s32 $0x40, s1  }
0x321: {  	[hbm4b:s15+s3] =	stream.linear.scatter [tilespmem:s13], [sflag:$0x2], $0x80, $0x38;
	[tilespmem:$0x1AE00] =	vst v63  }
.Ltmp9:
0x322: {  	s13 =	sadd.s32 $0x18EA8, s14;
	s15 =	sadd.s32 $0x50, s1;
	(pc) =	sbr.rel @p0 .LBB2_21-.Ltmp9, $4  }
0x323: {  	[hbm4b:s15+s3] =	stream.linear.scatter [tilespmem:s13], [sflag:$0x2], $0x80, $0x38;
	[tilespmem:$0x1AE00] =	vst v63  }
0x324: {  	s13 =	sadd.s32 $0x18F30, s14;
	s15 =	sadd.s32 $0x60, s1;
	s14 =	sadd.s32 $0x18FB8, s14  }
0x325: {  	[hbm4b:s15+s3] =	stream.linear.scatter [tilespmem:s13], [sflag:$0x2], $0x80, $0x38;
	[tilespmem:$0x1AE00] =	vst v63  }
0x326: {  	s15 =	sadd.s32 $0x70, s1;
	s1 =	sadd.s32 $0x4000, s1;
	s13 =	smov.u32 s16  }
0x327: {  	[hbm4b:s15+s3] =	stream.linear.scatter [tilespmem:s14], [sflag:$0x2], $0x80, $0x38;
	[tilespmem:$0x1AE00] =	vst v63  }
0x328: {  	s13 =	sadd.s32 $0x18C00, s0  }
0x329: {  	[hbm4b:s1+s3] =	stream.linear.scatter [tilespmem:s13], [sflag:$0x2], $0x80, $0x38;
	[tilespmem:$0x1AE00] =	vst v63  }
0x32a: {  	s30 =	sadd.s32 $0x18C88, s0;
	s31 =	sadd.s32 $0x10, s1  }
0x32b: {  	[hbm4b:s31+s3] =	stream.linear.scatter [tilespmem:s30], [sflag:$0x2], $0x80, $0x38;
	[tilespmem:$0x1AE00] =	vst v63  }
0x32c: {  	s14 =	sadd.s32 $0x18D10, s0;
	s15 =	sadd.s32 $0x20, s1  }
0x32d: {  	[hbm4b:s15+s3] =	stream.linear.scatter [tilespmem:s14], [sflag:$0x2], $0x80, $0x38;
	[tilespmem:$0x1AE00] =	vst v63  }
0x32e: {  	s16 =	sadd.s32 $0x18D98, s0;
	s17 =	sadd.s32 $0x30, s1  }
0x32f: {  	[hbm4b:s17+s3] =	stream.linear.scatter [tilespmem:s16], [sflag:$0x2], $0x80, $0x38;
	[tilespmem:$0x1AE00] =	vst v63  }
0x330: {  	s29 =	sadd.s32 $0x1, s29;
	s30 =	sadd.s32 $0x18E20, s0;
	s31 =	sadd.s32 $0x40, s1  }
0x331: {  	[hbm4b:s31+s3] =	stream.linear.scatter [tilespmem:s30], [sflag:$0x2], $0x80, $0x38;
	[tilespmem:$0x1AE00] =	vst v63  }
0x332: {  	p0 =	sne.s32 s29, $0x28;
	s14 =	sadd.s32 $0x18EA8, s0;
	s15 =	sadd.s32 $0x50, s1  }
0x333: {  	[hbm4b:s15+s3] =	stream.linear.scatter [tilespmem:s14], [sflag:$0x2], $0x80, $0x38;
	[tilespmem:$0x1AE00] =	vst v63  }
.Ltmp10:
0x334: {  	_ = 	snop;
	(pc) =	sbr.rel @p0 .LBB2_2-.Ltmp10, $4  }
0x335: {  	s16 =	sadd.s32 $0x18F30, s0;
	s17 =	sadd.s32 $0x60, s1  }
0x336: {  	[hbm4b:s17+s3] =	stream.linear.scatter [tilespmem:s16], [sflag:$0x2], $0x80, $0x38;
	[tilespmem:$0x1AE00] =	vst v63  }
0x337: {  	s30 =	sadd.s32 $0x18FB8, s0;
	s31 =	sadd.s32 $0x70, s1  }
0x338: {  	[hbm4b:s31+s3] =	stream.linear.scatter [tilespmem:s30], [sflag:$0x2], $0x80, $0x38;
	[tilespmem:$0x1AE00] =	vst v63  }
0x339: {  	s28 =	sadd.s32 $0x1, s28  }
0x33a: {  	p0 =	sne.s32 s28, s10  }
.Ltmp11:
0x33b: {  	_ = 	snop;
	(pc) =	sbr.rel @p0 .LBB2_1-.Ltmp11, $4  }
0x33c: {  	_ = 	snop  }
0x33d: {  	_ =	swait.ge [sflag:s22], $0x2000  }
0x33e: {  	[sflag:s22] =	ssyncset.done $0x0  }
0x33f: {  	[sflag:s22] =	ssyncadd.s32 $0xFFFFE000  }
0x340: {  	_ =	sfence.sel $0x180000  }
0x341: {  	[bflag:$0x0] =	sbarrier.arrive $0xFFFF  }
0x342: {  	_ =	strace $0x90000047  }
0x343: {  	s0 =	stileid.u32;
	[bflag:$0x2] =	sbarrier.arrive $0xFFFF  }
0x344: {  	p0 =	sne.s32 s0, $0x0;
	s0 =	rddreg [dreg:$0x2]  }
0x345: {  	s0 =	sadd.s32 @!p0 $0x100000, s0  }
0x346: {  	[sflag:s0] =	ssyncadd.tile.s32 @!p0 $0x1;
	_ =	shalt  }
.Lfunc_end2:
_tile_overlayer_lowered:
.L_overlay_start_2:
0x347: {  	(tag) =	ssettag $0x2  }
0x348: {  	s0 =	rddreg [dreg:$0x0];
	s2 =	stileid.u32  }
0x349: {  	s1 =	rddreg [dreg:$0x1];
	p0 =	sne.s32 s2, $0x0  }
0x34a: {  	s3 =	rddreg [dreg:$0x2];
	[bflag:$0x3] =	sbarrier.arrive $0xFFFF;
	s2 =	simm.s32 @!p0 $0x1C03  }
0x34b: {  	[timem:s3], [sflag:s2] =	dma.local @!p0 [hbm:s0], s1  }
0x34c: {  	s0 =	simm.s32 @!p0 $0x3  }
0x34d: {  	_ =	swait.ge @!p0 [sflag:s0], s1  }
0x34e: {  	s1 =	ssub.s32 @!p0 $0x0, s1;
	[sflag:s0] =	ssyncset.done @!p0 $0x0  }
0x34f: {  	[sflag:s0] =	ssyncadd.s32 @!p0 s1  }
0x350: {  	[bflag:$0x3] =	sbarrier.arrive $0xFFFF  }
0x351: {  	_ =	shalt  }

</sc_bundles>
